<compile_context>
chip_gen: v7x
topology: tpu7x:2x2x1
jax: 0.10.2.dev20260603
libtpu: 0.0.44.dev20260713+nightly
codegen_flags: <defaults>
</compile_context>

<pallas_src>
import jax
import jax.numpy as jnp
from jax import lax
from jax.experimental import pallas as pl
from jax.experimental.pallas import tpu as pltpu
from jax.experimental.pallas import tpu_sc as plsc

N = 16777216
KK = 64
LANES = 16
NUM_WORKERS = 32
PER_WORKER = N // NUM_WORKERS
CHUNK = 16384
NCHUNKS = PER_WORKER // CHUNK
UNROLL = 4
INNER = CHUNK // (LANES * UNROLL)


def _sc_body(h_hbm, thr_hbm, out_hbm, thr_v,
             in_v0, in_v1, out_v0, out_v1,
             isem0, isem1, osem0, osem1):
    wid = lax.axis_index("s") * 2 + lax.axis_index("c")
    pltpu.sync_copy(thr_hbm, thr_v)
    in_bufs = (in_v0, in_v1)
    out_bufs = (out_v0, out_v1)
    isems = (isem0, isem1)
    osems = (osem0, osem1)
    wbase = wid * PER_WORKER

    def splat(j):
        return thr_v[pl.ds(j * LANES, LANES)]

    r31, r15, r47 = splat(31), splat(15), splat(47)
    lane = jax.lax.iota(jnp.int32, LANES)

    def in_copy(g, b):
        return pltpu.make_async_copy(
            h_hbm.at[pl.ds(wbase + g * CHUNK, CHUNK)], in_bufs[b], isems[b])

    def out_copy(g, b):
        return pltpu.make_async_copy(
            out_bufs[b], out_hbm.at[pl.ds(wbase + g * CHUNK, CHUNK)], osems[b])

    in_copy(0, 0).start()
    in_copy(1, 1).start()

    def compute(in_v, out_v):
        @plsc.parallel_loop(0, INNER, unroll=1)
        def inner(i):
            offs = i * (LANES * UNROLL)
            for u in range(UNROLL):
                v = in_v[pl.ds(offs + u * LANES, LANES)]
                c1 = r31 < v
                pos = jnp.where(c1, 32 * LANES, 0) | lane
                t = jnp.where(c1, r47, r15)
                c2 = t < v
                pos = pos | jnp.where(c2, 16 * LANES, 0)
                for step in (8, 4, 2, 1):
                    t = plsc.load_gather(thr_v, [pos | ((step - 1) * LANES)])
                    pos = pos | jnp.where(t < v, step * LANES, 0)
                t = plsc.load_gather(thr_v, [pos])
                cnt = (pos >> 4) + jnp.where(t < v, 1, 0)
                out_v[pl.ds(offs + u * LANES, LANES)] = (
                    cnt.astype(jnp.float32) * (1.0 / KK))

    def pair_body(p, _):
        for b in (0, 1):
            g = 2 * p + b
            in_copy(g, b).wait()

            @pl.when(g >= 2)
            def _():
                out_copy(g - 2, b).wait()

            compute(in_bufs[b], out_bufs[b])
            out_copy(g, b).start()

            @pl.when(g + 2 < NCHUNKS)
            def _():
                in_copy(g + 2, b).start()

        return 0

    lax.fori_loop(0, NCHUNKS // 2, pair_body, 0)
    out_copy(NCHUNKS - 2, 0).wait()
    out_copy(NCHUNKS - 1, 1).wait()


@jax.jit
def _spray_bank_sc(h_scaled, thr_row):
    f = pl.kernel(
        _sc_body,
        out_type=jax.ShapeDtypeStruct((N,), jnp.float32),
        mesh=plsc.VectorSubcoreMesh(core_axis_name="c", subcore_axis_name="s"),
        scratch_types=[
            pltpu.VMEM((KK * LANES,), jnp.float32),
            pltpu.VMEM((CHUNK,), jnp.float32),
            pltpu.VMEM((CHUNK,), jnp.float32),
            pltpu.VMEM((CHUNK,), jnp.float32),
            pltpu.VMEM((CHUNK,), jnp.float32),
            pltpu.SemaphoreType.DMA,
            pltpu.SemaphoreType.DMA,
            pltpu.SemaphoreType.DMA,
            pltpu.SemaphoreType.DMA,
        ],
        compiler_params=pltpu.CompilerParams(needs_layout_passes=False),
    )
    return f(h_scaled, thr_row)


def kernel(h_scaled, thresholds, bank_idx):
    row = jnp.take(thresholds, bank_idx % thresholds.shape[0], axis=0)
    rep = jnp.reshape(jnp.broadcast_to(row[:, None], (KK, LANES)), (KK * LANES,))
    return _spray_bank_sc(h_scaled, rep)

# --- scband reference (transcript-rebuilt; emitter-appended) ---
"""Pipeline reference for scband-spray-bank-62208306315802 (READ-ONLY COPY).

The authoritative reference and input builder live on the scoring server;
editing this copy changes nothing except your own understanding.
"""

import jax, jax.numpy as jnp
import numpy as np

K = 8
KK = K * K
NUM_BANKS = 256
N = 16777216

def setup_inputs(seed: int = 0) -> dict:
    key = jax.random.key(seed)
    k1, k2 = jax.random.split(key)
    h_scaled = jax.random.uniform(k1, (N,), dtype=jnp.float32)
    thresholds = jnp.sort(jax.random.uniform(k2, (NUM_BANKS, KK), dtype=jnp.float32), axis=-1)
    bank_idx = 3
    return {"h_scaled": h_scaled, "thresholds": thresholds, "bank_idx": bank_idx}

def reference(h_scaled, thresholds, bank_idx):
    # R = self.thresholds[bank_idx % len(self.thresholds)]
    R = thresholds[bank_idx % thresholds.shape[0]]
    # count = torch.searchsorted(R, h_scaled)
    count = jnp.searchsorted(R, h_scaled)
    return count.astype(jnp.float32) / KK

if __name__ == "__main__":
    import jax
    _d = setup_inputs()
    print(jax.jit(kernel)(*tuple(_d.values())))

</pallas_src>

<mosaic_0001>
#map = affine_map<(d0, d1) -> (0)>
module attributes {stable_mosaic.version = 14 : i64} {
  func.func @_sc_body(%arg0: i32, %arg1: i32, %arg2: memref<16777216xf32, #tpu.memory_space<hbm>>, %arg3: memref<1024xf32, #tpu.memory_space<hbm>>, %arg4: memref<16777216xf32, #tpu.memory_space<hbm>>, %arg5: memref<1024xf32, #tpu.memory_space<vmem>>, %arg6: memref<16384xf32, #tpu.memory_space<vmem>>, %arg7: memref<16384xf32, #tpu.memory_space<vmem>>, %arg8: memref<16384xf32, #tpu.memory_space<vmem>>, %arg9: memref<16384xf32, #tpu.memory_space<vmem>>, %arg10: memref<!tpu.dma_semaphore, #tpu.memory_space<semaphore_mem>>, %arg11: memref<!tpu.dma_semaphore, #tpu.memory_space<semaphore_mem>>, %arg12: memref<!tpu.dma_semaphore, #tpu.memory_space<semaphore_mem>>, %arg13: memref<!tpu.dma_semaphore, #tpu.memory_space<semaphore_mem>>) attributes {dimension_semantics = [#tpu.dimension_semantics<core_parallel>, #tpu.dimension_semantics<subcore_parallel>], iteration_bounds = array<i64: 2, 16>, scalar_prefetch = 0 : i64, scratch_operands = 9 : i64, tpu.core_type = #tpu.core_type<sc_vector_subcore>, window_params = [{transform_indices = #map}, {transform_indices = #map}, {transform_indices = #map}]} {
    %mul3A = arith.constant 2 : i32
    %mul3A_0 = arith.muli %arg1, %mul3A : i32
    %add3A = arith.addi %mul3A_0, %arg0 : i32
    "tpu.region"() ({
      %run_scoped3A = tpu.sem_alloc : memref<!tpu.dma_semaphore, #tpu.memory_space<semaphore_mem>>
      tpu.enqueue_dma source(%arg3 : memref<1024xf32, #tpu.memory_space<hbm>>) target(%arg5 : memref<1024xf32, #tpu.memory_space<vmem>>) target_semaphore(%run_scoped3A : memref<!tpu.dma_semaphore, #tpu.memory_space<semaphore_mem>>)
      tpu.wait_dma2 semaphore(%run_scoped3A : memref<!tpu.dma_semaphore, #tpu.memory_space<semaphore_mem>>) src(%arg3 : memref<1024xf32, #tpu.memory_space<hbm>>) dst(%arg5 : memref<1024xf32, #tpu.memory_space<vmem>>)
      tpu.yield
    }) : () -> ()
    %mul3A_1 = arith.constant 524288 : i32
    %mul3A_2 = arith.muli %add3A, %mul3A_1 : i32
    %get3A = arith.constant 496 : index
    %get3A_3 = tpu.vector_load %arg5[%get3A] {strides = array<i32>} : memref<1024xf32, #tpu.memory_space<vmem>>, vector<16xf32>,
    %get3A_4 = arith.constant 240 : index
    %get3A_5 = tpu.vector_load %arg5[%get3A_4] {strides = array<i32>} : memref<1024xf32, #tpu.memory_space<vmem>>, vector<16xf32>,
    %get3A_6 = arith.constant 752 : index
    %get3A_7 = tpu.vector_load %arg5[%get3A_6] {strides = array<i32>} : memref<1024xf32, #tpu.memory_space<vmem>>, vector<16xf32>,
    %iota3A = tpu.iota {dimensions = array<i32: 0>} : vector<16xi32>
    %add3A_8 = arith.constant 0 : i32
    %add3A_9 = arith.addi %mul3A_2, %add3A_8 : i32
    %dma_start3A = tpu.memref_slice %arg2[%add3A_9] : memref<16777216xf32, #tpu.memory_space<hbm>> -> memref<16384xf32, #tpu.memory_space<hbm>>
    %dma_start3A_10 = tpu.memref_slice %arg2[%add3A_9] : memref<16777216xf32, #tpu.memory_space<hbm>> -> memref<16384xf32, #tpu.memory_space<hbm>>
    tpu.enqueue_dma source(%dma_start3A_10 : memref<16384xf32, #tpu.memory_space<hbm>>) target(%arg6 : memref<16384xf32, #tpu.memory_space<vmem>>) target_semaphore(%arg10 : memref<!tpu.dma_semaphore, #tpu.memory_space<semaphore_mem>>)
    %add3A_11 = arith.constant 16384 : i32
    %add3A_12 = arith.addi %mul3A_2, %add3A_11 : i32
    %dma_start3A_13 = tpu.memref_slice %arg2[%add3A_12] : memref<16777216xf32, #tpu.memory_space<hbm>> -> memref<16384xf32, #tpu.memory_space<hbm>>
    %dma_start3A_14 = tpu.memref_slice %arg2[%add3A_12] : memref<16777216xf32, #tpu.memory_space<hbm>> -> memref<16384xf32, #tpu.memory_space<hbm>>
    tpu.enqueue_dma source(%dma_start3A_14 : memref<16384xf32, #tpu.memory_space<hbm>>) target(%arg7 : memref<16384xf32, #tpu.memory_space<vmem>>) target_semaphore(%arg11 : memref<!tpu.dma_semaphore, #tpu.memory_space<semaphore_mem>>)
    %scan3A = arith.constant 0 : i32
    %scan3A_15 = arith.constant 0 : i32
    %scan3A_16 = arith.constant 16 : i32
    %scan3A_17 = arith.addi %scan3A_15, %scan3A_16 : i32
    %scan3A_18 = arith.constant 1 : i32
    %scan3A_19 = scf.for %scan3A_28 = %scan3A_15 to %scan3A_17 step %scan3A_18 iter_args(%scan3A_29 = %scan3A) -> (i32)  : i32 {
      %mul3A_30 = arith.constant 2 : i32
      %mul3A_31 = arith.muli %mul3A_30, %scan3A_28 : i32
      %add3A_32 = arith.constant 0 : i32
      %add3A_33 = arith.addi %mul3A_31, %add3A_32 : i32
      %mul3A_34 = arith.constant 16384 : i32
      %mul3A_35 = arith.muli %add3A_33, %mul3A_34 : i32
      %add3A_36 = arith.addi %mul3A_2, %mul3A_35 : i32
      %dma_wait3A_37 = tpu.memref_slice %arg2[%add3A_36] : memref<16777216xf32, #tpu.memory_space<hbm>> -> memref<16384xf32, #tpu.memory_space<hbm>>
      %dma_wait3A_38 = tpu.memref_slice %arg2[%add3A_36] : memref<16777216xf32, #tpu.memory_space<hbm>> -> memref<16384xf32, #tpu.memory_space<hbm>>
      tpu.wait_dma2 semaphore(%arg10 : memref<!tpu.dma_semaphore, #tpu.memory_space<semaphore_mem>>) src(%dma_wait3A_38 : memref<16384xf32, #tpu.memory_space<hbm>>) dst(%arg6 : memref<16384xf32, #tpu.memory_space<vmem>>)
      %ge3A = arith.constant 2 : i32
      %ge3A_39 = arith.cmpi sge, %add3A_33, %ge3A : i32
      %convert_element_type3A = arith.extui %ge3A_39 : i1 to i32
      %cond3A = arith.constant 0 : i32
      %cond3A_40 = arith.cmpi ne, %convert_element_type3A, %cond3A : i32
      scf.if %cond3A_40 {
        %sub3A = arith.constant 2 : i32
        %sub3A_84 = arith.subi %add3A_33, %sub3A : i32
        %mul3A_85 = arith.constant 16384 : i32
        %mul3A_86 = arith.muli %sub3A_84, %mul3A_85 : i32
        %add3A_87 = arith.addi %mul3A_2, %mul3A_86 : i32
        %dma_wait3A_88 = tpu.memref_slice %arg4[%add3A_87] : memref<16777216xf32, #tpu.memory_space<hbm>> -> memref<16384xf32, #tpu.memory_space<hbm>>
        %dma_wait3A_89 = tpu.memref_slice %arg4[%add3A_87] : memref<16777216xf32, #tpu.memory_space<hbm>> -> memref<16384xf32, #tpu.memory_space<hbm>>
        tpu.wait_dma2 semaphore(%arg12 : memref<!tpu.dma_semaphore, #tpu.memory_space<semaphore_mem>>) src(%arg8 : memref<16384xf32, #tpu.memory_space<vmem>>) dst(%dma_wait3A_89 : memref<16384xf32, #tpu.memory_space<hbm>>)
      } else {
      }
      %parallel_loop3A = arith.constant 0 : i32
      %parallel_loop3A_41 = arith.constant 256 : i32
      %parallel_loop3A_42 = arith.constant 1 : i32
      scf.for %parallel_loop3A_84 = %parallel_loop3A to %parallel_loop3A_41 step %parallel_loop3A_42  : i32 {
        %parallel_loop3A_85 = arith.constant 64 : i32
        %parallel_loop3A_86 = arith.muli %parallel_loop3A_84, %parallel_loop3A_85 : i32
        %parallel_loop3A_87 = arith.constant 0 : i32
        %parallel_loop3A_88 = arith.addi %parallel_loop3A_86, %parallel_loop3A_87 : i32
        %parallel_loop3A_89 = arith.index_cast %parallel_loop3A_88 : i32 to index
        %parallel_loop3A_90 = tpu.vector_load %arg6[%parallel_loop3A_89] {strides = array<i32>} : memref<16384xf32, #tpu.memory_space<vmem>>, vector<16xf32>,
        %parallel_loop3A_91 = arith.cmpf olt, %get3A_3, %parallel_loop3A_90 : vector<16xf32>
        %parallel_loop3A_92 = arith.constant 512 : i32
        %parallel_loop3A_93 = arith.constant 0 : i32
        %parallel_loop3A_94 = vector.broadcast %parallel_loop3A_92 : i32 to vector<16xi32>
        %parallel_loop3A_95 = vector.broadcast %parallel_loop3A_93 : i32 to vector<16xi32>
        %parallel_loop3A_96 = arith.select %parallel_loop3A_91, %parallel_loop3A_94, %parallel_loop3A_95 : vector<16xi1>, vector<16xi32>
        %parallel_loop3A_97 = arith.ori %parallel_loop3A_96, %iota3A : vector<16xi32>
        %parallel_loop3A_98 = arith.select %parallel_loop3A_91, %get3A_7, %get3A_5 : vector<16xi1>, vector<16xf32>
        %parallel_loop3A_99 = arith.cmpf olt, %parallel_loop3A_98, %parallel_loop3A_90 : vector<16xf32>
        %parallel_loop3A_100 = arith.constant 256 : i32
        %parallel_loop3A_101 = arith.constant 0 : i32
        %parallel_loop3A_102 = vector.broadcast %parallel_loop3A_100 : i32 to vector<16xi32>
        %parallel_loop3A_103 = vector.broadcast %parallel_loop3A_101 : i32 to vector<16xi32>
        %parallel_loop3A_104 = arith.select %parallel_loop3A_99, %parallel_loop3A_102, %parallel_loop3A_103 : vector<16xi1>, vector<16xi32>
        %parallel_loop3A_105 = arith.ori %parallel_loop3A_97, %parallel_loop3A_104 : vector<16xi32>
        %parallel_loop3A_106 = arith.constant 112 : i32
        %parallel_loop3A_107 = vector.broadcast %parallel_loop3A_106 : i32 to vector<16xi32>
        %parallel_loop3A_108 = arith.ori %parallel_loop3A_105, %parallel_loop3A_107 : vector<16xi32>
        %parallel_loop3A_109 = tpu.vector_load_idx %arg5[%parallel_loop3A_108] : memref<1024xf32, #tpu.memory_space<vmem>>[vector<16xi32>], vector<16xf32>,
        %parallel_loop3A_110 = arith.cmpf olt, %parallel_loop3A_109, %parallel_loop3A_90 : vector<16xf32>
        %parallel_loop3A_111 = arith.constant 128 : i32
        %parallel_loop3A_112 = arith.constant 0 : i32
        %parallel_loop3A_113 = vector.broadcast %parallel_loop3A_111 : i32 to vector<16xi32>
        %parallel_loop3A_114 = vector.broadcast %parallel_loop3A_112 : i32 to vector<16xi32>
        %parallel_loop3A_115 = arith.select %parallel_loop3A_110, %parallel_loop3A_113, %parallel_loop3A_114 : vector<16xi1>, vector<16xi32>
        %parallel_loop3A_116 = arith.ori %parallel_loop3A_105, %parallel_loop3A_115 : vector<16xi32>
        %parallel_loop3A_117 = arith.constant 48 : i32
        %parallel_loop3A_118 = vector.broadcast %parallel_loop3A_117 : i32 to vector<16xi32>
        %parallel_loop3A_119 = arith.ori %parallel_loop3A_116, %parallel_loop3A_118 : vector<16xi32>
        %parallel_loop3A_120 = tpu.vector_load_idx %arg5[%parallel_loop3A_119] : memref<1024xf32, #tpu.memory_space<vmem>>[vector<16xi32>], vector<16xf32>,
        %parallel_loop3A_121 = arith.cmpf olt, %parallel_loop3A_120, %parallel_loop3A_90 : vector<16xf32>
        %parallel_loop3A_122 = arith.constant 64 : i32
        %parallel_loop3A_123 = arith.constant 0 : i32
        %parallel_loop3A_124 = vector.broadcast %parallel_loop3A_122 : i32 to vector<16xi32>
        %parallel_loop3A_125 = vector.broadcast %parallel_loop3A_123 : i32 to vector<16xi32>
        %parallel_loop3A_126 = arith.select %parallel_loop3A_121, %parallel_loop3A_124, %parallel_loop3A_125 : vector<16xi1>, vector<16xi32>
        %parallel_loop3A_127 = arith.ori %parallel_loop3A_116, %parallel_loop3A_126 : vector<16xi32>
        %parallel_loop3A_128 = arith.constant 16 : i32
        %parallel_loop3A_129 = vector.broadcast %parallel_loop3A_128 : i32 to vector<16xi32>
        %parallel_loop3A_130 = arith.ori %parallel_loop3A_127, %parallel_loop3A_129 : vector<16xi32>
        %parallel_loop3A_131 = tpu.vector_load_idx %arg5[%parallel_loop3A_130] : memref<1024xf32, #tpu.memory_space<vmem>>[vector<16xi32>], vector<16xf32>,
        %parallel_loop3A_132 = arith.cmpf olt, %parallel_loop3A_131, %parallel_loop3A_90 : vector<16xf32>
        %parallel_loop3A_133 = arith.constant 32 : i32
        %parallel_loop3A_134 = arith.constant 0 : i32
        %parallel_loop3A_135 = vector.broadcast %parallel_loop3A_133 : i32 to vector<16xi32>
        %parallel_loop3A_136 = vector.broadcast %parallel_loop3A_134 : i32 to vector<16xi32>
        %parallel_loop3A_137 = arith.select %parallel_loop3A_132, %parallel_loop3A_135, %parallel_loop3A_136 : vector<16xi1>, vector<16xi32>
        %parallel_loop3A_138 = arith.ori %parallel_loop3A_127, %parallel_loop3A_137 : vector<16xi32>
        %parallel_loop3A_139 = arith.constant 0 : i32
        %parallel_loop3A_140 = vector.broadcast %parallel_loop3A_139 : i32 to vector<16xi32>
        %parallel_loop3A_141 = arith.ori %parallel_loop3A_138, %parallel_loop3A_140 : vector<16xi32>
        %parallel_loop3A_142 = tpu.vector_load_idx %arg5[%parallel_loop3A_141] : memref<1024xf32, #tpu.memory_space<vmem>>[vector<16xi32>], vector<16xf32>,
        %parallel_loop3A_143 = arith.cmpf olt, %parallel_loop3A_142, %parallel_loop3A_90 : vector<16xf32>
        %parallel_loop3A_144 = arith.constant 16 : i32
        %parallel_loop3A_145 = arith.constant 0 : i32
        %parallel_loop3A_146 = vector.broadcast %parallel_loop3A_144 : i32 to vector<16xi32>
        %parallel_loop3A_147 = vector.broadcast %parallel_loop3A_145 : i32 to vector<16xi32>
        %parallel_loop3A_148 = arith.select %parallel_loop3A_143, %parallel_loop3A_146, %parallel_loop3A_147 : vector<16xi1>, vector<16xi32>
        %parallel_loop3A_149 = arith.ori %parallel_loop3A_138, %parallel_loop3A_148 : vector<16xi32>
        %parallel_loop3A_150 = tpu.vector_load_idx %arg5[%parallel_loop3A_149] : memref<1024xf32, #tpu.memory_space<vmem>>[vector<16xi32>], vector<16xf32>,
        %parallel_loop3A_151 = arith.constant 4 : i32
        %parallel_loop3A_152 = vector.broadcast %parallel_loop3A_151 : i32 to vector<16xi32>
        %parallel_loop3A_153 = arith.shrsi %parallel_loop3A_149, %parallel_loop3A_152 : vector<16xi32>
        %parallel_loop3A_154 = arith.cmpf olt, %parallel_loop3A_150, %parallel_loop3A_90 : vector<16xf32>
        %parallel_loop3A_155 = arith.constant 1 : i32
        %parallel_loop3A_156 = arith.constant 0 : i32
        %parallel_loop3A_157 = vector.broadcast %parallel_loop3A_155 : i32 to vector<16xi32>
        %parallel_loop3A_158 = vector.broadcast %parallel_loop3A_156 : i32 to vector<16xi32>
        %parallel_loop3A_159 = arith.select %parallel_loop3A_154, %parallel_loop3A_157, %parallel_loop3A_158 : vector<16xi1>, vector<16xi32>
        %parallel_loop3A_160 = arith.addi %parallel_loop3A_153, %parallel_loop3A_159 : vector<16xi32>
        %parallel_loop3A_161 = arith.sitofp %parallel_loop3A_160 : vector<16xi32> to vector<16xf32>
        %parallel_loop3A_162 = arith.constant 1.562500e-02 : f32
        %parallel_loop3A_163 = vector.broadcast %parallel_loop3A_162 : f32 to vector<16xf32>
        %parallel_loop3A_164 = arith.mulf %parallel_loop3A_161, %parallel_loop3A_163 : vector<16xf32>
        %parallel_loop3A_165 = arith.constant 0 : i32
        %parallel_loop3A_166 = arith.addi %parallel_loop3A_86, %parallel_loop3A_165 : i32
        %parallel_loop3A_167 = arith.index_cast %parallel_loop3A_166 : i32 to index
        %parallel_loop3A_168 = tpu.vector_load %arg8[%parallel_loop3A_167] {strides = array<i32>} : memref<16384xf32, #tpu.memory_space<vmem>>, vector<16xf32>,
        tpu.vector_store %arg8[%parallel_loop3A_167], %parallel_loop3A_164 {strides = array<i32>} : memref<16384xf32, #tpu.memory_space<vmem>>, vector<16xf32>,
        %parallel_loop3A_169 = arith.constant 16 : i32
        %parallel_loop3A_170 = arith.addi %parallel_loop3A_86, %parallel_loop3A_169 : i32
        %parallel_loop3A_171 = arith.index_cast %parallel_loop3A_170 : i32 to index
        %parallel_loop3A_172 = tpu.vector_load %arg6[%parallel_loop3A_171] {strides = array<i32>} : memref<16384xf32, #tpu.memory_space<vmem>>, vector<16xf32>,
        %parallel_loop3A_173 = arith.cmpf olt, %get3A_3, %parallel_loop3A_172 : vector<16xf32>
        %parallel_loop3A_174 = arith.constant 512 : i32
        %parallel_loop3A_175 = arith.constant 0 : i32
        %parallel_loop3A_176 = vector.broadcast %parallel_loop3A_174 : i32 to vector<16xi32>
        %parallel_loop3A_177 = vector.broadcast %parallel_loop3A_175 : i32 to vector<16xi32>
        %parallel_loop3A_178 = arith.select %parallel_loop3A_173, %parallel_loop3A_176, %parallel_loop3A_177 : vector<16xi1>, vector<16xi32>
        %parallel_loop3A_179 = arith.ori %parallel_loop3A_178, %iota3A : vector<16xi32>
        %parallel_loop3A_180 = arith.select %parallel_loop3A_173, %get3A_7, %get3A_5 : vector<16xi1>, vector<16xf32>
        %parallel_loop3A_181 = arith.cmpf olt, %parallel_loop3A_180, %parallel_loop3A_172 : vector<16xf32>
        %parallel_loop3A_182 = arith.constant 256 : i32
        %parallel_loop3A_183 = arith.constant 0 : i32
        %parallel_loop3A_184 = vector.broadcast %parallel_loop3A_182 : i32 to vector<16xi32>
        %parallel_loop3A_185 = vector.broadcast %parallel_loop3A_183 : i32 to vector<16xi32>
        %parallel_loop3A_186 = arith.select %parallel_loop3A_181, %parallel_loop3A_184, %parallel_loop3A_185 : vector<16xi1>, vector<16xi32>
        %parallel_loop3A_187 = arith.ori %parallel_loop3A_179, %parallel_loop3A_186 : vector<16xi32>
        %parallel_loop3A_188 = arith.constant 112 : i32
        %parallel_loop3A_189 = vector.broadcast %parallel_loop3A_188 : i32 to vector<16xi32>
        %parallel_loop3A_190 = arith.ori %parallel_loop3A_187, %parallel_loop3A_189 : vector<16xi32>
        %parallel_loop3A_191 = tpu.vector_load_idx %arg5[%parallel_loop3A_190] : memref<1024xf32, #tpu.memory_space<vmem>>[vector<16xi32>], vector<16xf32>,
        %parallel_loop3A_192 = arith.cmpf olt, %parallel_loop3A_191, %parallel_loop3A_172 : vector<16xf32>
        %parallel_loop3A_193 = arith.constant 128 : i32
        %parallel_loop3A_194 = arith.constant 0 : i32
        %parallel_loop3A_195 = vector.broadcast %parallel_loop3A_193 : i32 to vector<16xi32>
        %parallel_loop3A_196 = vector.broadcast %parallel_loop3A_194 : i32 to vector<16xi32>
        %parallel_loop3A_197 = arith.select %parallel_loop3A_192, %parallel_loop3A_195, %parallel_loop3A_196 : vector<16xi1>, vector<16xi32>
        %parallel_loop3A_198 = arith.ori %parallel_loop3A_187, %parallel_loop3A_197 : vector<16xi32>
        %parallel_loop3A_199 = arith.constant 48 : i32
        %parallel_loop3A_200 = vector.broadcast %parallel_loop3A_199 : i32 to vector<16xi32>
        %parallel_loop3A_201 = arith.ori %parallel_loop3A_198, %parallel_loop3A_200 : vector<16xi32>
        %parallel_loop3A_202 = tpu.vector_load_idx %arg5[%parallel_loop3A_201] : memref<1024xf32, #tpu.memory_space<vmem>>[vector<16xi32>], vector<16xf32>,
        %parallel_loop3A_203 = arith.cmpf olt, %parallel_loop3A_202, %parallel_loop3A_172 : vector<16xf32>
        %parallel_loop3A_204 = arith.constant 64 : i32
        %parallel_loop3A_205 = arith.constant 0 : i32
        %parallel_loop3A_206 = vector.broadcast %parallel_loop3A_204 : i32 to vector<16xi32>
        %parallel_loop3A_207 = vector.broadcast %parallel_loop3A_205 : i32 to vector<16xi32>
        %parallel_loop3A_208 = arith.select %parallel_loop3A_203, %parallel_loop3A_206, %parallel_loop3A_207 : vector<16xi1>, vector<16xi32>
        %parallel_loop3A_209 = arith.ori %parallel_loop3A_198, %parallel_loop3A_208 : vector<16xi32>
        %parallel_loop3A_210 = arith.constant 16 : i32
        %parallel_loop3A_211 = vector.broadcast %parallel_loop3A_210 : i32 to vector<16xi32>
        %parallel_loop3A_212 = arith.ori %parallel_loop3A_209, %parallel_loop3A_211 : vector<16xi32>
        %parallel_loop3A_213 = tpu.vector_load_idx %arg5[%parallel_loop3A_212] : memref<1024xf32, #tpu.memory_space<vmem>>[vector<16xi32>], vector<16xf32>,
        %parallel_loop3A_214 = arith.cmpf olt, %parallel_loop3A_213, %parallel_loop3A_172 : vector<16xf32>
        %parallel_loop3A_215 = arith.constant 32 : i32
        %parallel_loop3A_216 = arith.constant 0 : i32
        %parallel_loop3A_217 = vector.broadcast %parallel_loop3A_215 : i32 to vector<16xi32>
        %parallel_loop3A_218 = vector.broadcast %parallel_loop3A_216 : i32 to vector<16xi32>
        %parallel_loop3A_219 = arith.select %parallel_loop3A_214, %parallel_loop3A_217, %parallel_loop3A_218 : vector<16xi1>, vector<16xi32>
        %parallel_loop3A_220 = arith.ori %parallel_loop3A_209, %parallel_loop3A_219 : vector<16xi32>
        %parallel_loop3A_221 = arith.constant 0 : i32
        %parallel_loop3A_222 = vector.broadcast %parallel_loop3A_221 : i32 to vector<16xi32>
        %parallel_loop3A_223 = arith.ori %parallel_loop3A_220, %parallel_loop3A_222 : vector<16xi32>
        %parallel_loop3A_224 = tpu.vector_load_idx %arg5[%parallel_loop3A_223] : memref<1024xf32, #tpu.memory_space<vmem>>[vector<16xi32>], vector<16xf32>,
        %parallel_loop3A_225 = arith.cmpf olt, %parallel_loop3A_224, %parallel_loop3A_172 : vector<16xf32>
        %parallel_loop3A_226 = arith.constant 16 : i32
        %parallel_loop3A_227 = arith.constant 0 : i32
        %parallel_loop3A_228 = vector.broadcast %parallel_loop3A_226 : i32 to vector<16xi32>
        %parallel_loop3A_229 = vector.broadcast %parallel_loop3A_227 : i32 to vector<16xi32>
        %parallel_loop3A_230 = arith.select %parallel_loop3A_225, %parallel_loop3A_228, %parallel_loop3A_229 : vector<16xi1>, vector<16xi32>
        %parallel_loop3A_231 = arith.ori %parallel_loop3A_220, %parallel_loop3A_230 : vector<16xi32>
        %parallel_loop3A_232 = tpu.vector_load_idx %arg5[%parallel_loop3A_231] : memref<1024xf32, #tpu.memory_space<vmem>>[vector<16xi32>], vector<16xf32>,
        %parallel_loop3A_233 = arith.constant 4 : i32
        %parallel_loop3A_234 = vector.broadcast %parallel_loop3A_233 : i32 to vector<16xi32>
        %parallel_loop3A_235 = arith.shrsi %parallel_loop3A_231, %parallel_loop3A_234 : vector<16xi32>
        %parallel_loop3A_236 = arith.cmpf olt, %parallel_loop3A_232, %parallel_loop3A_172 : vector<16xf32>
        %parallel_loop3A_237 = arith.constant 1 : i32
        %parallel_loop3A_238 = arith.constant 0 : i32
        %parallel_loop3A_239 = vector.broadcast %parallel_loop3A_237 : i32 to vector<16xi32>
        %parallel_loop3A_240 = vector.broadcast %parallel_loop3A_238 : i32 to vector<16xi32>
        %parallel_loop3A_241 = arith.select %parallel_loop3A_236, %parallel_loop3A_239, %parallel_loop3A_240 : vector<16xi1>, vector<16xi32>
        %parallel_loop3A_242 = arith.addi %parallel_loop3A_235, %parallel_loop3A_241 : vector<16xi32>
        %parallel_loop3A_243 = arith.sitofp %parallel_loop3A_242 : vector<16xi32> to vector<16xf32>
        %parallel_loop3A_244 = arith.constant 1.562500e-02 : f32
        %parallel_loop3A_245 = vector.broadcast %parallel_loop3A_244 : f32 to vector<16xf32>
        %parallel_loop3A_246 = arith.mulf %parallel_loop3A_243, %parallel_loop3A_245 : vector<16xf32>
        %parallel_loop3A_247 = arith.constant 16 : i32
        %parallel_loop3A_248 = arith.addi %parallel_loop3A_86, %parallel_loop3A_247 : i32
        %parallel_loop3A_249 = arith.index_cast %parallel_loop3A_248 : i32 to index
        %parallel_loop3A_250 = tpu.vector_load %arg8[%parallel_loop3A_249] {strides = array<i32>} : memref<16384xf32, #tpu.memory_space<vmem>>, vector<16xf32>,
        tpu.vector_store %arg8[%parallel_loop3A_249], %parallel_loop3A_246 {strides = array<i32>} : memref<16384xf32, #tpu.memory_space<vmem>>, vector<16xf32>,
        %parallel_loop3A_251 = arith.constant 32 : i32
        %parallel_loop3A_252 = arith.addi %parallel_loop3A_86, %parallel_loop3A_251 : i32
        %parallel_loop3A_253 = arith.index_cast %parallel_loop3A_252 : i32 to index
        %parallel_loop3A_254 = tpu.vector_load %arg6[%parallel_loop3A_253] {strides = array<i32>} : memref<16384xf32, #tpu.memory_space<vmem>>, vector<16xf32>,
        %parallel_loop3A_255 = arith.cmpf olt, %get3A_3, %parallel_loop3A_254 : vector<16xf32>
        %parallel_loop3A_256 = arith.constant 512 : i32
        %parallel_loop3A_257 = arith.constant 0 : i32
        %parallel_loop3A_258 = vector.broadcast %parallel_loop3A_256 : i32 to vector<16xi32>
        %parallel_loop3A_259 = vector.broadcast %parallel_loop3A_257 : i32 to vector<16xi32>
        %parallel_loop3A_260 = arith.select %parallel_loop3A_255, %parallel_loop3A_258, %parallel_loop3A_259 : vector<16xi1>, vector<16xi32>
        %parallel_loop3A_261 = arith.ori %parallel_loop3A_260, %iota3A : vector<16xi32>
        %parallel_loop3A_262 = arith.select %parallel_loop3A_255, %get3A_7, %get3A_5 : vector<16xi1>, vector<16xf32>
        %parallel_loop3A_263 = arith.cmpf olt, %parallel_loop3A_262, %parallel_loop3A_254 : vector<16xf32>
        %parallel_loop3A_264 = arith.constant 256 : i32
        %parallel_loop3A_265 = arith.constant 0 : i32
        %parallel_loop3A_266 = vector.broadcast %parallel_loop3A_264 : i32 to vector<16xi32>
        %parallel_loop3A_267 = vector.broadcast %parallel_loop3A_265 : i32 to vector<16xi32>
        %parallel_loop3A_268 = arith.select %parallel_loop3A_263, %parallel_loop3A_266, %parallel_loop3A_267 : vector<16xi1>, vector<16xi32>
        %parallel_loop3A_269 = arith.ori %parallel_loop3A_261, %parallel_loop3A_268 : vector<16xi32>
        %parallel_loop3A_270 = arith.constant 112 : i32
        %parallel_loop3A_271 = vector.broadcast %parallel_loop3A_270 : i32 to vector<16xi32>
        %parallel_loop3A_272 = arith.ori %parallel_loop3A_269, %parallel_loop3A_271 : vector<16xi32>
        %parallel_loop3A_273 = tpu.vector_load_idx %arg5[%parallel_loop3A_272] : memref<1024xf32, #tpu.memory_space<vmem>>[vector<16xi32>], vector<16xf32>,
        %parallel_loop3A_274 = arith.cmpf olt, %parallel_loop3A_273, %parallel_loop3A_254 : vector<16xf32>
        %parallel_loop3A_275 = arith.constant 128 : i32
        %parallel_loop3A_276 = arith.constant 0 : i32
        %parallel_loop3A_277 = vector.broadcast %parallel_loop3A_275 : i32 to vector<16xi32>
        %parallel_loop3A_278 = vector.broadcast %parallel_loop3A_276 : i32 to vector<16xi32>
        %parallel_loop3A_279 = arith.select %parallel_loop3A_274, %parallel_loop3A_277, %parallel_loop3A_278 : vector<16xi1>, vector<16xi32>
        %parallel_loop3A_280 = arith.ori %parallel_loop3A_269, %parallel_loop3A_279 : vector<16xi32>
        %parallel_loop3A_281 = arith.constant 48 : i32
        %parallel_loop3A_282 = vector.broadcast %parallel_loop3A_281 : i32 to vector<16xi32>
        %parallel_loop3A_283 = arith.ori %parallel_loop3A_280, %parallel_loop3A_282 : vector<16xi32>
        %parallel_loop3A_284 = tpu.vector_load_idx %arg5[%parallel_loop3A_283] : memref<1024xf32, #tpu.memory_space<vmem>>[vector<16xi32>], vector<16xf32>,
        %parallel_loop3A_285 = arith.cmpf olt, %parallel_loop3A_284, %parallel_loop3A_254 : vector<16xf32>
        %parallel_loop3A_286 = arith.constant 64 : i32
        %parallel_loop3A_287 = arith.constant 0 : i32
        %parallel_loop3A_288 = vector.broadcast %parallel_loop3A_286 : i32 to vector<16xi32>
        %parallel_loop3A_289 = vector.broadcast %parallel_loop3A_287 : i32 to vector<16xi32>
        %parallel_loop3A_290 = arith.select %parallel_loop3A_285, %parallel_loop3A_288, %parallel_loop3A_289 : vector<16xi1>, vector<16xi32>
        %parallel_loop3A_291 = arith.ori %parallel_loop3A_280, %parallel_loop3A_290 : vector<16xi32>
        %parallel_loop3A_292 = arith.constant 16 : i32
        %parallel_loop3A_293 = vector.broadcast %parallel_loop3A_292 : i32 to vector<16xi32>
        %parallel_loop3A_294 = arith.ori %parallel_loop3A_291, %parallel_loop3A_293 : vector<16xi32>
        %parallel_loop3A_295 = tpu.vector_load_idx %arg5[%parallel_loop3A_294] : memref<1024xf32, #tpu.memory_space<vmem>>[vector<16xi32>], vector<16xf32>,
        %parallel_loop3A_296 = arith.cmpf olt, %parallel_loop3A_295, %parallel_loop3A_254 : vector<16xf32>
        %parallel_loop3A_297 = arith.constant 32 : i32
        %parallel_loop3A_298 = arith.constant 0 : i32
        %parallel_loop3A_299 = vector.broadcast %parallel_loop3A_297 : i32 to vector<16xi32>
        %parallel_loop3A_300 = vector.broadcast %parallel_loop3A_298 : i32 to vector<16xi32>
        %parallel_loop3A_301 = arith.select %parallel_loop3A_296, %parallel_loop3A_299, %parallel_loop3A_300 : vector<16xi1>, vector<16xi32>
        %parallel_loop3A_302 = arith.ori %parallel_loop3A_291, %parallel_loop3A_301 : vector<16xi32>
        %parallel_loop3A_303 = arith.constant 0 : i32
        %parallel_loop3A_304 = vector.broadcast %parallel_loop3A_303 : i32 to vector<16xi32>
        %parallel_loop3A_305 = arith.ori %parallel_loop3A_302, %parallel_loop3A_304 : vector<16xi32>
        %parallel_loop3A_306 = tpu.vector_load_idx %arg5[%parallel_loop3A_305] : memref<1024xf32, #tpu.memory_space<vmem>>[vector<16xi32>], vector<16xf32>,
        %parallel_loop3A_307 = arith.cmpf olt, %parallel_loop3A_306, %parallel_loop3A_254 : vector<16xf32>
        %parallel_loop3A_308 = arith.constant 16 : i32
        %parallel_loop3A_309 = arith.constant 0 : i32
        %parallel_loop3A_310 = vector.broadcast %parallel_loop3A_308 : i32 to vector<16xi32>
        %parallel_loop3A_311 = vector.broadcast %parallel_loop3A_309 : i32 to vector<16xi32>
        %parallel_loop3A_312 = arith.select %parallel_loop3A_307, %parallel_loop3A_310, %parallel_loop3A_311 : vector<16xi1>, vector<16xi32>
        %parallel_loop3A_313 = arith.ori %parallel_loop3A_302, %parallel_loop3A_312 : vector<16xi32>
        %parallel_loop3A_314 = tpu.vector_load_idx %arg5[%parallel_loop3A_313] : memref<1024xf32, #tpu.memory_space<vmem>>[vector<16xi32>], vector<16xf32>,
        %parallel_loop3A_315 = arith.constant 4 : i32
        %parallel_loop3A_316 = vector.broadcast %parallel_loop3A_315 : i32 to vector<16xi32>
        %parallel_loop3A_317 = arith.shrsi %parallel_loop3A_313, %parallel_loop3A_316 : vector<16xi32>
        %parallel_loop3A_318 = arith.cmpf olt, %parallel_loop3A_314, %parallel_loop3A_254 : vector<16xf32>
        %parallel_loop3A_319 = arith.constant 1 : i32
        %parallel_loop3A_320 = arith.constant 0 : i32
        %parallel_loop3A_321 = vector.broadcast %parallel_loop3A_319 : i32 to vector<16xi32>
        %parallel_loop3A_322 = vector.broadcast %parallel_loop3A_320 : i32 to vector<16xi32>
        %parallel_loop3A_323 = arith.select %parallel_loop3A_318, %parallel_loop3A_321, %parallel_loop3A_322 : vector<16xi1>, vector<16xi32>
        %parallel_loop3A_324 = arith.addi %parallel_loop3A_317, %parallel_loop3A_323 : vector<16xi32>
        %parallel_loop3A_325 = arith.sitofp %parallel_loop3A_324 : vector<16xi32> to vector<16xf32>
        %parallel_loop3A_326 = arith.constant 1.562500e-02 : f32
        %parallel_loop3A_327 = vector.broadcast %parallel_loop3A_326 : f32 to vector<16xf32>
        %parallel_loop3A_328 = arith.mulf %parallel_loop3A_325, %parallel_loop3A_327 : vector<16xf32>
        %parallel_loop3A_329 = arith.constant 32 : i32
        %parallel_loop3A_330 = arith.addi %parallel_loop3A_86, %parallel_loop3A_329 : i32
        %parallel_loop3A_331 = arith.index_cast %parallel_loop3A_330 : i32 to index
        %parallel_loop3A_332 = tpu.vector_load %arg8[%parallel_loop3A_331] {strides = array<i32>} : memref<16384xf32, #tpu.memory_space<vmem>>, vector<16xf32>,
        tpu.vector_store %arg8[%parallel_loop3A_331], %parallel_loop3A_328 {strides = array<i32>} : memref<16384xf32, #tpu.memory_space<vmem>>, vector<16xf32>,
        %parallel_loop3A_333 = arith.constant 48 : i32
        %parallel_loop3A_334 = arith.addi %parallel_loop3A_86, %parallel_loop3A_333 : i32
        %parallel_loop3A_335 = arith.index_cast %parallel_loop3A_334 : i32 to index
        %parallel_loop3A_336 = tpu.vector_load %arg6[%parallel_loop3A_335] {strides = array<i32>} : memref<16384xf32, #tpu.memory_space<vmem>>, vector<16xf32>,
        %parallel_loop3A_337 = arith.cmpf olt, %get3A_3, %parallel_loop3A_336 : vector<16xf32>
        %parallel_loop3A_338 = arith.constant 512 : i32
        %parallel_loop3A_339 = arith.constant 0 : i32
        %parallel_loop3A_340 = vector.broadcast %parallel_loop3A_338 : i32 to vector<16xi32>
        %parallel_loop3A_341 = vector.broadcast %parallel_loop3A_339 : i32 to vector<16xi32>
        %parallel_loop3A_342 = arith.select %parallel_loop3A_337, %parallel_loop3A_340, %parallel_loop3A_341 : vector<16xi1>, vector<16xi32>
        %parallel_loop3A_343 = arith.ori %parallel_loop3A_342, %iota3A : vector<16xi32>
        %parallel_loop3A_344 = arith.select %parallel_loop3A_337, %get3A_7, %get3A_5 : vector<16xi1>, vector<16xf32>
        %parallel_loop3A_345 = arith.cmpf olt, %parallel_loop3A_344, %parallel_loop3A_336 : vector<16xf32>
        %parallel_loop3A_346 = arith.constant 256 : i32
        %parallel_loop3A_347 = arith.constant 0 : i32
        %parallel_loop3A_348 = vector.broadcast %parallel_loop3A_346 : i32 to vector<16xi32>
        %parallel_loop3A_349 = vector.broadcast %parallel_loop3A_347 : i32 to vector<16xi32>
        %parallel_loop3A_350 = arith.select %parallel_loop3A_345, %parallel_loop3A_348, %parallel_loop3A_349 : vector<16xi1>, vector<16xi32>
        %parallel_loop3A_351 = arith.ori %parallel_loop3A_343, %parallel_loop3A_350 : vector<16xi32>
        %parallel_loop3A_352 = arith.constant 112 : i32
        %parallel_loop3A_353 = vector.broadcast %parallel_loop3A_352 : i32 to vector<16xi32>
        %parallel_loop3A_354 = arith.ori %parallel_loop3A_351, %parallel_loop3A_353 : vector<16xi32>
        %parallel_loop3A_355 = tpu.vector_load_idx %arg5[%parallel_loop3A_354] : memref<1024xf32, #tpu.memory_space<vmem>>[vector<16xi32>], vector<16xf32>,
        %parallel_loop3A_356 = arith.cmpf olt, %parallel_loop3A_355, %parallel_loop3A_336 : vector<16xf32>
        %parallel_loop3A_357 = arith.constant 128 : i32
        %parallel_loop3A_358 = arith.constant 0 : i32
        %parallel_loop3A_359 = vector.broadcast %parallel_loop3A_357 : i32 to vector<16xi32>
        %parallel_loop3A_360 = vector.broadcast %parallel_loop3A_358 : i32 to vector<16xi32>
        %parallel_loop3A_361 = arith.select %parallel_loop3A_356, %parallel_loop3A_359, %parallel_loop3A_360 : vector<16xi1>, vector<16xi32>
        %parallel_loop3A_362 = arith.ori %parallel_loop3A_351, %parallel_loop3A_361 : vector<16xi32>
        %parallel_loop3A_363 = arith.constant 48 : i32
        %parallel_loop3A_364 = vector.broadcast %parallel_loop3A_363 : i32 to vector<16xi32>
        %parallel_loop3A_365 = arith.ori %parallel_loop3A_362, %parallel_loop3A_364 : vector<16xi32>
        %parallel_loop3A_366 = tpu.vector_load_idx %arg5[%parallel_loop3A_365] : memref<1024xf32, #tpu.memory_space<vmem>>[vector<16xi32>], vector<16xf32>,
        %parallel_loop3A_367 = arith.cmpf olt, %parallel_loop3A_366, %parallel_loop3A_336 : vector<16xf32>
        %parallel_loop3A_368 = arith.constant 64 : i32
        %parallel_loop3A_369 = arith.constant 0 : i32
        %parallel_loop3A_370 = vector.broadcast %parallel_loop3A_368 : i32 to vector<16xi32>
        %parallel_loop3A_371 = vector.broadcast %parallel_loop3A_369 : i32 to vector<16xi32>
        %parallel_loop3A_372 = arith.select %parallel_loop3A_367, %parallel_loop3A_370, %parallel_loop3A_371 : vector<16xi1>, vector<16xi32>
        %parallel_loop3A_373 = arith.ori %parallel_loop3A_362, %parallel_loop3A_372 : vector<16xi32>
        %parallel_loop3A_374 = arith.constant 16 : i32
        %parallel_loop3A_375 = vector.broadcast %parallel_loop3A_374 : i32 to vector<16xi32>
        %parallel_loop3A_376 = arith.ori %parallel_loop3A_373, %parallel_loop3A_375 : vector<16xi32>
        %parallel_loop3A_377 = tpu.vector_load_idx %arg5[%parallel_loop3A_376] : memref<1024xf32, #tpu.memory_space<vmem>>[vector<16xi32>], vector<16xf32>,
        %parallel_loop3A_378 = arith.cmpf olt, %parallel_loop3A_377, %parallel_loop3A_336 : vector<16xf32>
        %parallel_loop3A_379 = arith.constant 32 : i32
        %parallel_loop3A_380 = arith.constant 0 : i32
        %parallel_loop3A_381 = vector.broadcast %parallel_loop3A_379 : i32 to vector<16xi32>
        %parallel_loop3A_382 = vector.broadcast %parallel_loop3A_380 : i32 to vector<16xi32>
        %parallel_loop3A_383 = arith.select %parallel_loop3A_378, %parallel_loop3A_381, %parallel_loop3A_382 : vector<16xi1>, vector<16xi32>
        %parallel_loop3A_384 = arith.ori %parallel_loop3A_373, %parallel_loop3A_383 : vector<16xi32>
        %parallel_loop3A_385 = arith.constant 0 : i32
        %parallel_loop3A_386 = vector.broadcast %parallel_loop3A_385 : i32 to vector<16xi32>
        %parallel_loop3A_387 = arith.ori %parallel_loop3A_384, %parallel_loop3A_386 : vector<16xi32>
        %parallel_loop3A_388 = tpu.vector_load_idx %arg5[%parallel_loop3A_387] : memref<1024xf32, #tpu.memory_space<vmem>>[vector<16xi32>], vector<16xf32>,
        %parallel_loop3A_389 = arith.cmpf olt, %parallel_loop3A_388, %parallel_loop3A_336 : vector<16xf32>
        %parallel_loop3A_390 = arith.constant 16 : i32
        %parallel_loop3A_391 = arith.constant 0 : i32
        %parallel_loop3A_392 = vector.broadcast %parallel_loop3A_390 : i32 to vector<16xi32>
        %parallel_loop3A_393 = vector.broadcast %parallel_loop3A_391 : i32 to vector<16xi32>
        %parallel_loop3A_394 = arith.select %parallel_loop3A_389, %parallel_loop3A_392, %parallel_loop3A_393 : vector<16xi1>, vector<16xi32>
        %parallel_loop3A_395 = arith.ori %parallel_loop3A_384, %parallel_loop3A_394 : vector<16xi32>
        %parallel_loop3A_396 = tpu.vector_load_idx %arg5[%parallel_loop3A_395] : memref<1024xf32, #tpu.memory_space<vmem>>[vector<16xi32>], vector<16xf32>,
        %parallel_loop3A_397 = arith.constant 4 : i32
        %parallel_loop3A_398 = vector.broadcast %parallel_loop3A_397 : i32 to vector<16xi32>
        %parallel_loop3A_399 = arith.shrsi %parallel_loop3A_395, %parallel_loop3A_398 : vector<16xi32>
        %parallel_loop3A_400 = arith.cmpf olt, %parallel_loop3A_396, %parallel_loop3A_336 : vector<16xf32>
        %parallel_loop3A_401 = arith.constant 1 : i32
        %parallel_loop3A_402 = arith.constant 0 : i32
        %parallel_loop3A_403 = vector.broadcast %parallel_loop3A_401 : i32 to vector<16xi32>
        %parallel_loop3A_404 = vector.broadcast %parallel_loop3A_402 : i32 to vector<16xi32>
        %parallel_loop3A_405 = arith.select %parallel_loop3A_400, %parallel_loop3A_403, %parallel_loop3A_404 : vector<16xi1>, vector<16xi32>
        %parallel_loop3A_406 = arith.addi %parallel_loop3A_399, %parallel_loop3A_405 : vector<16xi32>
        %parallel_loop3A_407 = arith.sitofp %parallel_loop3A_406 : vector<16xi32> to vector<16xf32>
        %parallel_loop3A_408 = arith.constant 1.562500e-02 : f32
        %parallel_loop3A_409 = vector.broadcast %parallel_loop3A_408 : f32 to vector<16xf32>
        %parallel_loop3A_410 = arith.mulf %parallel_loop3A_407, %parallel_loop3A_409 : vector<16xf32>
        %parallel_loop3A_411 = arith.constant 48 : i32
        %parallel_loop3A_412 = arith.addi %parallel_loop3A_86, %parallel_loop3A_411 : i32
        %parallel_loop3A_413 = arith.index_cast %parallel_loop3A_412 : i32 to index
        %parallel_loop3A_414 = tpu.vector_load %arg8[%parallel_loop3A_413] {strides = array<i32>} : memref<16384xf32, #tpu.memory_space<vmem>>, vector<16xf32>,
        tpu.vector_store %arg8[%parallel_loop3A_413], %parallel_loop3A_410 {strides = array<i32>} : memref<16384xf32, #tpu.memory_space<vmem>>, vector<16xf32>,
      } {sc.loop_unroll_factor = 1 : i64, sc.parallel_access}
      %mul3A_43 = arith.constant 16384 : i32
      %mul3A_44 = arith.muli %add3A_33, %mul3A_43 : i32
      %add3A_45 = arith.addi %mul3A_2, %mul3A_44 : i32
      %dma_start3A_46 = tpu.memref_slice %arg4[%add3A_45] : memref<16777216xf32, #tpu.memory_space<hbm>> -> memref<16384xf32, #tpu.memory_space<hbm>>
      %dma_start3A_47 = tpu.memref_slice %arg4[%add3A_45] : memref<16777216xf32, #tpu.memory_space<hbm>> -> memref<16384xf32, #tpu.memory_space<hbm>>
      tpu.enqueue_dma source(%arg8 : memref<16384xf32, #tpu.memory_space<vmem>>) target(%dma_start3A_47 : memref<16384xf32, #tpu.memory_space<hbm>>) target_semaphore(%arg12 : memref<!tpu.dma_semaphore, #tpu.memory_space<semaphore_mem>>)
      %add3A_48 = arith.constant 2 : i32
      %add3A_49 = arith.addi %add3A_33, %add3A_48 : i32
      %lt3A = arith.constant 32 : i32
      %lt3A_50 = arith.cmpi slt, %add3A_49, %lt3A : i32
      %convert_element_type3A_51 = arith.extui %lt3A_50 : i1 to i32
      %cond3A_52 = arith.constant 0 : i32
      %cond3A_53 = arith.cmpi ne, %convert_element_type3A_51, %cond3A_52 : i32
      scf.if %cond3A_53 {
        %add3A_84 = arith.constant 2 : i32
        %add3A_85 = arith.addi %add3A_33, %add3A_84 : i32
        %mul3A_86 = arith.constant 16384 : i32
        %mul3A_87 = arith.muli %add3A_85, %mul3A_86 : i32
        %add3A_88 = arith.addi %mul3A_2, %mul3A_87 : i32
        %dma_start3A_89 = tpu.memref_slice %arg2[%add3A_88] : memref<16777216xf32, #tpu.memory_space<hbm>> -> memref<16384xf32, #tpu.memory_space<hbm>>
        %dma_start3A_90 = tpu.memref_slice %arg2[%add3A_88] : memref<16777216xf32, #tpu.memory_space<hbm>> -> memref<16384xf32, #tpu.memory_space<hbm>>
        tpu.enqueue_dma source(%dma_start3A_90 : memref<16384xf32, #tpu.memory_space<hbm>>) target(%arg6 : memref<16384xf32, #tpu.memory_space<vmem>>) target_semaphore(%arg10 : memref<!tpu.dma_semaphore, #tpu.memory_space<semaphore_mem>>)
      } else {
      }
      %mul3A_54 = arith.constant 2 : i32
      %mul3A_55 = arith.muli %mul3A_54, %scan3A_28 : i32
      %add3A_56 = arith.constant 1 : i32
      %add3A_57 = arith.addi %mul3A_55, %add3A_56 : i32
      %mul3A_58 = arith.constant 16384 : i32
      %mul3A_59 = arith.muli %add3A_57, %mul3A_58 : i32
      %add3A_60 = arith.addi %mul3A_2, %mul3A_59 : i32
      %dma_wait3A_61 = tpu.memref_slice %arg2[%add3A_60] : memref<16777216xf32, #tpu.memory_space<hbm>> -> memref<16384xf32, #tpu.memory_space<hbm>>
      %dma_wait3A_62 = tpu.memref_slice %arg2[%add3A_60] : memref<16777216xf32, #tpu.memory_space<hbm>> -> memref<16384xf32, #tpu.memory_space<hbm>>
      tpu.wait_dma2 semaphore(%arg11 : memref<!tpu.dma_semaphore, #tpu.memory_space<semaphore_mem>>) src(%dma_wait3A_62 : memref<16384xf32, #tpu.memory_space<hbm>>) dst(%arg7 : memref<16384xf32, #tpu.memory_space<vmem>>)
      %ge3A_63 = arith.constant 2 : i32
      %ge3A_64 = arith.cmpi sge, %add3A_57, %ge3A_63 : i32
      %convert_element_type3A_65 = arith.extui %ge3A_64 : i1 to i32
      %cond3A_66 = arith.constant 0 : i32
      %cond3A_67 = arith.cmpi ne, %convert_element_type3A_65, %cond3A_66 : i32
      scf.if %cond3A_67 {
        %sub3A = arith.constant 2 : i32
        %sub3A_84 = arith.subi %add3A_57, %sub3A : i32
        %mul3A_85 = arith.constant 16384 : i32
        %mul3A_86 = arith.muli %sub3A_84, %mul3A_85 : i32
        %add3A_87 = arith.addi %mul3A_2, %mul3A_86 : i32
        %dma_wait3A_88 = tpu.memref_slice %arg4[%add3A_87] : memref<16777216xf32, #tpu.memory_space<hbm>> -> memref<16384xf32, #tpu.memory_space<hbm>>
        %dma_wait3A_89 = tpu.memref_slice %arg4[%add3A_87] : memref<16777216xf32, #tpu.memory_space<hbm>> -> memref<16384xf32, #tpu.memory_space<hbm>>
        tpu.wait_dma2 semaphore(%arg13 : memref<!tpu.dma_semaphore, #tpu.memory_space<semaphore_mem>>) src(%arg9 : memref<16384xf32, #tpu.memory_space<vmem>>) dst(%dma_wait3A_89 : memref<16384xf32, #tpu.memory_space<hbm>>)
      } else {
      }
      %parallel_loop3A_68 = arith.constant 0 : i32
      %parallel_loop3A_69 = arith.constant 256 : i32
      %parallel_loop3A_70 = arith.constant 1 : i32
      scf.for %parallel_loop3A_84 = %parallel_loop3A_68 to %parallel_loop3A_69 step %parallel_loop3A_70  : i32 {
        %parallel_loop3A_85 = arith.constant 64 : i32
        %parallel_loop3A_86 = arith.muli %parallel_loop3A_84, %parallel_loop3A_85 : i32
        %parallel_loop3A_87 = arith.constant 0 : i32
        %parallel_loop3A_88 = arith.addi %parallel_loop3A_86, %parallel_loop3A_87 : i32
        %parallel_loop3A_89 = arith.index_cast %parallel_loop3A_88 : i32 to index
        %parallel_loop3A_90 = tpu.vector_load %arg7[%parallel_loop3A_89] {strides = array<i32>} : memref<16384xf32, #tpu.memory_space<vmem>>, vector<16xf32>,
        %parallel_loop3A_91 = arith.cmpf olt, %get3A_3, %parallel_loop3A_90 : vector<16xf32>
        %parallel_loop3A_92 = arith.constant 512 : i32
        %parallel_loop3A_93 = arith.constant 0 : i32
        %parallel_loop3A_94 = vector.broadcast %parallel_loop3A_92 : i32 to vector<16xi32>
        %parallel_loop3A_95 = vector.broadcast %parallel_loop3A_93 : i32 to vector<16xi32>
        %parallel_loop3A_96 = arith.select %parallel_loop3A_91, %parallel_loop3A_94, %parallel_loop3A_95 : vector<16xi1>, vector<16xi32>
        %parallel_loop3A_97 = arith.ori %parallel_loop3A_96, %iota3A : vector<16xi32>
        %parallel_loop3A_98 = arith.select %parallel_loop3A_91, %get3A_7, %get3A_5 : vector<16xi1>, vector<16xf32>
        %parallel_loop3A_99 = arith.cmpf olt, %parallel_loop3A_98, %parallel_loop3A_90 : vector<16xf32>
        %parallel_loop3A_100 = arith.constant 256 : i32
        %parallel_loop3A_101 = arith.constant 0 : i32
        %parallel_loop3A_102 = vector.broadcast %parallel_loop3A_100 : i32 to vector<16xi32>
        %parallel_loop3A_103 = vector.broadcast %parallel_loop3A_101 : i32 to vector<16xi32>
        %parallel_loop3A_104 = arith.select %parallel_loop3A_99, %parallel_loop3A_102, %parallel_loop3A_103 : vector<16xi1>, vector<16xi32>
        %parallel_loop3A_105 = arith.ori %parallel_loop3A_97, %parallel_loop3A_104 : vector<16xi32>
        %parallel_loop3A_106 = arith.constant 112 : i32
        %parallel_loop3A_107 = vector.broadcast %parallel_loop3A_106 : i32 to vector<16xi32>
        %parallel_loop3A_108 = arith.ori %parallel_loop3A_105, %parallel_loop3A_107 : vector<16xi32>
        %parallel_loop3A_109 = tpu.vector_load_idx %arg5[%parallel_loop3A_108] : memref<1024xf32, #tpu.memory_space<vmem>>[vector<16xi32>], vector<16xf32>,
        %parallel_loop3A_110 = arith.cmpf olt, %parallel_loop3A_109, %parallel_loop3A_90 : vector<16xf32>
        %parallel_loop3A_111 = arith.constant 128 : i32
        %parallel_loop3A_112 = arith.constant 0 : i32
        %parallel_loop3A_113 = vector.broadcast %parallel_loop3A_111 : i32 to vector<16xi32>
        %parallel_loop3A_114 = vector.broadcast %parallel_loop3A_112 : i32 to vector<16xi32>
        %parallel_loop3A_115 = arith.select %parallel_loop3A_110, %parallel_loop3A_113, %parallel_loop3A_114 : vector<16xi1>, vector<16xi32>
        %parallel_loop3A_116 = arith.ori %parallel_loop3A_105, %parallel_loop3A_115 : vector<16xi32>
        %parallel_loop3A_117 = arith.constant 48 : i32
        %parallel_loop3A_118 = vector.broadcast %parallel_loop3A_117 : i32 to vector<16xi32>
        %parallel_loop3A_119 = arith.ori %parallel_loop3A_116, %parallel_loop3A_118 : vector<16xi32>
        %parallel_loop3A_120 = tpu.vector_load_idx %arg5[%parallel_loop3A_119] : memref<1024xf32, #tpu.memory_space<vmem>>[vector<16xi32>], vector<16xf32>,
        %parallel_loop3A_121 = arith.cmpf olt, %parallel_loop3A_120, %parallel_loop3A_90 : vector<16xf32>
        %parallel_loop3A_122 = arith.constant 64 : i32
        %parallel_loop3A_123 = arith.constant 0 : i32
        %parallel_loop3A_124 = vector.broadcast %parallel_loop3A_122 : i32 to vector<16xi32>
        %parallel_loop3A_125 = vector.broadcast %parallel_loop3A_123 : i32 to vector<16xi32>
        %parallel_loop3A_126 = arith.select %parallel_loop3A_121, %parallel_loop3A_124, %parallel_loop3A_125 : vector<16xi1>, vector<16xi32>
        %parallel_loop3A_127 = arith.ori %parallel_loop3A_116, %parallel_loop3A_126 : vector<16xi32>
        %parallel_loop3A_128 = arith.constant 16 : i32
        %parallel_loop3A_129 = vector.broadcast %parallel_loop3A_128 : i32 to vector<16xi32>
        %parallel_loop3A_130 = arith.ori %parallel_loop3A_127, %parallel_loop3A_129 : vector<16xi32>
        %parallel_loop3A_131 = tpu.vector_load_idx %arg5[%parallel_loop3A_130] : memref<1024xf32, #tpu.memory_space<vmem>>[vector<16xi32>], vector<16xf32>,
        %parallel_loop3A_132 = arith.cmpf olt, %parallel_loop3A_131, %parallel_loop3A_90 : vector<16xf32>
        %parallel_loop3A_133 = arith.constant 32 : i32
        %parallel_loop3A_134 = arith.constant 0 : i32
        %parallel_loop3A_135 = vector.broadcast %parallel_loop3A_133 : i32 to vector<16xi32>
        %parallel_loop3A_136 = vector.broadcast %parallel_loop3A_134 : i32 to vector<16xi32>
        %parallel_loop3A_137 = arith.select %parallel_loop3A_132, %parallel_loop3A_135, %parallel_loop3A_136 : vector<16xi1>, vector<16xi32>
        %parallel_loop3A_138 = arith.ori %parallel_loop3A_127, %parallel_loop3A_137 : vector<16xi32>
        %parallel_loop3A_139 = arith.constant 0 : i32
        %parallel_loop3A_140 = vector.broadcast %parallel_loop3A_139 : i32 to vector<16xi32>
        %parallel_loop3A_141 = arith.ori %parallel_loop3A_138, %parallel_loop3A_140 : vector<16xi32>
        %parallel_loop3A_142 = tpu.vector_load_idx %arg5[%parallel_loop3A_141] : memref<1024xf32, #tpu.memory_space<vmem>>[vector<16xi32>], vector<16xf32>,
        %parallel_loop3A_143 = arith.cmpf olt, %parallel_loop3A_142, %parallel_loop3A_90 : vector<16xf32>
        %parallel_loop3A_144 = arith.constant 16 : i32
        %parallel_loop3A_145 = arith.constant 0 : i32
        %parallel_loop3A_146 = vector.broadcast %parallel_loop3A_144 : i32 to vector<16xi32>
        %parallel_loop3A_147 = vector.broadcast %parallel_loop3A_145 : i32 to vector<16xi32>
        %parallel_loop3A_148 = arith.select %parallel_loop3A_143, %parallel_loop3A_146, %parallel_loop3A_147 : vector<16xi1>, vector<16xi32>
        %parallel_loop3A_149 = arith.ori %parallel_loop3A_138, %parallel_loop3A_148 : vector<16xi32>
        %parallel_loop3A_150 = tpu.vector_load_idx %arg5[%parallel_loop3A_149] : memref<1024xf32, #tpu.memory_space<vmem>>[vector<16xi32>], vector<16xf32>,
        %parallel_loop3A_151 = arith.constant 4 : i32
        %parallel_loop3A_152 = vector.broadcast %parallel_loop3A_151 : i32 to vector<16xi32>
        %parallel_loop3A_153 = arith.shrsi %parallel_loop3A_149, %parallel_loop3A_152 : vector<16xi32>
        %parallel_loop3A_154 = arith.cmpf olt, %parallel_loop3A_150, %parallel_loop3A_90 : vector<16xf32>
        %parallel_loop3A_155 = arith.constant 1 : i32
        %parallel_loop3A_156 = arith.constant 0 : i32
        %parallel_loop3A_157 = vector.broadcast %parallel_loop3A_155 : i32 to vector<16xi32>
        %parallel_loop3A_158 = vector.broadcast %parallel_loop3A_156 : i32 to vector<16xi32>
        %parallel_loop3A_159 = arith.select %parallel_loop3A_154, %parallel_loop3A_157, %parallel_loop3A_158 : vector<16xi1>, vector<16xi32>
        %parallel_loop3A_160 = arith.addi %parallel_loop3A_153, %parallel_loop3A_159 : vector<16xi32>
        %parallel_loop3A_161 = arith.sitofp %parallel_loop3A_160 : vector<16xi32> to vector<16xf32>
        %parallel_loop3A_162 = arith.constant 1.562500e-02 : f32
        %parallel_loop3A_163 = vector.broadcast %parallel_loop3A_162 : f32 to vector<16xf32>
        %parallel_loop3A_164 = arith.mulf %parallel_loop3A_161, %parallel_loop3A_163 : vector<16xf32>
        %parallel_loop3A_165 = arith.constant 0 : i32
        %parallel_loop3A_166 = arith.addi %parallel_loop3A_86, %parallel_loop3A_165 : i32
        %parallel_loop3A_167 = arith.index_cast %parallel_loop3A_166 : i32 to index
        %parallel_loop3A_168 = tpu.vector_load %arg9[%parallel_loop3A_167] {strides = array<i32>} : memref<16384xf32, #tpu.memory_space<vmem>>, vector<16xf32>,
        tpu.vector_store %arg9[%parallel_loop3A_167], %parallel_loop3A_164 {strides = array<i32>} : memref<16384xf32, #tpu.memory_space<vmem>>, vector<16xf32>,
        %parallel_loop3A_169 = arith.constant 16 : i32
        %parallel_loop3A_170 = arith.addi %parallel_loop3A_86, %parallel_loop3A_169 : i32
        %parallel_loop3A_171 = arith.index_cast %parallel_loop3A_170 : i32 to index
        %parallel_loop3A_172 = tpu.vector_load %arg7[%parallel_loop3A_171] {strides = array<i32>} : memref<16384xf32, #tpu.memory_space<vmem>>, vector<16xf32>,
        %parallel_loop3A_173 = arith.cmpf olt, %get3A_3, %parallel_loop3A_172 : vector<16xf32>
        %parallel_loop3A_174 = arith.constant 512 : i32
        %parallel_loop3A_175 = arith.constant 0 : i32
        %parallel_loop3A_176 = vector.broadcast %parallel_loop3A_174 : i32 to vector<16xi32>
        %parallel_loop3A_177 = vector.broadcast %parallel_loop3A_175 : i32 to vector<16xi32>
        %parallel_loop3A_178 = arith.select %parallel_loop3A_173, %parallel_loop3A_176, %parallel_loop3A_177 : vector<16xi1>, vector<16xi32>
        %parallel_loop3A_179 = arith.ori %parallel_loop3A_178, %iota3A : vector<16xi32>
        %parallel_loop3A_180 = arith.select %parallel_loop3A_173, %get3A_7, %get3A_5 : vector<16xi1>, vector<16xf32>
        %parallel_loop3A_181 = arith.cmpf olt, %parallel_loop3A_180, %parallel_loop3A_172 : vector<16xf32>
        %parallel_loop3A_182 = arith.constant 256 : i32
        %parallel_loop3A_183 = arith.constant 0 : i32
        %parallel_loop3A_184 = vector.broadcast %parallel_loop3A_182 : i32 to vector<16xi32>
        %parallel_loop3A_185 = vector.broadcast %parallel_loop3A_183 : i32 to vector<16xi32>
        %parallel_loop3A_186 = arith.select %parallel_loop3A_181, %parallel_loop3A_184, %parallel_loop3A_185 : vector<16xi1>, vector<16xi32>
        %parallel_loop3A_187 = arith.ori %parallel_loop3A_179, %parallel_loop3A_186 : vector<16xi32>
        %parallel_loop3A_188 = arith.constant 112 : i32
        %parallel_loop3A_189 = vector.broadcast %parallel_loop3A_188 : i32 to vector<16xi32>
        %parallel_loop3A_190 = arith.ori %parallel_loop3A_187, %parallel_loop3A_189 : vector<16xi32>
        %parallel_loop3A_191 = tpu.vector_load_idx %arg5[%parallel_loop3A_190] : memref<1024xf32, #tpu.memory_space<vmem>>[vector<16xi32>], vector<16xf32>,
        %parallel_loop3A_192 = arith.cmpf olt, %parallel_loop3A_191, %parallel_loop3A_172 : vector<16xf32>
        %parallel_loop3A_193 = arith.constant 128 : i32
        %parallel_loop3A_194 = arith.constant 0 : i32
        %parallel_loop3A_195 = vector.broadcast %parallel_loop3A_193 : i32 to vector<16xi32>
        %parallel_loop3A_196 = vector.broadcast %parallel_loop3A_194 : i32 to vector<16xi32>
        %parallel_loop3A_197 = arith.select %parallel_loop3A_192, %parallel_loop3A_195, %parallel_loop3A_196 : vector<16xi1>, vector<16xi32>
        %parallel_loop3A_198 = arith.ori %parallel_loop3A_187, %parallel_loop3A_197 : vector<16xi32>
        %parallel_loop3A_199 = arith.constant 48 : i32
        %parallel_loop3A_200 = vector.broadcast %parallel_loop3A_199 : i32 to vector<16xi32>
        %parallel_loop3A_201 = arith.ori %parallel_loop3A_198, %parallel_loop3A_200 : vector<16xi32>
        %parallel_loop3A_202 = tpu.vector_load_idx %arg5[%parallel_loop3A_201] : memref<1024xf32, #tpu.memory_space<vmem>>[vector<16xi32>], vector<16xf32>,
        %parallel_loop3A_203 = arith.cmpf olt, %parallel_loop3A_202, %parallel_loop3A_172 : vector<16xf32>
        %parallel_loop3A_204 = arith.constant 64 : i32
        %parallel_loop3A_205 = arith.constant 0 : i32
        %parallel_loop3A_206 = vector.broadcast %parallel_loop3A_204 : i32 to vector<16xi32>
        %parallel_loop3A_207 = vector.broadcast %parallel_loop3A_205 : i32 to vector<16xi32>
        %parallel_loop3A_208 = arith.select %parallel_loop3A_203, %parallel_loop3A_206, %parallel_loop3A_207 : vector<16xi1>, vector<16xi32>
        %parallel_loop3A_209 = arith.ori %parallel_loop3A_198, %parallel_loop3A_208 : vector<16xi32>
        %parallel_loop3A_210 = arith.constant 16 : i32
        %parallel_loop3A_211 = vector.broadcast %parallel_loop3A_210 : i32 to vector<16xi32>
        %parallel_loop3A_212 = arith.ori %parallel_loop3A_209, %parallel_loop3A_211 : vector<16xi32>
        %parallel_loop3A_213 = tpu.vector_load_idx %arg5[%parallel_loop3A_212] : memref<1024xf32, #tpu.memory_space<vmem>>[vector<16xi32>], vector<16xf32>,
        %parallel_loop3A_214 = arith.cmpf olt, %parallel_loop3A_213, %parallel_loop3A_172 : vector<16xf32>
        %parallel_loop3A_215 = arith.constant 32 : i32
        %parallel_loop3A_216 = arith.constant 0 : i32
        %parallel_loop3A_217 = vector.broadcast %parallel_loop3A_215 : i32 to vector<16xi32>
        %parallel_loop3A_218 = vector.broadcast %parallel_loop3A_216 : i32 to vector<16xi32>
        %parallel_loop3A_219 = arith.select %parallel_loop3A_214, %parallel_loop3A_217, %parallel_loop3A_218 : vector<16xi1>, vector<16xi32>
        %parallel_loop3A_220 = arith.ori %parallel_loop3A_209, %parallel_loop3A_219 : vector<16xi32>
        %parallel_loop3A_221 = arith.constant 0 : i32
        %parallel_loop3A_222 = vector.broadcast %parallel_loop3A_221 : i32 to vector<16xi32>
        %parallel_loop3A_223 = arith.ori %parallel_loop3A_220, %parallel_loop3A_222 : vector<16xi32>
        %parallel_loop3A_224 = tpu.vector_load_idx %arg5[%parallel_loop3A_223] : memref<1024xf32, #tpu.memory_space<vmem>>[vector<16xi32>], vector<16xf32>,
        %parallel_loop3A_225 = arith.cmpf olt, %parallel_loop3A_224, %parallel_loop3A_172 : vector<16xf32>
        %parallel_loop3A_226 = arith.constant 16 : i32
        %parallel_loop3A_227 = arith.constant 0 : i32
        %parallel_loop3A_228 = vector.broadcast %parallel_loop3A_226 : i32 to vector<16xi32>
        %parallel_loop3A_229 = vector.broadcast %parallel_loop3A_227 : i32 to vector<16xi32>
        %parallel_loop3A_230 = arith.select %parallel_loop3A_225, %parallel_loop3A_228, %parallel_loop3A_229 : vector<16xi1>, vector<16xi32>
        %parallel_loop3A_231 = arith.ori %parallel_loop3A_220, %parallel_loop3A_230 : vector<16xi32>
        %parallel_loop3A_232 = tpu.vector_load_idx %arg5[%parallel_loop3A_231] : memref<1024xf32, #tpu.memory_space<vmem>>[vector<16xi32>], vector<16xf32>,
        %parallel_loop3A_233 = arith.constant 4 : i32
        %parallel_loop3A_234 = vector.broadcast %parallel_loop3A_233 : i32 to vector<16xi32>
        %parallel_loop3A_235 = arith.shrsi %parallel_loop3A_231, %parallel_loop3A_234 : vector<16xi32>
        %parallel_loop3A_236 = arith.cmpf olt, %parallel_loop3A_232, %parallel_loop3A_172 : vector<16xf32>
        %parallel_loop3A_237 = arith.constant 1 : i32
        %parallel_loop3A_238 = arith.constant 0 : i32
        %parallel_loop3A_239 = vector.broadcast %parallel_loop3A_237 : i32 to vector<16xi32>
        %parallel_loop3A_240 = vector.broadcast %parallel_loop3A_238 : i32 to vector<16xi32>
        %parallel_loop3A_241 = arith.select %parallel_loop3A_236, %parallel_loop3A_239, %parallel_loop3A_240 : vector<16xi1>, vector<16xi32>
        %parallel_loop3A_242 = arith.addi %parallel_loop3A_235, %parallel_loop3A_241 : vector<16xi32>
        %parallel_loop3A_243 = arith.sitofp %parallel_loop3A_242 : vector<16xi32> to vector<16xf32>
        %parallel_loop3A_244 = arith.constant 1.562500e-02 : f32
        %parallel_loop3A_245 = vector.broadcast %parallel_loop3A_244 : f32 to vector<16xf32>
        %parallel_loop3A_246 = arith.mulf %parallel_loop3A_243, %parallel_loop3A_245 : vector<16xf32>
        %parallel_loop3A_247 = arith.constant 16 : i32
        %parallel_loop3A_248 = arith.addi %parallel_loop3A_86, %parallel_loop3A_247 : i32
        %parallel_loop3A_249 = arith.index_cast %parallel_loop3A_248 : i32 to index
        %parallel_loop3A_250 = tpu.vector_load %arg9[%parallel_loop3A_249] {strides = array<i32>} : memref<16384xf32, #tpu.memory_space<vmem>>, vector<16xf32>,
        tpu.vector_store %arg9[%parallel_loop3A_249], %parallel_loop3A_246 {strides = array<i32>} : memref<16384xf32, #tpu.memory_space<vmem>>, vector<16xf32>,
        %parallel_loop3A_251 = arith.constant 32 : i32
        %parallel_loop3A_252 = arith.addi %parallel_loop3A_86, %parallel_loop3A_251 : i32
        %parallel_loop3A_253 = arith.index_cast %parallel_loop3A_252 : i32 to index
        %parallel_loop3A_254 = tpu.vector_load %arg7[%parallel_loop3A_253] {strides = array<i32>} : memref<16384xf32, #tpu.memory_space<vmem>>, vector<16xf32>,
        %parallel_loop3A_255 = arith.cmpf olt, %get3A_3, %parallel_loop3A_254 : vector<16xf32>
        %parallel_loop3A_256 = arith.constant 512 : i32
        %parallel_loop3A_257 = arith.constant 0 : i32
        %parallel_loop3A_258 = vector.broadcast %parallel_loop3A_256 : i32 to vector<16xi32>
        %parallel_loop3A_259 = vector.broadcast %parallel_loop3A_257 : i32 to vector<16xi32>
        %parallel_loop3A_260 = arith.select %parallel_loop3A_255, %parallel_loop3A_258, %parallel_loop3A_259 : vector<16xi1>, vector<16xi32>
        %parallel_loop3A_261 = arith.ori %parallel_loop3A_260, %iota3A : vector<16xi32>
        %parallel_loop3A_262 = arith.select %parallel_loop3A_255, %get3A_7, %get3A_5 : vector<16xi1>, vector<16xf32>
        %parallel_loop3A_263 = arith.cmpf olt, %parallel_loop3A_262, %parallel_loop3A_254 : vector<16xf32>
        %parallel_loop3A_264 = arith.constant 256 : i32
        %parallel_loop3A_265 = arith.constant 0 : i32
        %parallel_loop3A_266 = vector.broadcast %parallel_loop3A_264 : i32 to vector<16xi32>
        %parallel_loop3A_267 = vector.broadcast %parallel_loop3A_265 : i32 to vector<16xi32>
        %parallel_loop3A_268 = arith.select %parallel_loop3A_263, %parallel_loop3A_266, %parallel_loop3A_267 : vector<16xi1>, vector<16xi32>
        %parallel_loop3A_269 = arith.ori %parallel_loop3A_261, %parallel_loop3A_268 : vector<16xi32>
        %parallel_loop3A_270 = arith.constant 112 : i32
        %parallel_loop3A_271 = vector.broadcast %parallel_loop3A_270 : i32 to vector<16xi32>
        %parallel_loop3A_272 = arith.ori %parallel_loop3A_269, %parallel_loop3A_271 : vector<16xi32>
        %parallel_loop3A_273 = tpu.vector_load_idx %arg5[%parallel_loop3A_272] : memref<1024xf32, #tpu.memory_space<vmem>>[vector<16xi32>], vector<16xf32>,
        %parallel_loop3A_274 = arith.cmpf olt, %parallel_loop3A_273, %parallel_loop3A_254 : vector<16xf32>
        %parallel_loop3A_275 = arith.constant 128 : i32
        %parallel_loop3A_276 = arith.constant 0 : i32
        %parallel_loop3A_277 = vector.broadcast %parallel_loop3A_275 : i32 to vector<16xi32>
        %parallel_loop3A_278 = vector.broadcast %parallel_loop3A_276 : i32 to vector<16xi32>
        %parallel_loop3A_279 = arith.select %parallel_loop3A_274, %parallel_loop3A_277, %parallel_loop3A_278 : vector<16xi1>, vector<16xi32>
        %parallel_loop3A_280 = arith.ori %parallel_loop3A_269, %parallel_loop3A_279 : vector<16xi32>
        %parallel_loop3A_281 = arith.constant 48 : i32
        %parallel_loop3A_282 = vector.broadcast %parallel_loop3A_281 : i32 to vector<16xi32>
        %parallel_loop3A_283 = arith.ori %parallel_loop3A_280, %parallel_loop3A_282 : vector<16xi32>
        %parallel_loop3A_284 = tpu.vector_load_idx %arg5[%parallel_loop3A_283] : memref<1024xf32, #tpu.memory_space<vmem>>[vector<16xi32>], vector<16xf32>,
        %parallel_loop3A_285 = arith.cmpf olt, %parallel_loop3A_284, %parallel_loop3A_254 : vector<16xf32>
        %parallel_loop3A_286 = arith.constant 64 : i32
        %parallel_loop3A_287 = arith.constant 0 : i32
        %parallel_loop3A_288 = vector.broadcast %parallel_loop3A_286 : i32 to vector<16xi32>
        %parallel_loop3A_289 = vector.broadcast %parallel_loop3A_287 : i32 to vector<16xi32>
        %parallel_loop3A_290 = arith.select %parallel_loop3A_285, %parallel_loop3A_288, %parallel_loop3A_289 : vector<16xi1>, vector<16xi32>
        %parallel_loop3A_291 = arith.ori %parallel_loop3A_280, %parallel_loop3A_290 : vector<16xi32>
        %parallel_loop3A_292 = arith.constant 16 : i32
        %parallel_loop3A_293 = vector.broadcast %parallel_loop3A_292 : i32 to vector<16xi32>
        %parallel_loop3A_294 = arith.ori %parallel_loop3A_291, %parallel_loop3A_293 : vector<16xi32>
        %parallel_loop3A_295 = tpu.vector_load_idx %arg5[%parallel_loop3A_294] : memref<1024xf32, #tpu.memory_space<vmem>>[vector<16xi32>], vector<16xf32>,
        %parallel_loop3A_296 = arith.cmpf olt, %parallel_loop3A_295, %parallel_loop3A_254 : vector<16xf32>
        %parallel_loop3A_297 = arith.constant 32 : i32
        %parallel_loop3A_298 = arith.constant 0 : i32
        %parallel_loop3A_299 = vector.broadcast %parallel_loop3A_297 : i32 to vector<16xi32>
        %parallel_loop3A_300 = vector.broadcast %parallel_loop3A_298 : i32 to vector<16xi32>
        %parallel_loop3A_301 = arith.select %parallel_loop3A_296, %parallel_loop3A_299, %parallel_loop3A_300 : vector<16xi1>, vector<16xi32>
        %parallel_loop3A_302 = arith.ori %parallel_loop3A_291, %parallel_loop3A_301 : vector<16xi32>
        %parallel_loop3A_303 = arith.constant 0 : i32
        %parallel_loop3A_304 = vector.broadcast %parallel_loop3A_303 : i32 to vector<16xi32>
        %parallel_loop3A_305 = arith.ori %parallel_loop3A_302, %parallel_loop3A_304 : vector<16xi32>
        %parallel_loop3A_306 = tpu.vector_load_idx %arg5[%parallel_loop3A_305] : memref<1024xf32, #tpu.memory_space<vmem>>[vector<16xi32>], vector<16xf32>,
        %parallel_loop3A_307 = arith.cmpf olt, %parallel_loop3A_306, %parallel_loop3A_254 : vector<16xf32>
        %parallel_loop3A_308 = arith.constant 16 : i32
        %parallel_loop3A_309 = arith.constant 0 : i32
        %parallel_loop3A_310 = vector.broadcast %parallel_loop3A_308 : i32 to vector<16xi32>
        %parallel_loop3A_311 = vector.broadcast %parallel_loop3A_309 : i32 to vector<16xi32>
        %parallel_loop3A_312 = arith.select %parallel_loop3A_307, %parallel_loop3A_310, %parallel_loop3A_311 : vector<16xi1>, vector<16xi32>
        %parallel_loop3A_313 = arith.ori %parallel_loop3A_302, %parallel_loop3A_312 : vector<16xi32>
        %parallel_loop3A_314 = tpu.vector_load_idx %arg5[%parallel_loop3A_313] : memref<1024xf32, #tpu.memory_space<vmem>>[vector<16xi32>], vector<16xf32>,
        %parallel_loop3A_315 = arith.constant 4 : i32
        %parallel_loop3A_316 = vector.broadcast %parallel_loop3A_315 : i32 to vector<16xi32>
        %parallel_loop3A_317 = arith.shrsi %parallel_loop3A_313, %parallel_loop3A_316 : vector<16xi32>
        %parallel_loop3A_318 = arith.cmpf olt, %parallel_loop3A_314, %parallel_loop3A_254 : vector<16xf32>
        %parallel_loop3A_319 = arith.constant 1 : i32
        %parallel_loop3A_320 = arith.constant 0 : i32
        %parallel_loop3A_321 = vector.broadcast %parallel_loop3A_319 : i32 to vector<16xi32>
        %parallel_loop3A_322 = vector.broadcast %parallel_loop3A_320 : i32 to vector<16xi32>
        %parallel_loop3A_323 = arith.select %parallel_loop3A_318, %parallel_loop3A_321, %parallel_loop3A_322 : vector<16xi1>, vector<16xi32>
        %parallel_loop3A_324 = arith.addi %parallel_loop3A_317, %parallel_loop3A_323 : vector<16xi32>
        %parallel_loop3A_325 = arith.sitofp %parallel_loop3A_324 : vector<16xi32> to vector<16xf32>
        %parallel_loop3A_326 = arith.constant 1.562500e-02 : f32
        %parallel_loop3A_327 = vector.broadcast %parallel_loop3A_326 : f32 to vector<16xf32>
        %parallel_loop3A_328 = arith.mulf %parallel_loop3A_325, %parallel_loop3A_327 : vector<16xf32>
        %parallel_loop3A_329 = arith.constant 32 : i32
        %parallel_loop3A_330 = arith.addi %parallel_loop3A_86, %parallel_loop3A_329 : i32
        %parallel_loop3A_331 = arith.index_cast %parallel_loop3A_330 : i32 to index
        %parallel_loop3A_332 = tpu.vector_load %arg9[%parallel_loop3A_331] {strides = array<i32>} : memref<16384xf32, #tpu.memory_space<vmem>>, vector<16xf32>,
        tpu.vector_store %arg9[%parallel_loop3A_331], %parallel_loop3A_328 {strides = array<i32>} : memref<16384xf32, #tpu.memory_space<vmem>>, vector<16xf32>,
        %parallel_loop3A_333 = arith.constant 48 : i32
        %parallel_loop3A_334 = arith.addi %parallel_loop3A_86, %parallel_loop3A_333 : i32
        %parallel_loop3A_335 = arith.index_cast %parallel_loop3A_334 : i32 to index
        %parallel_loop3A_336 = tpu.vector_load %arg7[%parallel_loop3A_335] {strides = array<i32>} : memref<16384xf32, #tpu.memory_space<vmem>>, vector<16xf32>,
        %parallel_loop3A_337 = arith.cmpf olt, %get3A_3, %parallel_loop3A_336 : vector<16xf32>
        %parallel_loop3A_338 = arith.constant 512 : i32
        %parallel_loop3A_339 = arith.constant 0 : i32
        %parallel_loop3A_340 = vector.broadcast %parallel_loop3A_338 : i32 to vector<16xi32>
        %parallel_loop3A_341 = vector.broadcast %parallel_loop3A_339 : i32 to vector<16xi32>
        %parallel_loop3A_342 = arith.select %parallel_loop3A_337, %parallel_loop3A_340, %parallel_loop3A_341 : vector<16xi1>, vector<16xi32>
        %parallel_loop3A_343 = arith.ori %parallel_loop3A_342, %iota3A : vector<16xi32>
        %parallel_loop3A_344 = arith.select %parallel_loop3A_337, %get3A_7, %get3A_5 : vector<16xi1>, vector<16xf32>
        %parallel_loop3A_345 = arith.cmpf olt, %parallel_loop3A_344, %parallel_loop3A_336 : vector<16xf32>
        %parallel_loop3A_346 = arith.constant 256 : i32
        %parallel_loop3A_347 = arith.constant 0 : i32
        %parallel_loop3A_348 = vector.broadcast %parallel_loop3A_346 : i32 to vector<16xi32>
        %parallel_loop3A_349 = vector.broadcast %parallel_loop3A_347 : i32 to vector<16xi32>
        %parallel_loop3A_350 = arith.select %parallel_loop3A_345, %parallel_loop3A_348, %parallel_loop3A_349 : vector<16xi1>, vector<16xi32>
        %parallel_loop3A_351 = arith.ori %parallel_loop3A_343, %parallel_loop3A_350 : vector<16xi32>
        %parallel_loop3A_352 = arith.constant 112 : i32
        %parallel_loop3A_353 = vector.broadcast %parallel_loop3A_352 : i32 to vector<16xi32>
        %parallel_loop3A_354 = arith.ori %parallel_loop3A_351, %parallel_loop3A_353 : vector<16xi32>
        %parallel_loop3A_355 = tpu.vector_load_idx %arg5[%parallel_loop3A_354] : memref<1024xf32, #tpu.memory_space<vmem>>[vector<16xi32>], vector<16xf32>,
        %parallel_loop3A_356 = arith.cmpf olt, %parallel_loop3A_355, %parallel_loop3A_336 : vector<16xf32>
        %parallel_loop3A_357 = arith.constant 128 : i32
        %parallel_loop3A_358 = arith.constant 0 : i32
        %parallel_loop3A_359 = vector.broadcast %parallel_loop3A_357 : i32 to vector<16xi32>
        %parallel_loop3A_360 = vector.broadcast %parallel_loop3A_358 : i32 to vector<16xi32>
        %parallel_loop3A_361 = arith.select %parallel_loop3A_356, %parallel_loop3A_359, %parallel_loop3A_360 : vector<16xi1>, vector<16xi32>
        %parallel_loop3A_362 = arith.ori %parallel_loop3A_351, %parallel_loop3A_361 : vector<16xi32>
        %parallel_loop3A_363 = arith.constant 48 : i32
        %parallel_loop3A_364 = vector.broadcast %parallel_loop3A_363 : i32 to vector<16xi32>
        %parallel_loop3A_365 = arith.ori %parallel_loop3A_362, %parallel_loop3A_364 : vector<16xi32>
        %parallel_loop3A_366 = tpu.vector_load_idx %arg5[%parallel_loop3A_365] : memref<1024xf32, #tpu.memory_space<vmem>>[vector<16xi32>], vector<16xf32>,
        %parallel_loop3A_367 = arith.cmpf olt, %parallel_loop3A_366, %parallel_loop3A_336 : vector<16xf32>
        %parallel_loop3A_368 = arith.constant 64 : i32
        %parallel_loop3A_369 = arith.constant 0 : i32
        %parallel_loop3A_370 = vector.broadcast %parallel_loop3A_368 : i32 to vector<16xi32>
        %parallel_loop3A_371 = vector.broadcast %parallel_loop3A_369 : i32 to vector<16xi32>
        %parallel_loop3A_372 = arith.select %parallel_loop3A_367, %parallel_loop3A_370, %parallel_loop3A_371 : vector<16xi1>, vector<16xi32>
        %parallel_loop3A_373 = arith.ori %parallel_loop3A_362, %parallel_loop3A_372 : vector<16xi32>
        %parallel_loop3A_374 = arith.constant 16 : i32
        %parallel_loop3A_375 = vector.broadcast %parallel_loop3A_374 : i32 to vector<16xi32>
        %parallel_loop3A_376 = arith.ori %parallel_loop3A_373, %parallel_loop3A_375 : vector<16xi32>
        %parallel_loop3A_377 = tpu.vector_load_idx %arg5[%parallel_loop3A_376] : memref<1024xf32, #tpu.memory_space<vmem>>[vector<16xi32>], vector<16xf32>,
        %parallel_loop3A_378 = arith.cmpf olt, %parallel_loop3A_377, %parallel_loop3A_336 : vector<16xf32>
        %parallel_loop3A_379 = arith.constant 32 : i32
        %parallel_loop3A_380 = arith.constant 0 : i32
        %parallel_loop3A_381 = vector.broadcast %parallel_loop3A_379 : i32 to vector<16xi32>
        %parallel_loop3A_382 = vector.broadcast %parallel_loop3A_380 : i32 to vector<16xi32>
        %parallel_loop3A_383 = arith.select %parallel_loop3A_378, %parallel_loop3A_381, %parallel_loop3A_382 : vector<16xi1>, vector<16xi32>
        %parallel_loop3A_384 = arith.ori %parallel_loop3A_373, %parallel_loop3A_383 : vector<16xi32>
        %parallel_loop3A_385 = arith.constant 0 : i32
        %parallel_loop3A_386 = vector.broadcast %parallel_loop3A_385 : i32 to vector<16xi32>
        %parallel_loop3A_387 = arith.ori %parallel_loop3A_384, %parallel_loop3A_386 : vector<16xi32>
        %parallel_loop3A_388 = tpu.vector_load_idx %arg5[%parallel_loop3A_387] : memref<1024xf32, #tpu.memory_space<vmem>>[vector<16xi32>], vector<16xf32>,
        %parallel_loop3A_389 = arith.cmpf olt, %parallel_loop3A_388, %parallel_loop3A_336 : vector<16xf32>
        %parallel_loop3A_390 = arith.constant 16 : i32
        %parallel_loop3A_391 = arith.constant 0 : i32
        %parallel_loop3A_392 = vector.broadcast %parallel_loop3A_390 : i32 to vector<16xi32>
        %parallel_loop3A_393 = vector.broadcast %parallel_loop3A_391 : i32 to vector<16xi32>
        %parallel_loop3A_394 = arith.select %parallel_loop3A_389, %parallel_loop3A_392, %parallel_loop3A_393 : vector<16xi1>, vector<16xi32>
        %parallel_loop3A_395 = arith.ori %parallel_loop3A_384, %parallel_loop3A_394 : vector<16xi32>
        %parallel_loop3A_396 = tpu.vector_load_idx %arg5[%parallel_loop3A_395] : memref<1024xf32, #tpu.memory_space<vmem>>[vector<16xi32>], vector<16xf32>,
        %parallel_loop3A_397 = arith.constant 4 : i32
        %parallel_loop3A_398 = vector.broadcast %parallel_loop3A_397 : i32 to vector<16xi32>
        %parallel_loop3A_399 = arith.shrsi %parallel_loop3A_395, %parallel_loop3A_398 : vector<16xi32>
        %parallel_loop3A_400 = arith.cmpf olt, %parallel_loop3A_396, %parallel_loop3A_336 : vector<16xf32>
        %parallel_loop3A_401 = arith.constant 1 : i32
        %parallel_loop3A_402 = arith.constant 0 : i32
        %parallel_loop3A_403 = vector.broadcast %parallel_loop3A_401 : i32 to vector<16xi32>
        %parallel_loop3A_404 = vector.broadcast %parallel_loop3A_402 : i32 to vector<16xi32>
        %parallel_loop3A_405 = arith.select %parallel_loop3A_400, %parallel_loop3A_403, %parallel_loop3A_404 : vector<16xi1>, vector<16xi32>
        %parallel_loop3A_406 = arith.addi %parallel_loop3A_399, %parallel_loop3A_405 : vector<16xi32>
        %parallel_loop3A_407 = arith.sitofp %parallel_loop3A_406 : vector<16xi32> to vector<16xf32>
        %parallel_loop3A_408 = arith.constant 1.562500e-02 : f32
        %parallel_loop3A_409 = vector.broadcast %parallel_loop3A_408 : f32 to vector<16xf32>
        %parallel_loop3A_410 = arith.mulf %parallel_loop3A_407, %parallel_loop3A_409 : vector<16xf32>
        %parallel_loop3A_411 = arith.constant 48 : i32
        %parallel_loop3A_412 = arith.addi %parallel_loop3A_86, %parallel_loop3A_411 : i32
        %parallel_loop3A_413 = arith.index_cast %parallel_loop3A_412 : i32 to index
        %parallel_loop3A_414 = tpu.vector_load %arg9[%parallel_loop3A_413] {strides = array<i32>} : memref<16384xf32, #tpu.memory_space<vmem>>, vector<16xf32>,
        tpu.vector_store %arg9[%parallel_loop3A_413], %parallel_loop3A_410 {strides = array<i32>} : memref<16384xf32, #tpu.memory_space<vmem>>, vector<16xf32>,
      } {sc.loop_unroll_factor = 1 : i64, sc.parallel_access}
      %mul3A_71 = arith.constant 16384 : i32
      %mul3A_72 = arith.muli %add3A_57, %mul3A_71 : i32
      %add3A_73 = arith.addi %mul3A_2, %mul3A_72 : i32
      %dma_start3A_74 = tpu.memref_slice %arg4[%add3A_73] : memref<16777216xf32, #tpu.memory_space<hbm>> -> memref<16384xf32, #tpu.memory_space<hbm>>
      %dma_start3A_75 = tpu.memref_slice %arg4[%add3A_73] : memref<16777216xf32, #tpu.memory_space<hbm>> -> memref<16384xf32, #tpu.memory_space<hbm>>
      tpu.enqueue_dma source(%arg9 : memref<16384xf32, #tpu.memory_space<vmem>>) target(%dma_start3A_75 : memref<16384xf32, #tpu.memory_space<hbm>>) target_semaphore(%arg13 : memref<!tpu.dma_semaphore, #tpu.memory_space<semaphore_mem>>)
      %add3A_76 = arith.constant 2 : i32
      %add3A_77 = arith.addi %add3A_57, %add3A_76 : i32
      %lt3A_78 = arith.constant 32 : i32
      %lt3A_79 = arith.cmpi slt, %add3A_77, %lt3A_78 : i32
      %convert_element_type3A_80 = arith.extui %lt3A_79 : i1 to i32
      %cond3A_81 = arith.constant 0 : i32
      %cond3A_82 = arith.cmpi ne, %convert_element_type3A_80, %cond3A_81 : i32
      scf.if %cond3A_82 {
        %add3A_84 = arith.constant 2 : i32
        %add3A_85 = arith.addi %add3A_57, %add3A_84 : i32
        %mul3A_86 = arith.constant 16384 : i32
        %mul3A_87 = arith.muli %add3A_85, %mul3A_86 : i32
        %add3A_88 = arith.addi %mul3A_2, %mul3A_87 : i32
        %dma_start3A_89 = tpu.memref_slice %arg2[%add3A_88] : memref<16777216xf32, #tpu.memory_space<hbm>> -> memref<16384xf32, #tpu.memory_space<hbm>>
        %dma_start3A_90 = tpu.memref_slice %arg2[%add3A_88] : memref<16777216xf32, #tpu.memory_space<hbm>> -> memref<16384xf32, #tpu.memory_space<hbm>>
        tpu.enqueue_dma source(%dma_start3A_90 : memref<16384xf32, #tpu.memory_space<hbm>>) target(%arg7 : memref<16384xf32, #tpu.memory_space<vmem>>) target_semaphore(%arg11 : memref<!tpu.dma_semaphore, #tpu.memory_space<semaphore_mem>>)
      } else {
      }
      %scan3A_83 = arith.constant 0 : i32
      scf.yield %scan3A_83 : i32
    }
    %scan3A_20 = arith.constant 16 : i32
    %add3A_21 = arith.constant 491520 : i32
    %add3A_22 = arith.addi %mul3A_2, %add3A_21 : i32
    %dma_wait3A = tpu.memref_slice %arg4[%add3A_22] : memref<16777216xf32, #tpu.memory_space<hbm>> -> memref<16384xf32, #tpu.memory_space<hbm>>
    %dma_wait3A_23 = tpu.memref_slice %arg4[%add3A_22] : memref<16777216xf32, #tpu.memory_space<hbm>> -> memref<16384xf32, #tpu.memory_space<hbm>>
    tpu.wait_dma2 semaphore(%arg12 : memref<!tpu.dma_semaphore, #tpu.memory_space<semaphore_mem>>) src(%arg8 : memref<16384xf32, #tpu.memory_space<vmem>>) dst(%dma_wait3A_23 : memref<16384xf32, #tpu.memory_space<hbm>>)
    %add3A_24 = arith.constant 507904 : i32
    %add3A_25 = arith.addi %mul3A_2, %add3A_24 : i32
    %dma_wait3A_26 = tpu.memref_slice %arg4[%add3A_25] : memref<16777216xf32, #tpu.memory_space<hbm>> -> memref<16384xf32, #tpu.memory_space<hbm>>
    %dma_wait3A_27 = tpu.memref_slice %arg4[%add3A_25] : memref<16777216xf32, #tpu.memory_space<hbm>> -> memref<16384xf32, #tpu.memory_space<hbm>>
    tpu.wait_dma2 semaphore(%arg13 : memref<!tpu.dma_semaphore, #tpu.memory_space<semaphore_mem>>) src(%arg9 : memref<16384xf32, #tpu.memory_space<vmem>>) dst(%dma_wait3A_27 : memref<16384xf32, #tpu.memory_space<hbm>>)
    return
  }
}

</mosaic_0001>

<sc_bundles>
// kernel: _spray_bank_sc.3.cloned.1.call-start
scs
__scs_entry_jumppad:
0x0: {  	(pc) =	sbr.rel $0x88, $3  }
0x1: {  	(tag) =	ssettag $0x0;
	lr =	simm.s32 $0x1  }
0x2: {  	[smem:$0x3F9F] =	sst lr;
	_ =	strace $0xD0000000  }
0x3: {  	_ = 	snop  }
0x4: {  	_ = 	snop  }
0x5: {  	_ = 	snop  }
0x6: {  	_ = 	snop  }
0x7: {  	_ = 	snop  }
__scs_overlays_trampoline_lowered:
0x8: {  	[smem:$0x3FAE] =	sst s0  }
0x9: {  	[smem:$0x3FAF] =	sst s1  }
0xa: {  	[smem:$0x3FB0] =	sst s2  }
0xb: {  	[smem:$0x3FB1] =	sst s3  }
0xc: {  	[smem:$0x3FB2] =	sst s4  }
0xd: {  	[smem:$0x3FB3] =	sst s5  }
0xe: {  	[smem:$0x3FB4] =	sst s6  }
0xf: {  	[smem:$0x3FB5] =	sst s7  }
0x10: {  	[smem:$0x3FB6] =	sst s8  }
0x11: {  	[smem:$0x3FB7] =	sst s9;
	s0 =	simm.s32 @!p0 $0x0  }
0x12: {  	s1 =	sld [smem:$0x3F9D];
	s0 =	simm.s32 @p0 $0x1  }
0x13: {  	[smem:$0x3FB8] =	sst s0;
	s0 =	simm.s32 @!p1 $0x0  }
0x14: {  	s2 =	sld [smem:$0x3F9C];
	s0 =	simm.s32 @p1 $0x1  }
0x15: {  	[smem:$0x3FB9] =	sst s0;
	s0 =	simm.s32 @!p2 $0x0  }
0x16: {  	s3 =	sld [smem:$0x3FDB];
	s0 =	simm.s32 @p2 $0x1  }
0x17: {  	s4 =	simm.s32 $0x1BF5;
	[smem:$0x3FBB] =	sst s0  }
0x18: {  	s0 =	sld [smem:$0x3F9E];
	_ =	swait.ge [sflag:s4], $0x0  }
0x19: {  	s7 =	sld [smem:$0x3F9F]  }
0x1a: {  	s8 =	sadd.s32 $0xFFFFE003, lr  }
0x1b: {  	s9 =	sadd.s32 $0xFFFFFEF7, lr;
	s5 =	simm.s32 $0xFFFFFFFF;
	p2 =	slt.u32 s8, $0xFFFFF086  }
0x1c: {  	p1 =	slt.u32 s9, $0xF7A;
	s5 =	simm.s32 @!p2 $0x0  }
0x1d: {  	s5 =	simm.s32 @p1 $0x1;
	p0 =	seq.s32 s7, s2  }
0x1e: {  	s7 =	smul.u32 @!p0 $0xF7A, s2;
	p2 =	seq.s32 @!p0 s5, $0x0  }
0x1f: {  	s9 =	smul.u32 $0xF7A, s1;
	s8 =	simm.s32 @!p0 $0x1BF5;
	p2 =	por !p2, p0  }
0x20: {  	[sflag:s8] =	ssyncset.s32 @!p0 $0xFFFFF086;
	s6 =	sadd.s32 @!p0 s3, s7;
	s7 =	simm.s32 @!p0 $0x108  }
0x21: {  	s3 =	sadd.s32 s3, s9;
	s6 =	sadd.s32 @!p0 $0x88, s6;
	s7 =	simm.s32 @p2 $0x1082  }
0x22: {  	[simem:s7], [sflag:s8] =	dma.local @!p0 [hbm:s6], $0xF7A  }
0x23: {  	s9 =	sor.u32 $0xD0000000, s2;
	s6 =	simm.s32 $0x108;
	_ =	swait.ge @!p0 [sflag:s8], $0x0  }
0x24: {  	s3 =	sadd.s32 $0x88, s3;
	s6 =	simm.s32 @!p1 $0x1082;
	[sflag:s4] =	ssyncset.s32 $0xFFFFF086  }
0x25: {  	[simem:s6], [sflag:s4] =	dma.local [hbm:s3], $0xF7A  }
0x26: {  	[smem:$0x3F9F] =	sst s1;
	(tag) =	ssettag s2;
	_ =	strace s9  }
0x27: {  	s1 =	sld [smem:$0x3FAF]  }
0x28: {  	s2 =	sld [smem:$0x3FB0]  }
0x29: {  	s4 =	sld [smem:$0x3FB2]  }
0x2a: {  	p0 =	seq.s32 s5, $0x0;
	s5 =	sld [smem:$0x3FB3]  }
0x2b: {  	s6 =	sld [smem:$0x3FB4]  }
0x2c: {  	s7 =	sld [smem:$0x3FB5]  }
0x2d: {  	s3 =	simm.s32 $0x108;
	s8 =	sld [smem:$0x3FB6]  }
0x2e: {  	s3 =	simm.s32 @!p0 $0x1082;
	s9 =	sld [smem:$0x3FB7]  }
0x2f: {  	lr =	sadd.s32 s0, s3;
	s0 =	sld [smem:$0x3FAE]  }
0x30: {  	s3 =	sld [smem:$0x3FB1]  }
0x31: {  	[smem:$0x3FBA] =	sst s10  }
0x32: {  	s10 =	sld [smem:$0x3FB8];
	_ =	sdelay $0x3  }
0x33: {  	p0 =	seq.s32 s10, $0x1;
	s10 =	sld [smem:$0x3FBA];
	_ =	sdelay $0x3  }
0x34: {  	[smem:$0x3FBA] =	sst s10  }
0x35: {  	s10 =	sld [smem:$0x3FB9];
	_ =	sdelay $0x3  }
0x36: {  	p1 =	seq.s32 s10, $0x1;
	s10 =	sld [smem:$0x3FBA];
	_ =	sdelay $0x3  }
0x37: {  	[smem:$0x3FBA] =	sst s10  }
0x38: {  	s10 =	sld [smem:$0x3FBB]  }
0x39: {  	_ = 	snop;
	(pc) =	sbr.ind lr, $3  }
0x3a: {  	_ = 	snop  }
0x3b: {  	_ = 	snop  }
0x3c: {  	p2 =	seq.s32 s10, $0x1;
	s10 =	sld [smem:$0x3FBA]  }
0x3d: {  	_ =	shalt  }
0x3e: {  	_ =	shalt  }
0x3f: {  	_ =	shalt  }
0x40: {  	_ =	shalt  }
0x41: {  	_ =	shalt  }
0x42: {  	_ =	shalt  }
0x43: {  	_ =	shalt  }
0x44: {  	_ =	shalt  }
0x45: {  	_ =	shalt  }
0x46: {  	_ =	shalt  }
0x47: {  	_ =	shalt  }
0x48: {  	_ =	shalt  }
0x49: {  	_ =	shalt  }
0x4a: {  	_ =	shalt  }
0x4b: {  	_ =	shalt  }
0x4c: {  	_ =	shalt  }
0x4d: {  	_ =	shalt  }
0x4e: {  	_ =	shalt  }
0x4f: {  	_ =	shalt  }
0x50: {  	_ =	shalt  }
0x51: {  	_ =	shalt  }
0x52: {  	_ =	shalt  }
0x53: {  	_ =	shalt  }
0x54: {  	_ =	shalt  }
0x55: {  	_ =	shalt  }
0x56: {  	_ =	shalt  }
0x57: {  	_ =	shalt  }
0x58: {  	_ =	shalt  }
0x59: {  	_ =	shalt  }
0x5a: {  	_ =	shalt  }
0x5b: {  	_ =	shalt  }
0x5c: {  	_ =	shalt  }
0x5d: {  	_ =	shalt  }
0x5e: {  	_ =	shalt  }
0x5f: {  	_ =	shalt  }
0x60: {  	_ =	shalt  }
0x61: {  	_ =	shalt  }
0x62: {  	_ =	shalt  }
0x63: {  	_ =	shalt  }
0x64: {  	_ =	shalt  }
0x65: {  	_ =	shalt  }
0x66: {  	_ =	shalt  }
0x67: {  	_ =	shalt  }
0x68: {  	_ =	shalt  }
0x69: {  	_ =	shalt  }
0x6a: {  	_ =	shalt  }
0x6b: {  	_ =	shalt  }
0x6c: {  	_ =	shalt  }
0x6d: {  	_ =	shalt  }
0x6e: {  	_ =	shalt  }
0x6f: {  	_ =	shalt  }
0x70: {  	_ =	shalt  }
0x71: {  	_ =	shalt  }
0x72: {  	_ =	shalt  }
0x73: {  	_ =	shalt  }
0x74: {  	_ =	shalt  }
0x75: {  	_ =	shalt  }
0x76: {  	_ =	shalt  }
0x77: {  	_ =	shalt  }
0x78: {  	_ =	shalt  }
0x79: {  	_ =	shalt  }
0x7a: {  	_ =	shalt  }
0x7b: {  	_ =	shalt  }
0x7c: {  	_ =	shalt  }
0x7d: {  	_ =	shalt  }
0x7e: {  	_ =	shalt  }
0x7f: {  	_ =	shalt  }
0x80: {  	_ =	shalt  }
0x81: {  	_ =	shalt  }
0x82: {  	_ =	shalt  }
0x83: {  	_ =	shalt  }
0x84: {  	_ =	shalt  }
0x85: {  	_ =	shalt  }
0x86: {  	_ =	shalt  }
0x87: {  	_ =	shalt  }
.Lfunc_end0:
.L_simem_size_0:
called_computation_lowered:
.L_overlay_start_0:
0x88: {  	s2 =	sld [smem:$0x3FD9]  }
0x89: {  	s3 =	sld [smem:$0x3FFE];
	_ =	sdelay $0x1  }
0x8a: {  	s1 =	srdreg.scid  }
0x8b: {  	s0 =	sand.u32 $0x1, s1  }
0x8c: {  	s18 =	sshll.u32 s0, $0xA;
	s2 =	sadd.s32 s3, s2  }
0x8d: {  	s2 =	sadd.s32 s2, s18  }
0x8e: {  	[smem:$0x3FC6] =	sst s2  }
0x8f: {  	_ = 	snop  }
0x90: {  	s2 =	sld [smem:$0x3FC9]  }
0x91: {  	s19 =	sld [smem:$0x3FC8]  }
0x92: {  	s4 =	sld [smem:$0x3FD0];
	(tm) =	ssettm $0x1  }
0x93: {  	s5 =	sld [smem:$0x3FFB];
	_ =	sdelay $0x3  }
0x94: {  	_ =	strace s5  }
0x95: {  	s5 =	sld [smem:$0x3FFC];
	_ =	sdelay $0x3  }
0x96: {  	_ =	strace s5  }
0x97: {  	s5 =	sld [smem:$0x3FFD];
	_ =	sdelay $0x3  }
0x98: {  	_ =	strace s5  }
0x99: {  	_ =	strace $0x8FFFFFFF  }
0x9a: {  	s20 =	sld [smem:$0x3FDB];
	_ =	sdelay $0x1  }
0x9b: {  	s6 =	simm.s32 $_scs_section_size  }
0x9c: {  	s7 =	simm.s32 $_size__tile_overlayer_lowered;
	s8 =	simm.s32 $_tile_overlayer_lowered  }
0x9d: {  	s23 =	simm.s32 $0x1BFF;
	s22 =	sshll.u32 s8, $0x1;
	s5 =	sadd.s32 s6, s20  }
0x9e: {  	s9 =	simm.s32 $0x0;
	s21 =	sshll.u32 s7, $0x1;
	s7 =	sadd.s32 s22, s5  }
0x9f: {  	[timem:s9], [sflag:s23] =	dma.local [hbm:s7], s21  }
0xa0: {  	_ =	swait.ge [sflag:s23], s21  }
0xa1: {  	s6 =	ssub.s32 $0x0, s21;
	[sflag:s23] =	ssyncset.done $0x0  }
0xa2: {  	[sflag:s23] =	ssyncadd.s32 s6;
	_ =	sdelay $0x1  }
0xa3: {  	s24 =	simm.s32 $0x1B8B  }
0xa4: {  	_ =	swait.ge [sflag:s24], $0x1  }
0xa5: {  	[sflag:s24] =	ssyncset.done $0x0  }
0xa6: {  	s25 =	simm.s32 $0x1B8E;
	[sflag:s24] =	ssyncadd.s32 $0xFFFFFFFF  }
0xa7: {  	s26 =	simm.s32 $execute0_lowered;
	[smem:$0x3FD2] =	sst s25  }
0xa8: {  	s6 =	sshll.u32 s26, $0x1;
	_ =	strace $0x80000046;
	[dreg:$0x1] =	wrdreg $0xFFFFFFFF  }
0xa9: {  	s28 =	simm.s32 $_size_execute0_lowered;
	s5 =	sadd.s32 s5, s6;
	[dreg:$0x0] =	wrdreg $0x0  }
0xaa: {  	s6 =	sshll.u32 s28, $0x1;
	[dreg:$0x2] =	wrdreg s5  }
0xab: {  	[dreg:$0x3] =	wrdreg s6  }
0xac: {  	[dreg:$0x4] =	wrdreg $0xC0  }
0xad: {  	_ =	task [dreg:s9], $0x5FFFF  }
0xae: {  	[dreg:$0x1] =	wrdreg $0xFFFFFFFF  }
0xaf: {  	[dreg:$0x0] =	wrdreg $0x60  }
0xb0: {  	[dreg:$0x2] =	wrdreg s2  }
0xb1: {  	[dreg:$0x3] =	wrdreg s19  }
0xb2: {  	[dreg:$0x4] =	wrdreg s4  }
0xb3: {  	[dreg:$0x5] =	wrdreg $0x9  }
0xb4: {  	_ =	task.clear_ibuf [dreg:s9], $0x6FFFF;
	_ =	strace $0x90000046  }
0xb5: {  	s29 =	simm.s32 $0x9;
	_ =	strace $0x80000048  }
0xb6: {  	_ =	swait.ge [sflag:s29], $0x1  }
0xb7: {  	[sflag:s29] =	ssyncadd.s32 $0xFFFFFFFF  }
0xb8: {  	_ =	strace $0x90000048  }
0xb9: {  	_ =	sfence  }
0xba: {  	s30 =	sld [smem:$0x0];
	_ =	sdelay $0x2  }
0xbb: {  	s31 =	sshll.u32 s1, $0xD;
	s1 =	sshrl.u32 s1, $0x2  }
0xbc: {  	s3 =	sand.u32 $0x4000, s31;
	s1 =	sadd.s32 s1, s30  }
0xbd: {  	s0 =	sor.u32 s3, s0;
	s1 =	sshll.u32 s1, $0x11  }
0xbe: {  	s0 =	sor.u32 s1, s0  }
0xbf: {  	s0 =	sadd.s32 $0x8F2B, s0  }
0xc0: {  	[sflag:s0] =	ssyncadd.remote.s32 $0x1  }
0xc1: {  	_ =	sfence.sel $0xFFFF  }
0xc2: {  	[dreg:$0x0] =	wrdreg $0xFFFFFFFF;
	(pc) =	sbr.abs _section_cstart, $3  }
0xc3: {  	[dreg:$0x1] =	wrdreg $0xFFFFFFFF  }
0xc4: {  	_ =	task.clear_ibuf [dreg:s9], $0x2FFFF;
	_ =	strace $0x9FFFFFFF  }
0xc5: {  	(tm) =	ssettm $0x7FFFFFFF  }
tec
execute0_lowered:
.L_overlay_start_1:
0x0: {  	(tag) =	ssettag $0x1  }
0x1: {  	s1 =	rddreg [dreg:$0x0];
	s0 =	srdreg.scid  }
0x2: {  	s2 =	stileid.u32;
	s4 =	rddreg [dreg:$0x2]  }
0x3: {  	s5 =	simm.s32 $0x0;
	s12 =	simm.s32 $0x5;
	s13 =	simm.s32 $0x400  }
0x4: {  	s14 =	simm.s32 $0x4400;
	s15 =	simm.s32 $0x1;
	s16 =	simm.s32 $0x8400  }
0x5: {  	s17 =	simm.s32 $0x2;
	s18 =	simm.s32 $0x4;
	s19 =	simm.s32 $0xC400  }
0x6: {  	s20 =	simm.s32 $0x3;
	s21 =	simm.s32 $0x0;
	s0 =	sand.u32 $0x1, s0  }
.Ltmp0:
0x7: {  	s2 =	sshll.u32 s2, $0x14;
	s3 =	sshll.u32 s0, $0x13;
	(pc) =	sbr.rel .LBB2_1-.Ltmp0, $4  }
0x8: {  	[smem:$0x7FF] =	sst s5;
	s0 =	ssub.s32 $0x2, s0;
	s6 =	sor.u32 s3, s2  }
0x9: {  	v0 =	vlaneseq.u32;
	_ =	strace $0x80000047;
	s31 =	sshrl.u32 s0, $0x1;
	s2 =	sshrl.u32 s6, $0x3  }
0xa: {  	v2 =	vimm.s32 $0x0;
	v1 =	vor.u32 $0x200, v0;
	s0 =	ssub.s32 s0, s31;
	s9 =	sor.u32 $0x8000, s6;
	s7 =	sadd.s32 s1, s2  }
0xb: {  	v3 =	vor.u32 $0x70, v0;
	v4 =	vor.u32 $0x30, v0;
	v5 =	vor.u32 $0x10, v0;
	s10 =	sor.u32 $0xC000, s6;
	s11 =	smax.u32 s0, $0x1;
	s8 =	sadd.s32 $0x800, s7  }
.LBB2_12:
0xc: {  	s21 =	sadd.s32 $0x1, s21  }
0xd: {  	_ =	swait.ge [sflag:s20], $0x4000;
	p0 =	sne.s32 s21, s11  }
.Ltmp1:
0xe: {  	[sflag:s20] =	ssyncset.done $0x0;
	(pc) =	sbr.rel @!p0 .LBB2_13-.Ltmp1, $4  }
0xf: {  	[sflag:s20] =	ssyncadd.s32 $0xFFFFC000  }
0x10: {  	_ =	swait.ge [sflag:s18], $0x4000  }
0x11: {  	[sflag:s18] =	ssyncset.done $0x0  }
0x12: {  	[sflag:s18] =	ssyncadd.s32 $0xFFFFC000  }
.LBB2_1:
0x13: {  	s0 =	rddreg [dreg:$0x1]  }
0x14: {  	[tilespmem:s5], [sflag:$0x5] =	stream.linear.gather [hbm4b:s0+s5], $0x400, $0x38;
	[tilespmem:$0x10400] =	vst v63  }
0x15: {  	_ =	swait.ge [sflag:s12], $0x400  }
0x16: {  	[sflag:s12] =	ssyncset.done $0x0  }
0x17: {  	[sflag:s12] =	ssyncadd.s32 $0xFFFFFC00  }
0x18: {  	v6 =	vld [tilespmem:$0x1F0]  }
0x19: {  	v7 =	vld [tilespmem:$0xF0]  }
0x1a: {  	v8 =	vld [tilespmem:$0x2F0];
	[tilespmem:s13], [sflag:$0x1] =	stream.linear.gather [hbm4b:s7+s5], $0x4000, $0x38  }
0x1b: {  	s22 =	simm.s32 $0x0  }
0x1c: {  	[tilespmem:s14], [sflag:$0x2] =	stream.linear.gather [hbm4b:s8+s5], $0x4000, $0x38;
	[tilespmem:$0x10400] =	vst v63  }
.LBB2_2:
0x1d: {  	_ =	swait.ge [sflag:s15], $0x4000  }
0x1e: {  	p0 =	seq.s32 s22, $0x0;
	[sflag:s15] =	ssyncset.done $0x0  }
0x1f: {  	s0 =	simm.s32 @!p0 $0x3;
	[sflag:s15] =	ssyncadd.s32 $0xFFFFC000  }
0x20: {  	_ =	swait.ge @!p0 [sflag:s0], $0x4000  }
0x21: {  	[sflag:s0] =	ssyncset.done @!p0 $0x0  }
0x22: {  	s24 =	simm.s32 $0x0;
	[sflag:s0] =	ssyncadd.s32 @!p0 $0xFFFFC000  }
0x23: {  	v9 =	vld [tilespmem:s24+$0x400];
	_ =	sdelay $0x4  }
0x24: {  	vm0 =	vlt.f32 v6, v9  }
0x25: {  	v10 =	vsel vm0, v8, v7  }
0x26: {  	vm1 =	vlt.f32 v10, v9  }
0x27: {  	v10 =	vsel vm0, v1, v0;
	v11 =	vsel vm1, $0x100, v2  }
0x28: {  	v10 =	vor.u32 v10, v11  }
0x29: {  	v11 =	vand.u32 $0x300, v10  }
0x2a: {  	v11 =	vor.u32 v3, v11;
	_ =	sdelay $0x4  }
0x2b: {  	v11 =	vld.idx.msk [tilespmem:v11+s5+$0x0], $0xffff;
	_ =	sdelay $0x4  }
0x2c: {  	vm0 =	vlt.f32 v11, v9  }
0x2d: {  	v11 =	vsel vm0, $0x80, v2  }
0x2e: {  	v10 =	vor.u32 v11, v10  }
0x2f: {  	v11 =	vand.u32 $0x380, v10  }
0x30: {  	v12 =	vor.u32 v4, v11;
	_ =	sdelay $0x4  }
0x31: {  	v12 =	vld.idx.msk [tilespmem:v12+s5+$0x0], $0xffff;
	_ =	sdelay $0x4  }
0x32: {  	vm0 =	vlt.f32 v12, v9  }
0x33: {  	v12 =	vsel vm0, $0x40, v2  }
0x34: {  	v13 =	vor.u32 v11, v12  }
0x35: {  	s25 =	simm.s32 $0x40;
	v13 =	vor.u32 v5, v13  }
0x36: {  	v14 =	vld [tilespmem:s25+$0x400];
	_ =	sdelay $0x3  }
0x37: {  	v13 =	vld.idx.msk [tilespmem:v13+s5+$0x0], $0xffff  }
0x38: {  	vm0 =	vlt.f32 v6, v14  }
0x39: {  	v15 =	vsel vm0, v8, v7  }
0x3a: {  	vm1 =	vlt.f32 v15, v14  }
0x3b: {  	v15 =	vsel vm0, v1, v0;
	v16 =	vsel vm1, $0x100, v2  }
0x3c: {  	v15 =	vor.u32 v15, v16;
	vm0 =	vlt.f32 v13, v9  }
0x3d: {  	v13 =	vand.u32 $0x300, v15;
	v16 =	vsel vm0, $0x20, v2  }
0x3e: {  	v13 =	vor.u32 v3, v13;
	v12 =	vor.u32 v12, v16  }
0x3f: {  	v16 =	vor.u32 v11, v12  }
0x40: {  	v16 =	vor.u32 v0, v16;
	_ =	sdelay $0x2  }
0x41: {  	v13 =	vld.idx.msk [tilespmem:v13+s5+$0x0], $0xffff;
	_ =	sdelay $0x1  }
0x42: {  	v16 =	vld.idx.msk [tilespmem:v16+s5+$0x0], $0xffff;
	_ =	sdelay $0x2  }
0x43: {  	vm0 =	vlt.f32 v13, v14  }
0x44: {  	v13 =	vsel vm0, $0x80, v2  }
0x45: {  	v15 =	vor.u32 v13, v15;
	vm0 =	vlt.f32 v16, v9  }
0x46: {  	v16 =	vand.u32 $0x380, v15;
	v13 =	vsel vm0, $0x10, v2  }
0x47: {  	v10 =	vor.u32 v13, v10;
	v13 =	vor.u32 v4, v16  }
0x48: {  	v12 =	vor.u32 v12, v10  }
0x49: {  	v10 =	vand.u32 $0x7F, v12  }
0x4a: {  	v11 =	vor.u32 v11, v10  }
0x4b: {  	v10 =	vld [tilespmem:s24+$0x410]  }
0x4c: {  	v13 =	vld.idx.msk [tilespmem:v13+s5+$0x0], $0xffff;
	_ =	sdelay $0x2  }
0x4d: {  	v11 =	vld.idx.msk [tilespmem:v11+s5+$0x0], $0xffff;
	_ =	sdelay $0x1  }
0x4e: {  	vm0 =	vlt.f32 v6, v10;
	vm1 =	vlt.f32 v13, v14  }
0x4f: {  	v13 =	vsel vm0, v8, v7;
	v17 =	vsel vm1, $0x40, v2  }
0x50: {  	v18 =	vsel vm0, v1, v0;
	vm1 =	vlt.f32 v13, v10;
	v13 =	vor.u32 v16, v17  }
0x51: {  	s26 =	simm.s32 $0x80;
	v19 =	vsel vm1, $0x100, v2;
	vm0 =	vlt.f32 v11, v9;
	v9 =	vor.u32 v5, v13  }
0x52: {  	v12 =	vshrl.u32 v12, $0x4;
	v13 =	vld [tilespmem:s26+$0x400];
	v11 =	vor.u32 v18, v19;
	v18 =	vsel vm0, $0x1, v2  }
0x53: {  	v19 =	vand.u32 $0x300, v11;
	v12 =	vadd.s32 v18, v12  }
0x54: {  	v18 =	vor.u32 v3, v19;
	v12 =	vcvt.s32.f32 v12;
	_ =	sdelay $0x1  }
0x55: {  	v12 =	vmul.f32 $1.562500000e-02, v12;
	v9 =	vld.idx.msk [tilespmem:v9+s5+$0x0], $0xffff  }
0x56: {  	vm0 =	vlt.f32 v6, v13  }
0x57: {  	[tilespmem:s24+$0x8400] =	vst v12;
	v12 =	vsel vm0, v8, v7  }
0x58: {  	v18 =	vld.idx.msk [tilespmem:v18+s5+$0x0], $0xffff;
	vm1 =	vlt.f32 v12, v13  }
0x59: {  	v12 =	vsel vm0, v1, v0;
	v19 =	vsel vm1, $0x100, v2  }
0x5a: {  	v12 =	vor.u32 v12, v19;
	vm0 =	vlt.f32 v9, v14  }
0x5b: {  	v9 =	vand.u32 $0x300, v12;
	v19 =	vsel vm0, $0x20, v2  }
0x5c: {  	v9 =	vor.u32 v3, v9;
	v17 =	vor.u32 v17, v19  }
0x5d: {  	v19 =	vor.u32 v16, v17;
	vm0 =	vlt.f32 v18, v10  }
0x5e: {  	v18 =	vor.u32 v0, v19;
	v19 =	vsel vm0, $0x80, v2  }
0x5f: {  	v11 =	vor.u32 v19, v11  }
0x60: {  	v19 =	vand.u32 $0x380, v11  }
0x61: {  	v20 =	vor.u32 v4, v19;
	v9 =	vld.idx.msk [tilespmem:v9+s5+$0x0], $0xffff;
	_ =	sdelay $0x1  }
0x62: {  	v18 =	vld.idx.msk [tilespmem:v18+s5+$0x0], $0xffff;
	_ =	sdelay $0x2  }
0x63: {  	v20 =	vld.idx.msk [tilespmem:v20+s5+$0x0], $0xffff;
	vm0 =	vlt.f32 v9, v13  }
0x64: {  	v9 =	vsel vm0, $0x80, v2  }
0x65: {  	vm0 =	vlt.f32 v18, v14;
	v18 =	vor.u32 v9, v12  }
0x66: {  	v9 =	vsel vm0, $0x10, v2;
	v21 =	vand.u32 $0x380, v18  }
0x67: {  	v9 =	vor.u32 v9, v15;
	v15 =	vor.u32 v4, v21  }
0x68: {  	v17 =	vor.u32 v17, v9;
	vm0 =	vlt.f32 v20, v10  }
0x69: {  	v9 =	vand.u32 $0x7F, v17;
	v20 =	vsel vm0, $0x40, v2  }
0x6a: {  	v9 =	vor.u32 v16, v9;
	v16 =	vor.u32 v19, v20  }
0x6b: {  	v12 =	vld [tilespmem:s25+$0x410];
	v16 =	vor.u32 v5, v16  }
0x6c: {  	v15 =	vld.idx.msk [tilespmem:v15+s5+$0x0], $0xffff;
	_ =	sdelay $0x2  }
0x6d: {  	v9 =	vld.idx.msk [tilespmem:v9+s5+$0x0], $0xffff  }
0x6e: {  	v16 =	vld.idx.msk [tilespmem:v16+s5+$0x0], $0xffff  }
0x6f: {  	vm0 =	vlt.f32 v6, v12;
	vm1 =	vlt.f32 v15, v13  }
0x70: {  	v15 =	vsel vm0, v8, v7;
	v22 =	vsel vm1, $0x40, v2  }
0x71: {  	vm1 =	vlt.f32 v15, v12;
	v15 =	vor.u32 v21, v22  }
0x72: {  	v23 =	vsel vm0, v1, v0;
	v24 =	vsel vm1, $0x100, v2;
	v15 =	vor.u32 v5, v15  }
0x73: {  	s28 =	simm.s32 $0xC0;
	v23 =	vor.u32 v23, v24;
	vm0 =	vlt.f32 v9, v14;
	vm1 =	vlt.f32 v16, v10  }
0x74: {  	v9 =	vld [tilespmem:s28+$0x400];
	v14 =	vshrl.u32 v17, $0x4;
	v16 =	vsel vm0, $0x1, v2;
	v17 =	vsel vm1, $0x20, v2  }
0x75: {  	v24 =	vand.u32 $0x300, v23;
	v14 =	vadd.s32 v16, v14;
	v16 =	vor.u32 v20, v17  }
0x76: {  	v14 =	vcvt.s32.f32 v14;
	v17 =	vor.u32 v3, v24;
	v20 =	vor.u32 v19, v16  }
0x77: {  	v20 =	vor.u32 v0, v20;
	v15 =	vld.idx.msk [tilespmem:v15+s5+$0x0], $0xffff  }
0x78: {  	v14 =	vmul.f32 $1.562500000e-02, v14  }
0x79: {  	vm0 =	vlt.f32 v6, v9  }
0x7a: {  	[tilespmem:s25+$0x8400] =	vst v14;
	v14 =	vsel vm0, v8, v7  }
0x7b: {  	v17 =	vld.idx.msk [tilespmem:v17+s5+$0x0], $0xffff;
	vm1 =	vlt.f32 v14, v9  }
0x7c: {  	v24 =	vsel vm1, $0x100, v2;
	v14 =	vld.idx.msk [tilespmem:v20+s5+$0x0], $0xffff;
	v20 =	vsel vm0, v1, v0;
	vm0 =	vlt.f32 v15, v13  }
0x7d: {  	v15 =	vor.u32 v20, v24;
	v20 =	vsel vm0, $0x20, v2  }
0x7e: {  	v24 =	vand.u32 $0x300, v15;
	v20 =	vor.u32 v22, v20  }
0x7f: {  	v22 =	vor.u32 v3, v24;
	v24 =	vor.u32 v21, v20  }
0x80: {  	v24 =	vor.u32 v0, v24  }
0x81: {  	vm0 =	vlt.f32 v17, v12;
	vm1 =	vlt.f32 v14, v10  }
0x82: {  	v14 =	vsel vm0, $0x80, v2;
	v17 =	vsel vm1, $0x10, v2  }
0x83: {  	v14 =	vor.u32 v14, v23;
	v11 =	vor.u32 v17, v11  }
0x84: {  	v17 =	vand.u32 $0x380, v14;
	v16 =	vor.u32 v16, v11;
	v22 =	vld.idx.msk [tilespmem:v22+s5+$0x0], $0xffff  }
0x85: {  	v23 =	vor.u32 v4, v17;
	v11 =	vand.u32 $0x7F, v16;
	v24 =	vld.idx.msk [tilespmem:v24+s5+$0x0], $0xffff  }
0x86: {  	v19 =	vor.u32 v19, v11  }
0x87: {  	v11 =	vld [tilespmem:s24+$0x420];
	_ =	sdelay $0x1  }
0x88: {  	vm0 =	vlt.f32 v22, v9  }
0x89: {  	v22 =	vld.idx.msk [tilespmem:v23+s5+$0x0], $0xffff;
	vm1 =	vlt.f32 v24, v13;
	v23 =	vsel vm0, $0x80, v2  }
0x8a: {  	v19 =	vld.idx.msk [tilespmem:v19+s5+$0x0], $0xffff;
	v24 =	vsel vm1, $0x10, v2;
	v15 =	vor.u32 v23, v15  }
0x8b: {  	vm0 =	vlt.f32 v6, v11;
	v18 =	vor.u32 v24, v18;
	v23 =	vand.u32 $0x380, v15  }
0x8c: {  	v24 =	vsel vm0, v8, v7;
	v18 =	vor.u32 v20, v18;
	v20 =	vor.u32 v4, v23  }
0x8d: {  	v25 =	vsel vm0, v1, v0;
	vm0 =	vlt.f32 v24, v11;
	v24 =	vand.u32 $0x7F, v18  }
0x8e: {  	v26 =	vsel vm0, $0x100, v2;
	vm0 =	vlt.f32 v22, v12;
	v21 =	vor.u32 v21, v24  }
0x8f: {  	v16 =	vshrl.u32 v16, $0x4;
	v24 =	vsel vm0, $0x40, v2;
	vm0 =	vlt.f32 v19, v10  }
0x90: {  	v22 =	vor.u32 v25, v26;
	v10 =	vld [tilespmem:s26+$0x410];
	v19 =	vor.u32 v17, v24;
	v25 =	vsel vm0, $0x1, v2  }
0x91: {  	v26 =	vand.u32 $0x300, v22;
	v19 =	vor.u32 v5, v19;
	v16 =	vadd.s32 v25, v16;
	v20 =	vld.idx.msk [tilespmem:v20+s5+$0x0], $0xffff  }
0x92: {  	v25 =	vor.u32 v3, v26;
	v16 =	vcvt.s32.f32 v16  }
0x93: {  	v21 =	vld.idx.msk [tilespmem:v21+s5+$0x0], $0xffff  }
0x94: {  	v16 =	vmul.f32 $1.562500000e-02, v16  }
0x95: {  	vm0 =	vlt.f32 v6, v10  }
0x96: {  	v26 =	vsel vm0, v8, v7;
	v19 =	vld.idx.msk [tilespmem:v19+s5+$0x0], $0xffff;
	[tilespmem:s24+$0x8410] =	vst v16;
	vm1 =	vlt.f32 v20, v9  }
0x97: {  	v18 =	vshrl.u32 v18, $0x4;
	vm2 =	vlt.f32 v26, v10;
	v20 =	vld.idx.msk [tilespmem:v25+s5+$0x0], $0xffff;
	v25 =	vsel vm1, $0x40, v2  }
0x98: {  	v16 =	vsel vm0, v1, v0;
	vm0 =	vlt.f32 v21, v13;
	v13 =	vor.u32 v23, v25  }
0x99: {  	v26 =	vsel vm2, $0x100, v2;
	v21 =	vsel vm0, $0x1, v2;
	v13 =	vor.u32 v5, v13  }
0x9a: {  	s29 =	simm.s32 $0x100;
	v26 =	vor.u32 v16, v26;
	v18 =	vadd.s32 v21, v18  }
0x9b: {  	v16 =	vld [tilespmem:s29+$0x400];
	v21 =	vand.u32 $0x300, v26;
	vm0 =	vlt.f32 v19, v12;
	v18 =	vcvt.s32.f32 v18  }
0x9c: {  	v19 =	vsel vm0, $0x20, v2;
	v21 =	vor.u32 v3, v21;
	vm0 =	vlt.f32 v20, v11  }
0x9d: {  	v19 =	vor.u32 v24, v19;
	v20 =	vsel vm0, $0x80, v2  }
0x9e: {  	v18 =	vmul.f32 $1.562500000e-02, v18;
	v24 =	vor.u32 v17, v19;
	v13 =	vld.idx.msk [tilespmem:v13+s5+$0x0], $0xffff;
	v27 =	vor.u32 v20, v22  }
0x9f: {  	v20 =	vor.u32 v0, v24;
	v24 =	vand.u32 $0x380, v27  }
0xa0: {  	vm0 =	vlt.f32 v6, v16;
	[tilespmem:s26+$0x8400] =	vst v18;
	v18 =	vor.u32 v4, v24  }
0xa1: {  	v22 =	vsel vm0, v8, v7;
	v21 =	vld.idx.msk [tilespmem:v21+s5+$0x0], $0xffff  }
0xa2: {  	vm1 =	vlt.f32 v22, v16  }
0xa3: {  	v22 =	vsel vm0, v1, v0;
	v28 =	vsel vm1, $0x100, v2;
	vm0 =	vlt.f32 v13, v9  }
0xa4: {  	v22 =	vor.u32 v22, v28;
	v13 =	vld.idx.msk [tilespmem:v20+s5+$0x0], $0xffff;
	v20 =	vsel vm0, $0x20, v2  }
0xa5: {  	v28 =	vand.u32 $0x300, v22;
	v25 =	vor.u32 v25, v20;
	v18 =	vld.idx.msk [tilespmem:v18+s5+$0x0], $0xffff  }
0xa6: {  	v28 =	vor.u32 v3, v28;
	vm0 =	vlt.f32 v21, v10;
	v20 =	vor.u32 v23, v25  }
0xa7: {  	v21 =	vor.u32 v0, v20;
	v20 =	vsel vm0, $0x80, v2  }
0xa8: {  	v26 =	vor.u32 v20, v26  }
0xa9: {  	v20 =	vand.u32 $0x380, v26  }
0xaa: {  	vm0 =	vlt.f32 v13, v12;
	v13 =	vor.u32 v4, v20;
	vm1 =	vlt.f32 v18, v11  }
0xab: {  	v28 =	vld.idx.msk [tilespmem:v28+s5+$0x0], $0xffff;
	v18 =	vsel vm0, $0x10, v2;
	v29 =	vsel vm1, $0x40, v2  }
0xac: {  	v14 =	vor.u32 v18, v14;
	v18 =	vld.idx.msk [tilespmem:v21+s5+$0x0], $0xffff;
	v21 =	vor.u32 v24, v29  }
0xad: {  	v14 =	vor.u32 v19, v14;
	v19 =	vor.u32 v5, v21  }
0xae: {  	v21 =	vand.u32 $0x7F, v14  }
0xaf: {  	v17 =	vor.u32 v17, v21;
	v21 =	vld.idx.msk [tilespmem:v13+s5+$0x0], $0xffff;
	_ =	sdelay $0x1  }
0xb0: {  	vm0 =	vlt.f32 v28, v16;
	v13 =	vld [tilespmem:s25+$0x420];
	vm1 =	vlt.f32 v18, v9  }
0xb1: {  	v18 =	vsel vm0, $0x80, v2;
	v28 =	vsel vm1, $0x10, v2;
	v19 =	vld.idx.msk [tilespmem:v19+s5+$0x0], $0xffff  }
0xb2: {  	v18 =	vor.u32 v18, v22;
	v22 =	vor.u32 v28, v15  }
0xb3: {  	v28 =	vld.idx.msk [tilespmem:v17+s5+$0x0], $0xffff;
	v15 =	vand.u32 $0x380, v18;
	v22 =	vor.u32 v25, v22;
	vm0 =	vlt.f32 v21, v10  }
0xb4: {  	v21 =	vor.u32 v4, v15;
	v17 =	vand.u32 $0x7F, v22;
	v25 =	vsel vm0, $0x40, v2  }
0xb5: {  	vm0 =	vlt.f32 v6, v13;
	v23 =	vor.u32 v23, v17;
	v30 =	vor.u32 v20, v25  }
0xb6: {  	v31 =	vsel vm0, v8, v7;
	v30 =	vor.u32 v5, v30;
	vm1 =	vlt.f32 v19, v11  }
0xb7: {  	v17 =	vld [tilespmem:s28+$0x410];
	v19 =	vsel vm0, v1, v0;
	vm0 =	vlt.f32 v31, v13;
	v31 =	vsel vm1, $0x20, v2  }
0xb8: {  	v32 =	vsel vm0, $0x100, v2;
	vm0 =	vlt.f32 v28, v12;
	v12 =	vor.u32 v29, v31  }
0xb9: {  	v14 =	vshrl.u32 v14, $0x4;
	v28 =	vsel vm0, $0x1, v2;
	v21 =	vld.idx.msk [tilespmem:v21+s5+$0x0], $0xffff;
	v29 =	vor.u32 v24, v12  }
0xba: {  	v19 =	vor.u32 v19, v32;
	v14 =	vadd.s32 v28, v14;
	v23 =	vld.idx.msk [tilespmem:v23+s5+$0x0], $0xffff;
	v28 =	vor.u32 v0, v29  }
0xbb: {  	v29 =	vand.u32 $0x300, v19;
	v14 =	vcvt.s32.f32 v14  }
0xbc: {  	vm0 =	vlt.f32 v6, v17;
	v30 =	vld.idx.msk [tilespmem:v30+s5+$0x0], $0xffff;
	v29 =	vor.u32 v3, v29  }
0xbd: {  	v31 =	vsel vm0, v8, v7;
	v14 =	vmul.f32 $1.562500000e-02, v14  }
0xbe: {  	vm1 =	vlt.f32 v31, v17;
	v31 =	vsel vm0, v1, v0;
	vm0 =	vlt.f32 v21, v16  }
0xbf: {  	v36 =	vsel vm1, $0x100, v2;
	vm1 =	vlt.f32 v23, v9;
	v23 =	vsel vm0, $0x40, v2;
	v9 =	vld.idx.msk [tilespmem:v28+s5+$0x0], $0xffff  }
0xc0: {  	v21 =	vor.u32 v31, v36;
	[tilespmem:s25+$0x8410] =	vst v14;
	v14 =	vshrl.u32 v22, $0x4;
	v22 =	vor.u32 v15, v23  }
0xc1: {  	vm0 =	vlt.f32 v30, v10;
	v28 =	vld.idx.msk [tilespmem:v29+s5+$0x0], $0xffff;
	v29 =	vsel vm1, $0x1, v2;
	v31 =	vor.u32 v5, v22  }
0xc2: {  	s30 =	simm.s32 $0x140;
	v32 =	vand.u32 $0x300, v21;
	v30 =	vsel vm0, $0x20, v2;
	v14 =	vadd.s32 v29, v14  }
0xc3: {  	v22 =	vld [tilespmem:s30+$0x400];
	v29 =	vor.u32 v3, v32;
	v25 =	vor.u32 v25, v30;
	v14 =	vcvt.s32.f32 v14  }
0xc4: {  	v30 =	vor.u32 v20, v25;
	vm0 =	vlt.f32 v9, v11  }
0xc5: {  	v30 =	vor.u32 v0, v30;
	v9 =	vld [tilespmem:s24+$0x430];
	v14 =	vmul.f32 $1.562500000e-02, v14;
	v37 =	vsel vm0, $0x10, v2  }
0xc6: {  	vm0 =	vlt.f32 v28, v13;
	v28 =	vld.idx.msk [tilespmem:v31+s5+$0x0], $0xffff;
	v27 =	vor.u32 v37, v27  }
0xc7: {  	v31 =	vsel vm0, $0x80, v2;
	[tilespmem:s28+$0x8400] =	vst v14;
	v12 =	vor.u32 v12, v27  }
0xc8: {  	vm0 =	vlt.f32 v6, v22;
	v19 =	vor.u32 v31, v19;
	v14 =	vld.idx.msk [tilespmem:v29+s5+$0x0], $0xffff;
	v29 =	vand.u32 $0x7F, v12  }
0xc9: {  	v31 =	vsel vm0, v8, v7;
	v27 =	vand.u32 $0x380, v19;
	v24 =	vor.u32 v24, v29  }
0xca: {  	vm2 =	vlt.f32 v31, v22;
	v31 =	vsel vm0, v1, v0;
	v30 =	vld.idx.msk [tilespmem:v30+s5+$0x0], $0xffff;
	v29 =	vor.u32 v4, v27  }
0xcb: {  	vm1 =	vlt.f32 v6, v9;
	v38 =	vsel vm2, $0x100, v2;
	vm0 =	vlt.f32 v28, v16  }
0xcc: {  	v31 =	vor.u32 v31, v38;
	v33 =	vsel vm1, v8, v7;
	v39 =	vsel vm0, $0x20, v2  }
0xcd: {  	v28 =	vsel vm1, v1, v0;
	vm0 =	vlt.f32 v14, v17;
	v23 =	vor.u32 v23, v39  }
0xce: {  	v34 =	vand.u32 $0x300, v31;
	v14 =	vsel vm0, $0x80, v2;
	v32 =	vor.u32 v15, v23;
	v24 =	vld.idx.msk [tilespmem:v24+s5+$0x0], $0xffff  }
0xcf: {  	vm1 =	vlt.f32 v30, v10;
	v30 =	vld.idx.msk [tilespmem:v29+s5+$0x0], $0xffff;
	v29 =	vor.u32 v14, v21;
	v32 =	vor.u32 v0, v32  }
0xd0: {  	v34 =	vor.u32 v3, v34;
	v35 =	vsel vm1, $0x10, v2;
	v21 =	vand.u32 $0x380, v29  }
0xd1: {  	vm0 =	vlt.f32 v33, v9;
	v14 =	vor.u32 v35, v26;
	v40 =	vor.u32 v4, v21  }
0xd2: {  	v26 =	vsel vm0, $0x100, v2;
	v25 =	vor.u32 v25, v14;
	v14 =	vld [tilespmem:s26+$0x420]  }
0xd3: {  	v12 =	vshrl.u32 v12, $0x4;
	v28 =	vor.u32 v28, v26  }
0xd4: {  	v41 =	vand.u32 $0x7F, v25;
	vm0 =	vlt.f32 v24, v11;
	vm1 =	vlt.f32 v30, v13;
	v11 =	vld.idx.msk [tilespmem:v32+s5+$0x0], $0xffff  }
0xd5: {  	v26 =	vld.idx.msk [tilespmem:v34+s5+$0x0], $0xffff;
	v20 =	vor.u32 v20, v41;
	v24 =	vsel vm0, $0x1, v2;
	v30 =	vsel vm1, $0x40, v2  }
0xd6: {  	v12 =	vadd.s32 v24, v12;
	v24 =	vand.u32 $0x300, v28;
	v42 =	vor.u32 v27, v30;
	v33 =	vld.idx.msk [tilespmem:v40+s5+$0x0], $0xffff  }
0xd7: {  	v12 =	vcvt.s32.f32 v12;
	v24 =	vor.u32 v3, v24;
	vm0 =	vlt.f32 v6, v14  }
0xd8: {  	v32 =	vor.u32 v5, v42;
	v43 =	vsel vm0, v8, v7;
	v44 =	vsel vm0, v1, v0  }
0xd9: {  	v12 =	vmul.f32 $1.562500000e-02, v12;
	vm0 =	vlt.f32 v43, v14;
	vm1 =	vlt.f32 v11, v16  }
0xda: {  	v11 =	vld.idx.msk [tilespmem:v20+s5+$0x0], $0xffff;
	v20 =	vsel vm0, $0x100, v2;
	vm0 =	vlt.f32 v26, v22;
	v26 =	vsel vm1, $0x10, v2  }
0xdb: {  	[tilespmem:s24+$0x8420] =	vst v12;
	v45 =	vor.u32 v44, v20;
	v12 =	vsel vm0, $0x80, v2;
	vm0 =	vlt.f32 v33, v17  }
0xdc: {  	v18 =	vor.u32 v26, v18;
	v46 =	vld.idx.msk [tilespmem:v24+s5+$0x0], $0xffff;
	v20 =	vand.u32 $0x300, v45;
	v24 =	vor.u32 v12, v31  }
0xdd: {  	v12 =	vld.idx.msk [tilespmem:v32+s5+$0x0], $0xffff;
	v47 =	vsel vm0, $0x40, v2;
	v18 =	vor.u32 v23, v18;
	v26 =	vand.u32 $0x380, v24  }
0xde: {  	v31 =	vor.u32 v3, v20;
	v20 =	vand.u32 $0x7F, v18;
	v36 =	vor.u32 v4, v26  }
0xdf: {  	v48 =	vor.u32 v15, v20;
	v15 =	vor.u32 v21, v47  }
0xe0: {  	v20 =	vld [tilespmem:s29+$0x410];
	vm0 =	vlt.f32 v11, v10;
	v11 =	vshrl.u32 v25, $0x4;
	v25 =	vor.u32 v5, v15  }
0xe1: {  	s31 =	simm.s32 $0x180;
	v10 =	vld [tilespmem:s25+$0x430];
	v23 =	vsel vm0, $0x1, v2;
	vm1 =	vlt.f32 v46, v9  }
0xe2: {  	vm0 =	vlt.f32 v12, v13;
	v11 =	vadd.s32 v23, v11;
	v23 =	vld [tilespmem:s31+$0x400];
	v12 =	vsel vm1, $0x80, v2  }
0xe3: {  	v49 =	vsel vm0, $0x20, v2;
	v12 =	vor.u32 v12, v28;
	v50 =	vld.idx.msk [tilespmem:v36+s5+$0x0], $0xffff  }
0xe4: {  	v28 =	vcvt.s32.f32 v11;
	v30 =	vor.u32 v30, v49;
	v33 =	vld.idx.msk [tilespmem:v48+s5+$0x0], $0xffff;
	v11 =	vand.u32 $0x380, v12  }
0xe5: {  	v51 =	vor.u32 v27, v30;
	v37 =	vor.u32 v4, v11;
	v25 =	vld.idx.msk [tilespmem:v25+s5+$0x0], $0xffff  }
0xe6: {  	vm0 =	vlt.f32 v6, v20;
	v28 =	vmul.f32 $1.562500000e-02, v28;
	v36 =	vor.u32 v0, v51  }
0xe7: {  	v18 =	vshrl.u32 v18, $0x4;
	v38 =	vsel vm0, v8, v7  }
0xe8: {  	vm2 =	vlt.f32 v6, v10;
	vm1 =	vlt.f32 v38, v20;
	vm3 =	vlt.f32 v6, v23;
	[tilespmem:s26+$0x8410] =	vst v28  }
0xe9: {  	v52 =	vsel vm0, v1, v0;
	v39 =	vsel vm1, $0x100, v2;
	v58 =	vsel vm3, v8, v7;
	v28 =	vld.idx.msk [tilespmem:v31+s5+$0x0], $0xffff  }
0xea: {  	vm4 =	vlt.f32 v50, v22;
	vm1 =	vlt.f32 v33, v16;
	v16 =	vld.idx.msk [tilespmem:v37+s5+$0x0], $0xffff;
	vm12 =	vlt.f32 v25, v17  }
0xeb: {  	v38 =	vor.u32 v52, v39;
	v31 =	vsel vm4, $0x40, v2;
	v53 =	vld.idx.msk [tilespmem:v36+s5+$0x0], $0xffff;
	v55 =	vsel vm12, $0x20, v2  }
0xec: {  	vm14 =	vlt.f32 v58, v23;
	v54 =	vor.u32 v26, v31;
	v32 =	vor.u32 v47, v55  }
0xed: {  	v25 =	vsel vm1, $0x1, v2;
	v35 =	vor.u32 v5, v54;
	v36 =	vor.u32 v21, v32  }
0xee: {  	v18 =	vadd.s32 v25, v18;
	v25 =	vand.u32 $0x300, v38;
	v36 =	vor.u32 v0, v36  }
0xef: {  	v18 =	vcvt.s32.f32 v18;
	v56 =	vor.u32 v3, v25;
	vm1 =	vlt.f32 v28, v14  }
0xf0: {  	v28 =	vsel vm1, $0x80, v2;
	vm1 =	vlt.f32 v16, v9;
	vm13 =	vlt.f32 v53, v13  }
0xf1: {  	v15 =	vld [tilespmem:s28+$0x420];
	v16 =	vmul.f32 $1.562500000e-02, v18;
	v41 =	vsel vm1, $0x40, v2;
	v33 =	vsel vm13, $0x10, v2  }
0xf2: {  	v18 =	vor.u32 v28, v45;
	v35 =	vld.idx.msk [tilespmem:v35+s5+$0x0], $0xffff;
	v57 =	vor.u32 v11, v41;
	v28 =	vor.u32 v33, v19  }
0xf3: {  	[tilespmem:s29+$0x8400] =	vst v16;
	v16 =	vor.u32 v5, v57;
	v28 =	vor.u32 v30, v28;
	v61 =	vld.idx.msk [tilespmem:v36+s5+$0x0], $0xffff  }
0xf4: {  	v19 =	vand.u32 $0x380, v18;
	v33 =	vsel vm14, $0x100, v2;
	v30 =	vld.idx.msk [tilespmem:v56+s5+$0x0], $0xffff;
	v60 =	vand.u32 $0x7F, v28  }
0xf5: {  	v59 =	vor.u32 v4, v19;
	v40 =	vor.u32 v27, v60;
	v27 =	vsel vm3, v1, v0  }
0xf6: {  	vm0 =	vlt.f32 v6, v15;
	v42 =	vsel vm2, v1, v0;
	v37 =	vor.u32 v27, v33  }
0xf7: {  	v25 =	vld [tilespmem:s30+$0x410];
	vm3 =	vlt.f32 v35, v22;
	v27 =	vsel vm2, v8, v7;
	v62 =	vand.u32 $0x300, v37  }
0xf8: {  	v63 =	vsel vm3, $0x20, v2;
	vm2 =	vlt.f32 v27, v10;
	v16 =	vld.idx.msk [tilespmem:v16+s5+$0x0], $0xffff;
	vm15 =	vlt.f32 v61, v17  }
0xf9: {  	v36 =	vor.u32 v31, v63;
	vm3 =	vlt.f32 v30, v20;
	v30 =	vsel vm15, $0x10, v2  }
0xfa: {  	v35 =	vor.u32 v3, v62;
	v27 =	vor.u32 v26, v36;
	v29 =	vor.u32 v30, v29;
	v30 =	vld.idx.msk [tilespmem:v59+s5+$0x0], $0xffff  }
0xfb: {  	v39 =	vor.u32 v0, v27;
	v27 =	vsel vm3, $0x80, v2;
	v32 =	vor.u32 v32, v29;
	v29 =	vld.idx.msk [tilespmem:v40+s5+$0x0], $0xffff  }
0xfc: {  	vm1 =	vlt.f32 v6, v25;
	v33 =	vsel vm0, v8, v7;
	v27 =	vor.u32 v27, v38  }
0xfd: {  	v31 =	vsel vm2, $0x100, v2;
	v34 =	vand.u32 $0x380, v27;
	vm2 =	vlt.f32 v16, v9  }
0xfe: {  	s23 =	sshll.u32 s22, $0xF;
	v38 =	vor.u32 v4, v34;
	v16 =	vand.u32 $0x7F, v32;
	v43 =	vsel vm2, $0x20, v2  }
0xff: {  	s2 =	sor.u32 s6, s23;
	s0 =	simm.s32 $0x700;
	v40 =	vld.idx.msk [tilespmem:v35+s5+$0x0], $0xffff;
	v35 =	vor.u32 v21, v16;
	v21 =	vor.u32 v42, v31;
	v16 =	vor.u32 v41, v43  }
.LBB2_3:
0x100: {  	p1 =	sne.s32 s0, $0xFF00;
	v39 =	vld.idx.msk [tilespmem:v39+s5+$0x0], $0xffff;
	vm2 =	vlt.f32 v30, v14;
	vm3 =	vlt.f32 v29, v13;
	v42 =	vor.u32 v11, v16  }
0x101: {  	v28 =	vshrl.u32 v28, $0x4;
	v13 =	vmovc v14;
	v14 =	vmovc v15;
	v29 =	vsel vm3, $0x1, v2;
	v30 =	vor.u32 v0, v42  }
0x102: {  	v31 =	vmovc v34;
	v41 =	vsel vm2, $0x40, v2;
	v15 =	vadd.s32 v29, v28;
	v28 =	vand.u32 $0x300, v21  }
0x103: {  	v34 =	vor.u32 v19, v41;
	v29 =	vld.idx.msk [tilespmem:v38+s5+$0x0], $0xffff;
	v15 =	vcvt.s32.f32 v15;
	v28 =	vor.u32 v3, v28  }
0x104: {  	v38 =	vsel vm0, v1, v0;
	vm0 =	vlt.f32 v33, v14;
	v33 =	vor.u32 v5, v34  }
0x105: {  	v34 =	vsel vm1, v8, v7;
	v42 =	vsel vm0, $0x100, v2;
	v35 =	vld.idx.msk [tilespmem:v35+s5+$0x0], $0xffff;
	v15 =	vmul.f32 $1.562500000e-02, v15  }
0x106: {  	vm0 =	vlt.f32 v40, v23;
	vm2 =	vlt.f32 v39, v22;
	v38 =	vor.u32 v38, v42;
	v30 =	vld.idx.msk [tilespmem:v30+s5+$0x0], $0xffff  }
0x107: {  	v39 =	vsel vm0, $0x80, v2;
	v40 =	vsel vm2, $0x10, v2;
	v42 =	vand.u32 $0x300, v38;
	[tilespmem:s25+$0x8420] =	vst v15  }
0x108: {  	v15 =	vor.u32 v40, v24;
	v24 =	vor.u32 v39, v37;
	v37 =	vor.u32 v3, v42;
	v28 =	vld.idx.msk [tilespmem:v28+s5+$0x0], $0xffff  }
0x109: {  	v39 =	vand.u32 $0x380, v24;
	v36 =	vor.u32 v36, v15;
	vm0 =	vlt.f32 v29, v20;
	v29 =	vld.idx.msk [tilespmem:v33+s5+$0x0], $0xffff  }
0x10a: {  	v33 =	vor.u32 v4, v39;
	v15 =	vand.u32 $0x7F, v36;
	v40 =	vsel vm0, $0x40, v2  }
0x10b: {  	v42 =	vor.u32 v26, v15;
	v15 =	vor.u32 v31, v40;
	vm0 =	vlt.f32 v35, v17;
	v26 =	vmovc v39  }
0x10c: {  	v32 =	vshrl.u32 v32, $0x4;
	v17 =	vmovc v20;
	v20 =	vmovc v25;
	v35 =	vsel vm0, $0x1, v2;
	vm0 =	vlt.f32 v30, v9  }
0x10d: {  	v25 =	vor.u32 v5, v15;
	v30 =	vadd.s32 v35, v32;
	v35 =	vsel vm0, $0x10, v2;
	v32 =	vld [tilespmem:s26+$0x430]  }
0x10e: {  	s3 =	sshra.s32 s0, $0x2;
	v30 =	vcvt.s32.f32 v30;
	vm0 =	vlt.f32 v28, v10;
	v12 =	vor.u32 v35, v12;
	v15 =	vld [tilespmem:s29+$0x420]  }
0x10f: {  	vm2 =	vlt.f32 v29, v13;
	v29 =	vsel vm0, $0x80, v2;
	v16 =	vor.u32 v16, v12;
	v28 =	vld [tilespmem:s3+$0x400]  }
0x110: {  	v39 =	vsel vm2, $0x20, v2;
	v12 =	vor.u32 v29, v21;
	v21 =	vand.u32 $0x7F, v16;
	v35 =	vld.idx.msk [tilespmem:v42+s5+$0x0], $0xffff  }
0x111: {  	v21 =	vor.u32 v11, v21;
	v11 =	vand.u32 $0x380, v12;
	v29 =	vld.idx.msk [tilespmem:v33+s5+$0x0], $0xffff;
	v33 =	vor.u32 v41, v39  }
0x112: {  	v30 =	vmul.f32 $1.562500000e-02, v30;
	v41 =	vor.u32 v4, v11;
	v25 =	vld.idx.msk [tilespmem:v25+s5+$0x0], $0xffff;
	v39 =	vor.u32 v19, v33  }
0x113: {  	vm0 =	vlt.f32 v34, v20;
	v34 =	vor.u32 v0, v39  }
0x114: {  	v42 =	vsel vm0, $0x100, v2;
	v39 =	vsel vm1, v1, v0;
	[tilespmem:s28+$0x8410] =	vst v30  }
0x115: {  	vm2 =	vlt.f32 v6, v32;
	vm0 =	vlt.f32 v6, v15;
	v42 =	vor.u32 v39, v42;
	v30 =	vld.idx.msk [tilespmem:v37+s5+$0x0], $0xffff  }
0x116: {  	vm3 =	vlt.f32 v6, v28;
	vm1 =	vlt.f32 v35, v22;
	v35 =	vand.u32 $0x300, v42;
	v22 =	vmovc v23;
	v21 =	vld.idx.msk [tilespmem:v21+s5+$0x0], $0xffff  }
0x117: {  	v23 =	vmovc v28;
	vm4 =	vlt.f32 v29, v22;
	v29 =	vshrl.u32 v36, $0x4;
	v36 =	vsel vm1, $0x1, v2;
	v37 =	vld.idx.msk [tilespmem:v41+s5+$0x0], $0xffff  }
0x118: {  	v39 =	vsel vm4, $0x40, v2;
	v28 =	vadd.s32 v36, v29;
	vm1 =	vlt.f32 v25, v17;
	v29 =	vld.idx.msk [tilespmem:v34+s5+$0x0], $0xffff  }
0x119: {  	v25 =	vor.u32 v26, v39;
	v28 =	vcvt.s32.f32 v28;
	v34 =	vsel vm1, $0x20, v2  }
0x11a: {  	v35 =	vor.u32 v3, v35;
	v36 =	vor.u32 v5, v25;
	v40 =	vor.u32 v40, v34  }
0x11b: {  	v28 =	vmul.f32 $1.562500000e-02, v28;
	v25 =	vor.u32 v31, v40;
	vm1 =	vlt.f32 v30, v14  }
0x11c: {  	v30 =	vor.u32 v0, v25;
	v34 =	vsel vm1, $0x80, v2;
	vm1 =	vlt.f32 v21, v9;
	v9 =	vmovc v10;
	v10 =	vmovc v32  }
0x11d: {  	v16 =	vshrl.u32 v16, $0x4;
	vm4 =	vlt.f32 v37, v9;
	v21 =	vsel vm1, $0x1, v2  }
0x11e: {  	vm1 =	vlt.f32 v29, v13;
	v41 =	vsel vm4, $0x40, v2;
	v16 =	vadd.s32 v21, v16;
	v25 =	vld [tilespmem:s31+$0x410]  }
0x11f: {  	v29 =	vsel vm1, $0x10, v2;
	v32 =	vor.u32 v11, v41;
	v16 =	vcvt.s32.f32 v16;
	v21 =	vld.idx.msk [tilespmem:v36+s5+$0x0], $0xffff  }
0x120: {  	[tilespmem:s30+$0x8400] =	vst v28;
	v28 =	vor.u32 v29, v18;
	v18 =	vor.u32 v34, v38;
	v29 =	vor.u32 v5, v32  }
0x121: {  	v16 =	vmul.f32 $1.562500000e-02, v16;
	v32 =	vld.idx.msk [tilespmem:v35+s5+$0x0], $0xffff;
	v34 =	vand.u32 $0x380, v18;
	v28 =	vor.u32 v33, v28  }
0x122: {  	v33 =	vsel vm3, v8, v7;
	v35 =	vld.idx.msk [tilespmem:v30+s5+$0x0], $0xffff;
	v30 =	vor.u32 v4, v34;
	v36 =	vand.u32 $0x7F, v28  }
0x123: {  	vm4 =	vlt.f32 v33, v23;
	vm1 =	vlt.f32 v6, v25;
	v38 =	vor.u32 v19, v36;
	[tilespmem:s24+$0x8430] =	vst v16;
	s24 =	smov.u32 s25;
	s25 =	smov.u32 s26;
	s26 =	smov.u32 s28  }
0x124: {  	v43 =	vsel vm2, v1, v0;
	v16 =	vsel vm3, v1, v0;
	v33 =	vsel vm4, $0x100, v2;
	v19 =	vmovc v34;
	s28 =	smov.u32 s29;
	s29 =	smov.u32 s30;
	s30 =	smov.u32 s31  }
0x125: {  	s31 =	smov.u32 s3;
	v37 =	vor.u32 v16, v33;
	vm3 =	vlt.f32 v21, v22;
	v16 =	vsel vm2, v8, v7;
	v21 =	vld.idx.msk [tilespmem:v29+s5+$0x0], $0xffff  }
0x126: {  	v33 =	vsel vm0, v8, v7;
	v29 =	vand.u32 $0x300, v37;
	v34 =	vsel vm3, $0x20, v2  }
0x127: {  	vm2 =	vlt.f32 v16, v10;
	v44 =	vor.u32 v3, v29;
	v36 =	vor.u32 v39, v34;
	v30 =	vld.idx.msk [tilespmem:v30+s5+$0x0], $0xffff  }
0x128: {  	vm3 =	vlt.f32 v32, v20;
	v16 =	vor.u32 v26, v36;
	vm4 =	vlt.f32 v35, v17;
	v29 =	vld.idx.msk [tilespmem:v38+s5+$0x0], $0xffff  }
.Ltmp2:
0x129: {  	v39 =	vor.u32 v0, v16;
	v16 =	vsel vm3, $0x80, v2;
	v32 =	vsel vm4, $0x10, v2;
	(pc) =	sbr.rel @p1 .LBB2_3-.Ltmp2, $4  }
0x12a: {  	v32 =	vor.u32 v32, v27;
	v27 =	vor.u32 v16, v42;
	v16 =	vsel vm2, $0x100, v2  }
0x12b: {  	v34 =	vand.u32 $0x380, v27;
	v32 =	vor.u32 v40, v32;
	vm2 =	vlt.f32 v21, v9  }
0x12c: {  	v38 =	vor.u32 v4, v34;
	v21 =	vand.u32 $0x7F, v32;
	v42 =	vsel vm2, $0x20, v2  }
0x12d: {  	s0 =	sadd.s32 $0x100, s0;
	v35 =	vor.u32 v31, v21;
	v21 =	vor.u32 v43, v16;
	v16 =	vor.u32 v41, v42;
	v40 =	vld.idx.msk [tilespmem:v44+s5+$0x0], $0xffff  }
0x12e: {  	_ =	sdelay $0x3  }
0x12f: {  	vm2 =	vlt.f32 v40, v23  }
0x130: {  	v31 =	vsel vm2, $0x80, v2  }
0x131: {  	v31 =	vor.u32 v31, v37  }
0x132: {  	v37 =	vand.u32 $0x380, v31  }
0x133: {  	v61 =	vor.u32 v4, v37;
	_ =	sdelay $0x4  }
0x134: {  	v40 =	vld.idx.msk [tilespmem:v61+s5+$0x0], $0xffff;
	_ =	sdelay $0x4  }
0x135: {  	vm4 =	vlt.f32 v40, v23  }
0x136: {  	v40 =	vsel vm4, $0x40, v2  }
0x137: {  	v41 =	vor.u32 v37, v40  }
0x138: {  	v41 =	vor.u32 v5, v41;
	_ =	sdelay $0x4  }
0x139: {  	v41 =	vld.idx.msk [tilespmem:v41+s5+$0x0], $0xffff;
	_ =	sdelay $0x4  }
0x13a: {  	vm5 =	vlt.f32 v41, v23  }
0x13b: {  	v41 =	vsel vm5, $0x20, v2  }
0x13c: {  	v40 =	vor.u32 v40, v41  }
0x13d: {  	v41 =	vor.u32 v37, v40  }
0x13e: {  	v39 =	vld.idx.msk [tilespmem:v39+s5+$0x0], $0xffff;
	v41 =	vor.u32 v0, v41;
	_ =	sdelay $0x4  }
0x13f: {  	vm6 =	vlt.f32 v39, v22;
	v41 =	vld.idx.msk [tilespmem:v41+s5+$0x0], $0xffff  }
0x140: {  	v39 =	vsel vm6, $0x10, v2  }
0x141: {  	v24 =	vor.u32 v39, v24  }
0x142: {  	v36 =	vor.u32 v36, v24  }
0x143: {  	v24 =	vand.u32 $0x7F, v36  }
0x144: {  	v24 =	vor.u32 v26, v24;
	vm7 =	vlt.f32 v41, v23  }
0x145: {  	v62 =	vsel vm7, $0x10, v2  }
0x146: {  	v26 =	vor.u32 v62, v31  }
0x147: {  	v26 =	vor.u32 v40, v26  }
0x148: {  	v44 =	vand.u32 $0x7F, v26  }
0x149: {  	v63 =	vld.idx.msk [tilespmem:v24+s5+$0x0], $0xffff;
	v37 =	vor.u32 v37, v44;
	_ =	sdelay $0x1  }
0x14a: {  	v24 =	vld [tilespmem:s31+$0x410]  }
0x14b: {  	v45 =	vsel vm1, v8, v7  }
0x14c: {  	vm8 =	vlt.f32 v45, v25  }
0x14d: {  	v46 =	vsel vm1, v1, v0;
	v47 =	vsel vm8, $0x100, v2;
	vm9 =	vlt.f32 v63, v22;
	v37 =	vld.idx.msk [tilespmem:v37+s5+$0x0], $0xffff  }
0x14e: {  	v48 =	vor.u32 v46, v47;
	v49 =	vshrl.u32 v36, $0x4;
	v50 =	vsel vm9, $0x1, v2  }
0x14f: {  	v39 =	vand.u32 $0x300, v48;
	vm10 =	vlt.f32 v6, v24;
	v31 =	vadd.s32 v50, v49  }
0x150: {  	v51 =	vor.u32 v3, v39;
	v52 =	vsel vm10, v8, v7;
	v31 =	vcvt.s32.f32 v31  }
0x151: {  	v53 =	vsel vm10, v1, v0;
	vm11 =	vlt.f32 v52, v24  }
0x152: {  	v54 =	vsel vm11, $0x100, v2;
	v31 =	vmul.f32 $1.562500000e-02, v31;
	vm12 =	vlt.f32 v37, v23  }
0x153: {  	v55 =	vor.u32 v53, v54;
	v26 =	vshrl.u32 v26, $0x4;
	v56 =	vsel vm12, $0x1, v2  }
0x154: {  	v57 =	vand.u32 $0x300, v55;
	[tilespmem:s30+$0x8400] =	vst v31;
	v26 =	vadd.s32 v56, v26  }
0x155: {  	v58 =	vor.u32 v3, v57;
	v36 =	vld.idx.msk [tilespmem:v51+s5+$0x0], $0xffff;
	v26 =	vcvt.s32.f32 v26;
	_ =	sdelay $0x1  }
0x156: {  	v26 =	vmul.f32 $1.562500000e-02, v26;
	_ =	sdelay $0x1  }
0x157: {  	v60 =	vld.idx.msk [tilespmem:v38+s5+$0x0], $0xffff;
	[tilespmem:s31+$0x8400] =	vst v26  }
0x158: {  	vm13 =	vlt.f32 v36, v25;
	v31 =	vld.idx.msk [tilespmem:v58+s5+$0x0], $0xffff  }
0x159: {  	v59 =	vsel vm13, $0x80, v2  }
0x15a: {  	v22 =	vor.u32 v59, v48  }
0x15b: {  	v26 =	vand.u32 $0x380, v22  }
0x15c: {  	vm15 =	vlt.f32 v60, v20;
	v61 =	vor.u32 v4, v26  }
0x15d: {  	v63 =	vsel vm15, $0x40, v2;
	vm14 =	vlt.f32 v31, v24  }
0x15e: {  	v43 =	vor.u32 v34, v63;
	v31 =	vsel vm14, $0x80, v2  }
0x15f: {  	v39 =	vor.u32 v5, v43;
	v31 =	vor.u32 v31, v55  }
0x160: {  	v36 =	vand.u32 $0x380, v31  }
0x161: {  	v62 =	vld.idx.msk [tilespmem:v61+s5+$0x0], $0xffff;
	v42 =	vor.u32 v4, v36;
	_ =	sdelay $0x2  }
0x162: {  	v39 =	vld.idx.msk [tilespmem:v39+s5+$0x0], $0xffff;
	_ =	sdelay $0x1  }
0x163: {  	vm4 =	vlt.f32 v62, v25;
	v38 =	vld.idx.msk [tilespmem:v42+s5+$0x0], $0xffff  }
0x164: {  	v23 =	vsel vm4, $0x40, v2  }
0x165: {  	v44 =	vor.u32 v26, v23  }
0x166: {  	vm6 =	vlt.f32 v39, v20;
	v40 =	vor.u32 v5, v44  }
0x167: {  	v47 =	vsel vm6, $0x20, v2  }
0x168: {  	v37 =	vor.u32 v63, v47;
	vm5 =	vlt.f32 v38, v24  }
0x169: {  	v41 =	vor.u32 v34, v37;
	v38 =	vsel vm5, $0x40, v2  }
0x16a: {  	v41 =	vor.u32 v0, v41;
	v46 =	vor.u32 v36, v38  }
0x16b: {  	v45 =	vld.idx.msk [tilespmem:v40+s5+$0x0], $0xffff;
	v40 =	vor.u32 v5, v46;
	_ =	sdelay $0x3  }
0x16c: {  	v41 =	vld.idx.msk [tilespmem:v41+s5+$0x0], $0xffff  }
0x16d: {  	vm7 =	vlt.f32 v45, v25;
	v40 =	vld.idx.msk [tilespmem:v40+s5+$0x0], $0xffff  }
0x16e: {  	v39 =	vsel vm7, $0x20, v2  }
0x16f: {  	v39 =	vor.u32 v23, v39  }
0x170: {  	v49 =	vor.u32 v26, v39  }
0x171: {  	v48 =	vld.idx.msk [tilespmem:v35+s5+$0x0], $0xffff;
	v35 =	vor.u32 v0, v49  }
0x172: {  	vm11 =	vlt.f32 v41, v20;
	vm9 =	vlt.f32 v40, v24  }
0x173: {  	v57 =	vsel vm11, $0x10, v2;
	v42 =	vsel vm9, $0x20, v2  }
0x174: {  	v27 =	vor.u32 v57, v27;
	v52 =	vor.u32 v38, v42  }
0x175: {  	v27 =	vor.u32 v37, v27;
	v55 =	vor.u32 v36, v52  }
0x176: {  	v37 =	vand.u32 $0x7F, v27;
	v54 =	vld.idx.msk [tilespmem:v35+s5+$0x0], $0xffff;
	v35 =	vor.u32 v0, v55  }
0x177: {  	v61 =	vor.u32 v34, v37  }
0x178: {  	vm10 =	vlt.f32 v48, v17  }
0x179: {  	vm8 =	vlt.f32 v33, v15;
	v53 =	vshrl.u32 v32, $0x4;
	v56 =	vsel vm10, $0x1, v2  }
0x17a: {  	v50 =	vsel vm0, v1, v0;
	v51 =	vsel vm8, $0x100, v2;
	v23 =	vadd.s32 v56, v53  }
0x17b: {  	v33 =	vor.u32 v50, v51;
	v23 =	vcvt.s32.f32 v23;
	v35 =	vld.idx.msk [tilespmem:v35+s5+$0x0], $0xffff  }
0x17c: {  	v58 =	vand.u32 $0x300, v33;
	v34 =	vld.idx.msk [tilespmem:v61+s5+$0x0], $0xffff;
	vm12 =	vlt.f32 v54, v25  }
0x17d: {  	v59 =	vor.u32 v3, v58;
	v60 =	vmul.f32 $1.562500000e-02, v23;
	v23 =	vld [tilespmem:s29+$0x420];
	v32 =	vsel vm12, $0x10, v2  }
0x17e: {  	v22 =	vor.u32 v32, v22  }
0x17f: {  	v63 =	vor.u32 v39, v22  }
0x180: {  	v22 =	vand.u32 $0x7F, v63;
	vm13 =	vlt.f32 v35, v24  }
0x181: {  	vm5 =	vlt.f32 v34, v20;
	v20 =	vld [tilespmem:s31+$0x420];
	[tilespmem:s28+$0x8410] =	vst v60;
	v26 =	vor.u32 v26, v22;
	v39 =	vsel vm13, $0x10, v2  }
0x182: {  	v27 =	vshrl.u32 v27, $0x4;
	v62 =	vld.idx.msk [tilespmem:v59+s5+$0x0], $0xffff;
	vm14 =	vlt.f32 v6, v23;
	v31 =	vor.u32 v39, v31  }
0x183: {  	v44 =	vsel vm5, $0x1, v2;
	v40 =	vsel vm14, v8, v7;
	v22 =	vld [tilespmem:s30+$0x420];
	v31 =	vor.u32 v52, v31  }
0x184: {  	v47 =	vadd.s32 v44, v27;
	vm4 =	vlt.f32 v40, v23;
	v43 =	vand.u32 $0x7F, v31  }
0x185: {  	v41 =	vsel vm14, v1, v0;
	v42 =	vsel vm4, $0x100, v2;
	v45 =	vor.u32 v36, v43  }
0x186: {  	v49 =	vcvt.s32.f32 v47;
	vm9 =	vlt.f32 v6, v20;
	v35 =	vor.u32 v41, v42;
	v26 =	vld.idx.msk [tilespmem:v26+s5+$0x0], $0xffff  }
0x187: {  	v56 =	vsel vm9, v8, v7;
	v57 =	vsel vm9, v1, v0;
	v48 =	vand.u32 $0x300, v35  }
0x188: {  	vm15 =	vlt.f32 v62, v15;
	vm6 =	vlt.f32 v6, v22;
	v32 =	vor.u32 v3, v48  }
0x189: {  	vm10 =	vlt.f32 v56, v20;
	v46 =	vsel vm15, $0x80, v2;
	v50 =	vsel vm6, v8, v7  }
0x18a: {  	v27 =	vor.u32 v46, v33;
	v33 =	vmul.f32 $1.562500000e-02, v49;
	vm8 =	vlt.f32 v50, v22;
	v34 =	vld.idx.msk [tilespmem:v45+s5+$0x0], $0xffff  }
0x18b: {  	v52 =	vsel vm6, v1, v0;
	v53 =	vsel vm8, $0x100, v2;
	vm7 =	vlt.f32 v26, v25  }
0x18c: {  	[tilespmem:s29+$0x8410] =	vst v33;
	v51 =	vshrl.u32 v63, $0x4;
	v54 =	vor.u32 v52, v53;
	v26 =	vsel vm7, $0x1, v2  }
0x18d: {  	v58 =	vsel vm10, $0x100, v2;
	v36 =	vand.u32 $0x300, v54;
	v32 =	vld.idx.msk [tilespmem:v32+s5+$0x0], $0xffff;
	v25 =	vadd.s32 v26, v51  }
0x18e: {  	v17 =	vand.u32 $0x380, v27;
	v36 =	vor.u32 v3, v36;
	v25 =	vcvt.s32.f32 v25  }
0x18f: {  	v59 =	vor.u32 v57, v58;
	v55 =	vor.u32 v4, v17;
	vm11 =	vlt.f32 v34, v24  }
0x190: {  	v31 =	vshrl.u32 v31, $0x4;
	v25 =	vmul.f32 $1.562500000e-02, v25;
	v34 =	vsel vm11, $0x1, v2  }
0x191: {  	vm12 =	vlt.f32 v30, v14;
	v60 =	vand.u32 $0x300, v59;
	v31 =	vadd.s32 v34, v31  }
0x192: {  	v61 =	vor.u32 v3, v60;
	vm13 =	vlt.f32 v32, v23;
	[tilespmem:s30+$0x8410] =	vst v25;
	v62 =	vcvt.s32.f32 v31  }
0x193: {  	v63 =	vsel vm12, $0x40, v2;
	v32 =	vsel vm13, $0x80, v2;
	v42 =	vld.idx.msk [tilespmem:v36+s5+$0x0], $0xffff  }
0x194: {  	v43 =	vor.u32 v19, v63;
	v32 =	vor.u32 v32, v35;
	v30 =	vmul.f32 $1.562500000e-02, v62  }
0x195: {  	v33 =	vld.idx.msk [tilespmem:v55+s5+$0x0], $0xffff;
	v44 =	vor.u32 v5, v43;
	v36 =	vand.u32 $0x380, v32  }
0x196: {  	v45 =	vor.u32 v4, v36;
	[tilespmem:s31+$0x8410] =	vst v30  }
0x197: {  	v25 =	vld.idx.msk [tilespmem:v61+s5+$0x0], $0xffff  }
0x198: {  	vm14 =	vlt.f32 v42, v22  }
0x199: {  	v46 =	vsel vm14, $0x80, v2  }
0x19a: {  	vm15 =	vlt.f32 v33, v15;
	v47 =	vld.idx.msk [tilespmem:v44+s5+$0x0], $0xffff;
	v26 =	vor.u32 v46, v54  }
0x19b: {  	v48 =	vsel vm15, $0x40, v2;
	v49 =	vld.idx.msk [tilespmem:v45+s5+$0x0], $0xffff;
	v35 =	vand.u32 $0x380, v26  }
0x19c: {  	v50 =	vor.u32 v17, v48;
	v51 =	vor.u32 v4, v35;
	vm4 =	vlt.f32 v25, v20  }
0x19d: {  	v52 =	vor.u32 v5, v50;
	v53 =	vsel vm4, $0x80, v2  }
0x19e: {  	v24 =	vor.u32 v53, v59  }
0x19f: {  	v37 =	vand.u32 $0x380, v24  }
0x1a0: {  	vm5 =	vlt.f32 v47, v14;
	vm6 =	vlt.f32 v49, v23;
	v54 =	vor.u32 v4, v37  }
0x1a1: {  	v34 =	vsel vm5, $0x20, v2;
	v55 =	vsel vm6, $0x40, v2;
	v38 =	vld.idx.msk [tilespmem:v51+s5+$0x0], $0xffff  }
0x1a2: {  	v31 =	vor.u32 v63, v34;
	v25 =	vld.idx.msk [tilespmem:v52+s5+$0x0], $0xffff;
	v56 =	vor.u32 v36, v55  }
0x1a3: {  	v57 =	vor.u32 v19, v31;
	v34 =	vor.u32 v5, v56  }
0x1a4: {  	v40 =	vor.u32 v0, v57  }
0x1a5: {  	v33 =	vld.idx.msk [tilespmem:v54+s5+$0x0], $0xffff;
	_ =	sdelay $0x1  }
0x1a6: {  	vm7 =	vlt.f32 v38, v22;
	vm8 =	vlt.f32 v25, v15  }
0x1a7: {  	v28 =	vshrl.u32 v28, $0x4;
	v58 =	vsel vm7, $0x40, v2;
	v59 =	vsel vm8, $0x20, v2;
	v34 =	vld.idx.msk [tilespmem:v34+s5+$0x0], $0xffff  }
0x1a8: {  	vm9 =	vlt.f32 v29, v13;
	v61 =	vld.idx.msk [tilespmem:v40+s5+$0x0], $0xffff;
	v60 =	vor.u32 v35, v58;
	v62 =	vor.u32 v48, v59  }
0x1a9: {  	v63 =	vor.u32 v5, v60;
	v38 =	vor.u32 v17, v62;
	vm10 =	vlt.f32 v33, v20  }
0x1aa: {  	v44 =	vsel vm9, $0x1, v2;
	v38 =	vor.u32 v0, v38;
	v45 =	vsel vm10, $0x40, v2  }
0x1ab: {  	v28 =	vadd.s32 v44, v28;
	v46 =	vor.u32 v37, v45  }
0x1ac: {  	v28 =	vcvt.s32.f32 v28;
	vm11 =	vlt.f32 v34, v23;
	v33 =	vor.u32 v5, v46  }
0x1ad: {  	v47 =	vand.u32 $0x300, v21;
	vm12 =	vlt.f32 v61, v14;
	v48 =	vsel vm11, $0x20, v2  }
0x1ae: {  	v49 =	vor.u32 v3, v47;
	v50 =	vsel vm12, $0x10, v2;
	v30 =	vld.idx.msk [tilespmem:v63+s5+$0x0], $0xffff;
	v39 =	vor.u32 v55, v48  }
0x1af: {  	v51 =	vor.u32 v50, v18;
	v52 =	vld.idx.msk [tilespmem:v38+s5+$0x0], $0xffff;
	v53 =	vor.u32 v36, v39  }
0x1b0: {  	v28 =	vmul.f32 $1.562500000e-02, v28;
	v31 =	vor.u32 v31, v51;
	v38 =	vor.u32 v0, v53  }
0x1b1: {  	v13 =	vand.u32 $0x7F, v31;
	v33 =	vld.idx.msk [tilespmem:v33+s5+$0x0], $0xffff  }
0x1b2: {  	[tilespmem:s25+$0x8420] =	vst v28;
	v54 =	vor.u32 v19, v13  }
0x1b3: {  	v28 =	vld.idx.msk [tilespmem:v49+s5+$0x0], $0xffff;
	vm13 =	vlt.f32 v30, v22  }
0x1b4: {  	v13 =	vld [tilespmem:s26+$0x430];
	v30 =	vsel vm13, $0x20, v2;
	vm14 =	vlt.f32 v52, v15  }
0x1b5: {  	v18 =	vor.u32 v58, v30;
	v55 =	vsel vm14, $0x10, v2;
	v56 =	vld.idx.msk [tilespmem:v38+s5+$0x0], $0xffff  }
0x1b6: {  	v57 =	vor.u32 v35, v18;
	v25 =	vor.u32 v55, v27;
	vm15 =	vlt.f32 v33, v20  }
0x1b7: {  	v19 =	vld.idx.msk [tilespmem:v54+s5+$0x0], $0xffff;
	v58 =	vor.u32 v0, v57;
	v25 =	vor.u32 v62, v25;
	v59 =	vsel vm15, $0x20, v2  }
0x1b8: {  	v44 =	vshrl.u32 v31, $0x4;
	v60 =	vand.u32 $0x7F, v25;
	v29 =	vor.u32 v45, v59  }
0x1b9: {  	vm0 =	vlt.f32 v28, v10;
	v28 =	vor.u32 v17, v60;
	v61 =	vor.u32 v37, v29  }
0x1ba: {  	vm4 =	vlt.f32 v6, v13;
	vm5 =	vlt.f32 v56, v23;
	v63 =	vor.u32 v0, v61  }
0x1bb: {  	v40 =	vsel vm4, v1, v0;
	v62 =	vsel vm4, v8, v7;
	v17 =	vld [tilespmem:s28+$0x430];
	v41 =	vsel vm5, $0x10, v2  }
0x1bc: {  	vm7 =	vlt.f32 v19, v14;
	vm6 =	vlt.f32 v62, v13;
	v27 =	vld.idx.msk [tilespmem:v58+s5+$0x0], $0xffff;
	v43 =	vor.u32 v41, v32  }
0x1bd: {  	v42 =	vsel vm6, $0x100, v2;
	v56 =	vshrl.u32 v25, $0x4;
	v32 =	vor.u32 v39, v43  }
0x1be: {  	v33 =	vor.u32 v40, v42;
	v45 =	vsel vm7, $0x1, v2;
	v47 =	vld.idx.msk [tilespmem:v28+s5+$0x0], $0xffff;
	v48 =	vand.u32 $0x7F, v32  }
0x1bf: {  	v49 =	vand.u32 $0x300, v33;
	v46 =	vadd.s32 v45, v44;
	v28 =	vor.u32 v36, v48;
	v30 =	vld.idx.msk [tilespmem:v63+s5+$0x0], $0xffff  }
0x1c0: {  	v31 =	vor.u32 v3, v49;
	vm8 =	vlt.f32 v6, v17;
	v14 =	vcvt.s32.f32 v46  }
0x1c1: {  	v51 =	vsel vm8, v8, v7;
	v53 =	vsel vm8, v1, v0;
	vm9 =	vlt.f32 v27, v22  }
0x1c2: {  	vm10 =	vlt.f32 v51, v17;
	v50 =	vmul.f32 $1.562500000e-02, v14;
	v52 =	vsel vm9, $0x10, v2;
	v14 =	vld [tilespmem:s29+$0x430]  }
0x1c3: {  	v54 =	vsel vm10, $0x100, v2;
	v26 =	vor.u32 v52, v26;
	vm11 =	vlt.f32 v47, v15  }
0x1c4: {  	v55 =	vor.u32 v18, v26;
	v57 =	vld.idx.msk [tilespmem:v28+s5+$0x0], $0xffff;
	v59 =	vsel vm11, $0x1, v2;
	vm12 =	vlt.f32 v30, v20  }
0x1c5: {  	v18 =	vld [tilespmem:s31+$0x430];
	v58 =	vand.u32 $0x7F, v55;
	v15 =	vadd.s32 v59, v56;
	v60 =	vsel vm12, $0x10, v2  }
0x1c6: {  	v19 =	vshrl.u32 v55, $0x4;
	v25 =	vor.u32 v35, v58;
	v24 =	vor.u32 v60, v24  }
0x1c7: {  	v62 =	vcvt.s32.f32 v15;
	v15 =	vld [tilespmem:s30+$0x430];
	vm13 =	vlt.f32 v6, v14;
	v24 =	vor.u32 v29, v24  }
0x1c8: {  	v63 =	vsel vm13, v8, v7;
	v39 =	vsel vm13, v1, v0;
	v29 =	vand.u32 $0x7F, v24  }
0x1c9: {  	v28 =	vmul.f32 $1.562500000e-02, v62;
	vm14 =	vlt.f32 v57, v23;
	v36 =	vor.u32 v37, v29  }
0x1ca: {  	vm3 =	vlt.f32 v63, v14;
	vm6 =	vlt.f32 v6, v18;
	v30 =	vor.u32 v53, v54  }
0x1cb: {  	v38 =	vsel vm14, $0x1, v2;
	v34 =	vsel vm3, $0x100, v2;
	v44 =	vsel vm6, v8, v7  }
0x1cc: {  	v47 =	vsel vm6, v1, v0;
	v61 =	vand.u32 $0x300, v30;
	vm15 =	vlt.f32 v6, v15  }
0x1cd: {  	v25 =	vld.idx.msk [tilespmem:v25+s5+$0x0], $0xffff;
	vm7 =	vlt.f32 v44, v18;
	v26 =	vor.u32 v3, v61;
	v40 =	vsel vm15, v8, v7  }
0x1ce: {  	v41 =	vsel vm15, v1, v0;
	v48 =	vsel vm7, $0x100, v2;
	vm4 =	vlt.f32 v40, v15;
	v23 =	vld.idx.msk [tilespmem:v36+s5+$0x0], $0xffff  }
0x1cf: {  	[tilespmem:s26+$0x8420] =	vst v50;
	v49 =	vor.u32 v47, v48;
	v42 =	vsel vm4, $0x100, v2;
	v50 =	vshrl.u32 v24, $0x4  }
0x1d0: {  	v52 =	vand.u32 $0x300, v49;
	v37 =	vshrl.u32 v32, $0x4;
	v32 =	vor.u32 v39, v34  }
0x1d1: {  	v43 =	vor.u32 v41, v42;
	v29 =	vadd.s32 v38, v37;
	v34 =	vand.u32 $0x300, v32  }
0x1d2: {  	vm5 =	vlt.f32 v25, v22;
	v29 =	vcvt.s32.f32 v29;
	v34 =	vor.u32 v3, v34  }
0x1d3: {  	v45 =	vand.u32 $0x300, v43;
	v22 =	vsel vm5, $0x1, v2;
	vm8 =	vlt.f32 v23, v20  }
0x1d4: {  	v46 =	vld.idx.msk [tilespmem:v31+s5+$0x0], $0xffff;
	[tilespmem:s28+$0x8420] =	vst v28;
	v19 =	vadd.s32 v22, v19;
	v29 =	vmul.f32 $1.562500000e-02, v29;
	v51 =	vsel vm8, $0x1, v2  }
0x1d5: {  	v26 =	vld.idx.msk [tilespmem:v26+s5+$0x0], $0xffff;
	v27 =	vor.u32 v3, v45;
	v19 =	vcvt.s32.f32 v19;
	v23 =	vadd.s32 v51, v50  }
0x1d6: {  	v24 =	vor.u32 v3, v52;
	[tilespmem:s29+$0x8420] =	vst v29;
	v23 =	vcvt.s32.f32 v23  }
0x1d7: {  	v19 =	vmul.f32 $1.562500000e-02, v19;
	v54 =	vld.idx.msk [tilespmem:v34+s5+$0x0], $0xffff  }
0x1d8: {  	v53 =	vsel vm0, $0x80, v2;
	v55 =	vmul.f32 $1.562500000e-02, v23  }
0x1d9: {  	vm9 =	vlt.f32 v46, v13;
	v21 =	vor.u32 v53, v21;
	[tilespmem:s30+$0x8420] =	vst v19  }
0x1da: {  	v57 =	vsel vm9, $0x80, v2;
	v29 =	vand.u32 $0x380, v21;
	vm10 =	vlt.f32 v26, v17;
	v58 =	vld.idx.msk [tilespmem:v27+s5+$0x0], $0xffff;
	[tilespmem:s31+$0x8420] =	vst v55  }
0x1db: {  	v56 =	vor.u32 v4, v29;
	v19 =	vor.u32 v57, v33;
	v59 =	vsel vm10, $0x80, v2;
	v24 =	vld.idx.msk [tilespmem:v24+s5+$0x0], $0xffff  }
0x1dc: {  	v22 =	vand.u32 $0x380, v19;
	v27 =	vor.u32 v59, v30;
	vm11 =	vlt.f32 v54, v14  }
0x1dd: {  	v60 =	vor.u32 v4, v22;
	v28 =	vand.u32 $0x380, v27;
	v61 =	vsel vm11, $0x80, v2  }
0x1de: {  	v62 =	vor.u32 v4, v28;
	v30 =	vor.u32 v61, v32  }
0x1df: {  	vm12 =	vlt.f32 v58, v15;
	v32 =	vand.u32 $0x380, v30  }
0x1e0: {  	v23 =	vld.idx.msk [tilespmem:v56+s5+$0x0], $0xffff;
	v40 =	vsel vm12, $0x80, v2;
	v63 =	vor.u32 v4, v32;
	vm13 =	vlt.f32 v24, v18  }
0x1e1: {  	v25 =	vor.u32 v40, v43;
	v42 =	vsel vm13, $0x80, v2  }
0x1e2: {  	v41 =	vld.idx.msk [tilespmem:v60+s5+$0x0], $0xffff;
	v34 =	vand.u32 $0x380, v25;
	v20 =	vor.u32 v42, v49  }
0x1e3: {  	v43 =	vld.idx.msk [tilespmem:v62+s5+$0x0], $0xffff;
	v44 =	vor.u32 v4, v34;
	v35 =	vand.u32 $0x380, v20  }
0x1e4: {  	v45 =	vor.u32 v4, v35  }
0x1e5: {  	vm14 =	vlt.f32 v23, v10;
	v26 =	vld.idx.msk [tilespmem:v63+s5+$0x0], $0xffff  }
0x1e6: {  	v46 =	vsel vm14, $0x40, v2  }
0x1e7: {  	vm15 =	vlt.f32 v41, v13;
	v47 =	vor.u32 v29, v46  }
0x1e8: {  	vm4 =	vlt.f32 v43, v17;
	v48 =	vor.u32 v5, v47;
	v51 =	vld.idx.msk [tilespmem:v44+s5+$0x0], $0xffff;
	v49 =	vsel vm15, $0x40, v2  }
0x1e9: {  	v53 =	vsel vm4, $0x40, v2;
	v50 =	vor.u32 v22, v49;
	v23 =	vld.idx.msk [tilespmem:v45+s5+$0x0], $0xffff  }
0x1ea: {  	v54 =	vor.u32 v28, v53;
	vm5 =	vlt.f32 v26, v14;
	v52 =	vor.u32 v5, v50  }
0x1eb: {  	v55 =	vor.u32 v5, v54;
	v56 =	vsel vm5, $0x40, v2  }
0x1ec: {  	v57 =	vor.u32 v32, v56  }
0x1ed: {  	v24 =	vld.idx.msk [tilespmem:v48+s5+$0x0], $0xffff;
	vm6 =	vlt.f32 v51, v15;
	v40 =	vor.u32 v5, v57  }
0x1ee: {  	v59 =	vsel vm6, $0x40, v2;
	vm7 =	vlt.f32 v23, v18  }
0x1ef: {  	v60 =	vor.u32 v34, v59;
	v58 =	vld.idx.msk [tilespmem:v52+s5+$0x0], $0xffff;
	v61 =	vsel vm7, $0x40, v2  }
0x1f0: {  	v26 =	vld.idx.msk [tilespmem:v55+s5+$0x0], $0xffff;
	v23 =	vor.u32 v5, v60;
	v62 =	vor.u32 v35, v61  }
0x1f1: {  	v63 =	vor.u32 v5, v62  }
0x1f2: {  	v45 =	vor.u32 v11, v16;
	vm8 =	vlt.f32 v24, v10;
	v40 =	vld.idx.msk [tilespmem:v40+s5+$0x0], $0xffff  }
0x1f3: {  	v42 =	vor.u32 v0, v45;
	v43 =	vsel vm8, $0x20, v2  }
0x1f4: {  	v36 =	vor.u32 v46, v43;
	vm9 =	vlt.f32 v58, v13  }
0x1f5: {  	vm10 =	vlt.f32 v26, v17;
	v46 =	vor.u32 v29, v36;
	v47 =	vsel vm9, $0x20, v2;
	v23 =	vld.idx.msk [tilespmem:v23+s5+$0x0], $0xffff  }
0x1f6: {  	v31 =	vor.u32 v0, v46;
	v37 =	vor.u32 v49, v47;
	v49 =	vsel vm10, $0x20, v2;
	v24 =	vld.idx.msk [tilespmem:v63+s5+$0x0], $0xffff  }
0x1f7: {  	vm11 =	vlt.f32 v40, v14;
	v48 =	vor.u32 v22, v37;
	v38 =	vor.u32 v53, v49  }
0x1f8: {  	v50 =	vld.idx.msk [tilespmem:v42+s5+$0x0], $0xffff;
	v52 =	vsel vm11, $0x20, v2;
	v26 =	vor.u32 v0, v48;
	v51 =	vor.u32 v28, v38  }
0x1f9: {  	v39 =	vor.u32 v56, v52;
	v42 =	vor.u32 v0, v51  }
0x1fa: {  	v43 =	vor.u32 v32, v39;
	vm12 =	vlt.f32 v23, v15  }
0x1fb: {  	v31 =	vld.idx.msk [tilespmem:v31+s5+$0x0], $0xffff;
	v53 =	vor.u32 v0, v43;
	v54 =	vsel vm12, $0x20, v2;
	vm13 =	vlt.f32 v24, v18  }
0x1fc: {  	v56 =	vor.u32 v59, v54;
	v57 =	vsel vm13, $0x20, v2  }
0x1fd: {  	vm14 =	vlt.f32 v50, v9;
	v55 =	vld.idx.msk [tilespmem:v26+s5+$0x0], $0xffff;
	v58 =	vor.u32 v34, v56;
	v33 =	vor.u32 v61, v57  }
0x1fe: {  	v42 =	vld.idx.msk [tilespmem:v42+s5+$0x0], $0xffff;
	v59 =	vsel vm14, $0x10, v2;
	v40 =	vor.u32 v0, v58;
	v60 =	vor.u32 v35, v33  }
0x1ff: {  	v12 =	vor.u32 v59, v12;
	v61 =	vor.u32 v0, v60  }
0x200: {  	vm15 =	vlt.f32 v31, v10;
	v23 =	vld.idx.msk [tilespmem:v53+s5+$0x0], $0xffff;
	v12 =	vor.u32 v16, v12  }
0x201: {  	v62 =	vsel vm15, $0x10, v2;
	v63 =	vand.u32 $0x7F, v12  }
0x202: {  	v16 =	vor.u32 v62, v21;
	vm4 =	vlt.f32 v55, v13;
	v11 =	vor.u32 v11, v63  }
0x203: {  	v16 =	vor.u32 v36, v16;
	v36 =	vsel vm4, $0x10, v2;
	vm5 =	vlt.f32 v42, v17;
	v43 =	vld.idx.msk [tilespmem:v40+s5+$0x0], $0xffff  }
0x204: {  	v41 =	vand.u32 $0x7F, v16;
	v19 =	vor.u32 v36, v19;
	v44 =	vsel vm5, $0x10, v2;
	v31 =	vld.idx.msk [tilespmem:v61+s5+$0x0], $0xffff  }
0x205: {  	vm6 =	vlt.f32 v23, v14;
	v24 =	vor.u32 v29, v41;
	v19 =	vor.u32 v37, v19  }
0x206: {  	v27 =	vor.u32 v44, v27;
	v47 =	vsel vm6, $0x10, v2;
	v45 =	vand.u32 $0x7F, v19  }
0x207: {  	v46 =	vor.u32 v38, v27;
	v27 =	vor.u32 v47, v30;
	v22 =	vor.u32 v22, v45;
	v11 =	vld.idx.msk [tilespmem:v11+s5+$0x0], $0xffff  }
0x208: {  	v48 =	vand.u32 $0x7F, v46;
	v27 =	vor.u32 v39, v27;
	vm7 =	vlt.f32 v43, v15  }
0x209: {  	v28 =	vor.u32 v28, v48;
	v51 =	vsel vm7, $0x10, v2;
	vm8 =	vlt.f32 v31, v18  }
0x20a: {  	v50 =	vand.u32 $0x7F, v27;
	v49 =	vld.idx.msk [tilespmem:v24+s5+$0x0], $0xffff;
	v25 =	vor.u32 v51, v25;
	v52 =	vsel vm8, $0x10, v2  }
0x20b: {  	v24 =	vor.u32 v32, v50;
	v25 =	vor.u32 v56, v25;
	v20 =	vor.u32 v52, v20  }
0x20c: {  	v22 =	vld.idx.msk [tilespmem:v22+s5+$0x0], $0xffff;
	vm9 =	vlt.f32 v11, v9;
	v9 =	vand.u32 $0x7F, v25;
	v11 =	vor.u32 v33, v20  }
0x20d: {  	v9 =	vor.u32 v34, v9;
	v20 =	vand.u32 $0x7F, v11  }
0x20e: {  	v12 =	vshrl.u32 v12, $0x4;
	v20 =	vor.u32 v35, v20  }
0x20f: {  	v16 =	vshrl.u32 v16, $0x4;
	v53 =	vsel vm9, $0x1, v2;
	vm10 =	vlt.f32 v49, v10;
	v10 =	vld.idx.msk [tilespmem:v28+s5+$0x0], $0xffff  }
0x210: {  	v55 =	vshrl.u32 v19, $0x4;
	v24 =	vld.idx.msk [tilespmem:v24+s5+$0x0], $0xffff;
	v12 =	vadd.s32 v53, v12;
	v21 =	vsel vm10, $0x1, v2  }
0x211: {  	v12 =	vcvt.s32.f32 v12;
	v16 =	vadd.s32 v21, v16;
	vm11 =	vlt.f32 v22, v13  }
0x212: {  	v59 =	vshrl.u32 v27, $0x4;
	v54 =	vcvt.s32.f32 v16;
	v56 =	vsel vm11, $0x1, v2;
	v9 =	vld.idx.msk [tilespmem:v9+s5+$0x0], $0xffff  }
0x213: {  	v12 =	vmul.f32 $1.562500000e-02, v12;
	v16 =	vadd.s32 v56, v55;
	v11 =	vshrl.u32 v11, $0x4;
	v57 =	vld.idx.msk [tilespmem:v20+s5+$0x0], $0xffff  }
0x214: {  	v13 =	vmul.f32 $1.562500000e-02, v54;
	v16 =	vcvt.s32.f32 v16;
	vm12 =	vlt.f32 v10, v17  }
0x215: {  	v10 =	vshrl.u32 v46, $0x4;
	vm13 =	vlt.f32 v24, v14;
	v58 =	vsel vm12, $0x1, v2  }
0x216: {  	v60 =	vsel vm13, $0x1, v2;
	v16 =	vmul.f32 $1.562500000e-02, v16;
	v10 =	vadd.s32 v58, v10  }
0x217: {  	v61 =	vadd.s32 v60, v59;
	v10 =	vcvt.s32.f32 v10;
	vm14 =	vlt.f32 v9, v15  }
0x218: {  	v9 =	vshrl.u32 v25, $0x4;
	v15 =	vsel vm14, $0x1, v2;
	vm15 =	vlt.f32 v57, v18  }
0x219: {  	[tilespmem:s24+$0x8430] =	vst v12;
	v14 =	vcvt.s32.f32 v61;
	v9 =	vadd.s32 v15, v9;
	v62 =	vsel vm15, $0x1, v2  }
0x21a: {  	[tilespmem:s25+$0x8430] =	vst v13;
	v10 =	vmul.f32 $1.562500000e-02, v10;
	v9 =	vcvt.s32.f32 v9;
	v11 =	vadd.s32 v62, v11  }
0x21b: {  	p1 =	sne.s32 s22, $0xF;
	[tilespmem:s26+$0x8430] =	vst v16;
	v63 =	vmul.f32 $1.562500000e-02, v14;
	v11 =	vcvt.s32.f32 v11  }
.Ltmp3:
0x21c: {  	[tilespmem:s28+$0x8430] =	vst v10;
	v9 =	vmul.f32 $1.562500000e-02, v9;
	(pc) =	sbr.rel @p1 .LBB2_6-.Ltmp3, $4  }
0x21d: {  	[tilespmem:s29+$0x8430] =	vst v63;
	v10 =	vmul.f32 $1.562500000e-02, v11  }
0x21e: {  	s24 =	sshrl.u32 s2, $0x3;
	[tilespmem:s30+$0x8430] =	vst v9  }
0x21f: {  	s0 =	sadd.s32 s4, s24;
	[tilespmem:s31+$0x8430] =	vst v10  }
0x220: {  	[hbm4b:s0+s5] =	stream.linear.scatter [tilespmem:s16], [sflag:$0x3], $0x4000, $0x38;
	[tilespmem:$0x10400] =	vst v63  }
.Ltmp4:
0x221: {  	(pc) =	sbr.rel .LBB2_7-.Ltmp4, $4  }
0x222: {  	_ = 	snop  }
0x223: {  	_ =	swait.ge [sflag:s17], $0x4000  }
0x224: {  	[sflag:s17] =	ssyncset.done $0x0  }
0x225: {  	[sflag:s17] =	ssyncadd.s32 $0xFFFFC000  }
.LBB2_6:
0x226: {  	s0 =	sadd.s32 s23, s9  }
0x227: {  	s0 =	sshrl.u32 s0, $0x3  }
.Ltmp5:
0x228: {  	s0 =	sadd.s32 s1, s0;
	(pc) =	sbr.rel @p0 .LBB2_8-.Ltmp5, $4  }
0x229: {  	[tilespmem:s13], [sflag:$0x1] =	stream.linear.gather [hbm4b:s0+s5], $0x4000, $0x38;
	[tilespmem:$0x10400] =	vst v63  }
0x22a: {  	_ =	swait.ge [sflag:s17], $0x4000  }
0x22b: {  	[sflag:s17] =	ssyncset.done $0x0  }
0x22c: {  	[sflag:s17] =	ssyncadd.s32 $0xFFFFC000  }
.LBB2_7:
0x22d: {  	_ =	swait.ge [sflag:s18], $0x4000  }
0x22e: {  	[sflag:s18] =	ssyncset.done $0x0  }
0x22f: {  	[sflag:s18] =	ssyncadd.s32 $0xFFFFC000  }
.LBB2_8:
0x230: {  	s25 =	simm.s32 $0x0  }
0x231: {  	v9 =	vld [tilespmem:s25+$0x4400];
	_ =	sdelay $0x4  }
0x232: {  	vm0 =	vlt.f32 v6, v9  }
0x233: {  	v10 =	vsel vm0, v8, v7  }
0x234: {  	vm1 =	vlt.f32 v10, v9  }
0x235: {  	v10 =	vsel vm0, v1, v0;
	v11 =	vsel vm1, $0x100, v2  }
0x236: {  	v10 =	vor.u32 v10, v11  }
0x237: {  	v11 =	vand.u32 $0x300, v10  }
0x238: {  	v11 =	vor.u32 v3, v11;
	_ =	sdelay $0x4  }
0x239: {  	v11 =	vld.idx.msk [tilespmem:v11+s5+$0x0], $0xffff;
	_ =	sdelay $0x4  }
0x23a: {  	vm0 =	vlt.f32 v11, v9  }
0x23b: {  	v11 =	vsel vm0, $0x80, v2  }
0x23c: {  	v10 =	vor.u32 v11, v10  }
0x23d: {  	v11 =	vand.u32 $0x380, v10  }
0x23e: {  	v12 =	vor.u32 v4, v11;
	_ =	sdelay $0x4  }
0x23f: {  	v12 =	vld.idx.msk [tilespmem:v12+s5+$0x0], $0xffff;
	_ =	sdelay $0x4  }
0x240: {  	vm0 =	vlt.f32 v12, v9  }
0x241: {  	v12 =	vsel vm0, $0x40, v2  }
0x242: {  	v13 =	vor.u32 v11, v12  }
0x243: {  	s26 =	simm.s32 $0x40;
	v13 =	vor.u32 v5, v13  }
0x244: {  	v14 =	vld [tilespmem:s26+$0x4400];
	_ =	sdelay $0x3  }
0x245: {  	v13 =	vld.idx.msk [tilespmem:v13+s5+$0x0], $0xffff  }
0x246: {  	vm0 =	vlt.f32 v6, v14  }
0x247: {  	v15 =	vsel vm0, v8, v7  }
0x248: {  	vm1 =	vlt.f32 v15, v14  }
0x249: {  	v15 =	vsel vm0, v1, v0;
	v16 =	vsel vm1, $0x100, v2  }
0x24a: {  	v15 =	vor.u32 v15, v16;
	vm0 =	vlt.f32 v13, v9  }
0x24b: {  	v13 =	vand.u32 $0x300, v15;
	v16 =	vsel vm0, $0x20, v2  }
0x24c: {  	v13 =	vor.u32 v3, v13;
	v12 =	vor.u32 v12, v16  }
0x24d: {  	v16 =	vor.u32 v11, v12  }
0x24e: {  	v16 =	vor.u32 v0, v16;
	_ =	sdelay $0x2  }
0x24f: {  	v13 =	vld.idx.msk [tilespmem:v13+s5+$0x0], $0xffff;
	_ =	sdelay $0x1  }
0x250: {  	v16 =	vld.idx.msk [tilespmem:v16+s5+$0x0], $0xffff;
	_ =	sdelay $0x2  }
0x251: {  	vm0 =	vlt.f32 v13, v14  }
0x252: {  	v13 =	vsel vm0, $0x80, v2  }
0x253: {  	v15 =	vor.u32 v13, v15;
	vm0 =	vlt.f32 v16, v9  }
0x254: {  	v16 =	vand.u32 $0x380, v15;
	v13 =	vsel vm0, $0x10, v2  }
0x255: {  	v10 =	vor.u32 v13, v10;
	v13 =	vor.u32 v4, v16  }
0x256: {  	v12 =	vor.u32 v12, v10  }
0x257: {  	v10 =	vand.u32 $0x7F, v12  }
0x258: {  	v11 =	vor.u32 v11, v10  }
0x259: {  	v10 =	vld [tilespmem:s25+$0x4410]  }
0x25a: {  	v13 =	vld.idx.msk [tilespmem:v13+s5+$0x0], $0xffff;
	_ =	sdelay $0x2  }
0x25b: {  	v11 =	vld.idx.msk [tilespmem:v11+s5+$0x0], $0xffff;
	_ =	sdelay $0x1  }
0x25c: {  	vm0 =	vlt.f32 v6, v10;
	vm1 =	vlt.f32 v13, v14  }
0x25d: {  	v13 =	vsel vm0, v8, v7;
	v17 =	vsel vm1, $0x40, v2  }
0x25e: {  	v18 =	vsel vm0, v1, v0;
	vm1 =	vlt.f32 v13, v10;
	v13 =	vor.u32 v16, v17  }
0x25f: {  	s28 =	simm.s32 $0x80;
	v19 =	vsel vm1, $0x100, v2;
	vm0 =	vlt.f32 v11, v9;
	v9 =	vor.u32 v5, v13  }
0x260: {  	v12 =	vshrl.u32 v12, $0x4;
	v13 =	vld [tilespmem:s28+$0x4400];
	v11 =	vor.u32 v18, v19;
	v18 =	vsel vm0, $0x1, v2  }
0x261: {  	v19 =	vand.u32 $0x300, v11;
	v12 =	vadd.s32 v18, v12  }
0x262: {  	v18 =	vor.u32 v3, v19;
	v12 =	vcvt.s32.f32 v12;
	_ =	sdelay $0x1  }
0x263: {  	v12 =	vmul.f32 $1.562500000e-02, v12;
	v9 =	vld.idx.msk [tilespmem:v9+s5+$0x0], $0xffff  }
0x264: {  	vm0 =	vlt.f32 v6, v13  }
0x265: {  	[tilespmem:s25+$0xC400] =	vst v12;
	v12 =	vsel vm0, v8, v7  }
0x266: {  	v18 =	vld.idx.msk [tilespmem:v18+s5+$0x0], $0xffff;
	vm1 =	vlt.f32 v12, v13  }
0x267: {  	v12 =	vsel vm0, v1, v0;
	v19 =	vsel vm1, $0x100, v2  }
0x268: {  	v12 =	vor.u32 v12, v19;
	vm0 =	vlt.f32 v9, v14  }
0x269: {  	v9 =	vand.u32 $0x300, v12;
	v19 =	vsel vm0, $0x20, v2  }
0x26a: {  	v9 =	vor.u32 v3, v9;
	v17 =	vor.u32 v17, v19  }
0x26b: {  	v19 =	vor.u32 v16, v17;
	vm0 =	vlt.f32 v18, v10  }
0x26c: {  	v18 =	vor.u32 v0, v19;
	v19 =	vsel vm0, $0x80, v2  }
0x26d: {  	v11 =	vor.u32 v19, v11  }
0x26e: {  	v19 =	vand.u32 $0x380, v11  }
0x26f: {  	v20 =	vor.u32 v4, v19;
	v9 =	vld.idx.msk [tilespmem:v9+s5+$0x0], $0xffff;
	_ =	sdelay $0x1  }
0x270: {  	v18 =	vld.idx.msk [tilespmem:v18+s5+$0x0], $0xffff;
	_ =	sdelay $0x2  }
0x271: {  	v20 =	vld.idx.msk [tilespmem:v20+s5+$0x0], $0xffff;
	vm0 =	vlt.f32 v9, v13  }
0x272: {  	v9 =	vsel vm0, $0x80, v2  }
0x273: {  	vm0 =	vlt.f32 v18, v14;
	v18 =	vor.u32 v9, v12  }
0x274: {  	v9 =	vsel vm0, $0x10, v2;
	v21 =	vand.u32 $0x380, v18  }
0x275: {  	v9 =	vor.u32 v9, v15;
	v15 =	vor.u32 v4, v21  }
0x276: {  	v17 =	vor.u32 v17, v9;
	vm0 =	vlt.f32 v20, v10  }
0x277: {  	v9 =	vand.u32 $0x7F, v17;
	v20 =	vsel vm0, $0x40, v2  }
0x278: {  	v9 =	vor.u32 v16, v9;
	v16 =	vor.u32 v19, v20  }
0x279: {  	v12 =	vld [tilespmem:s26+$0x4410];
	v16 =	vor.u32 v5, v16  }
0x27a: {  	v15 =	vld.idx.msk [tilespmem:v15+s5+$0x0], $0xffff;
	_ =	sdelay $0x2  }
0x27b: {  	v9 =	vld.idx.msk [tilespmem:v9+s5+$0x0], $0xffff  }
0x27c: {  	v16 =	vld.idx.msk [tilespmem:v16+s5+$0x0], $0xffff  }
0x27d: {  	vm0 =	vlt.f32 v6, v12;
	vm1 =	vlt.f32 v15, v13  }
0x27e: {  	v15 =	vsel vm0, v8, v7;
	v22 =	vsel vm1, $0x40, v2  }
0x27f: {  	vm1 =	vlt.f32 v15, v12;
	v15 =	vor.u32 v21, v22  }
0x280: {  	v23 =	vsel vm0, v1, v0;
	v24 =	vsel vm1, $0x100, v2;
	v15 =	vor.u32 v5, v15  }
0x281: {  	s29 =	simm.s32 $0xC0;
	v23 =	vor.u32 v23, v24;
	vm0 =	vlt.f32 v9, v14;
	vm1 =	vlt.f32 v16, v10  }
0x282: {  	v9 =	vld [tilespmem:s29+$0x4400];
	v14 =	vshrl.u32 v17, $0x4;
	v16 =	vsel vm0, $0x1, v2;
	v17 =	vsel vm1, $0x20, v2  }
0x283: {  	v24 =	vand.u32 $0x300, v23;
	v14 =	vadd.s32 v16, v14;
	v16 =	vor.u32 v20, v17  }
0x284: {  	v14 =	vcvt.s32.f32 v14;
	v17 =	vor.u32 v3, v24;
	v20 =	vor.u32 v19, v16  }
0x285: {  	v20 =	vor.u32 v0, v20;
	v15 =	vld.idx.msk [tilespmem:v15+s5+$0x0], $0xffff  }
0x286: {  	v14 =	vmul.f32 $1.562500000e-02, v14  }
0x287: {  	vm0 =	vlt.f32 v6, v9  }
0x288: {  	[tilespmem:s26+$0xC400] =	vst v14;
	v14 =	vsel vm0, v8, v7  }
0x289: {  	v17 =	vld.idx.msk [tilespmem:v17+s5+$0x0], $0xffff;
	vm1 =	vlt.f32 v14, v9  }
0x28a: {  	v24 =	vsel vm1, $0x100, v2;
	v14 =	vld.idx.msk [tilespmem:v20+s5+$0x0], $0xffff;
	v20 =	vsel vm0, v1, v0;
	vm0 =	vlt.f32 v15, v13  }
0x28b: {  	v15 =	vor.u32 v20, v24;
	v20 =	vsel vm0, $0x20, v2  }
0x28c: {  	v24 =	vand.u32 $0x300, v15;
	v20 =	vor.u32 v22, v20  }
0x28d: {  	v22 =	vor.u32 v3, v24;
	v24 =	vor.u32 v21, v20  }
0x28e: {  	v24 =	vor.u32 v0, v24  }
0x28f: {  	vm0 =	vlt.f32 v17, v12;
	vm1 =	vlt.f32 v14, v10  }
0x290: {  	v14 =	vsel vm0, $0x80, v2;
	v17 =	vsel vm1, $0x10, v2  }
0x291: {  	v14 =	vor.u32 v14, v23;
	v11 =	vor.u32 v17, v11  }
0x292: {  	v17 =	vand.u32 $0x380, v14;
	v16 =	vor.u32 v16, v11;
	v22 =	vld.idx.msk [tilespmem:v22+s5+$0x0], $0xffff  }
0x293: {  	v23 =	vor.u32 v4, v17;
	v11 =	vand.u32 $0x7F, v16;
	v24 =	vld.idx.msk [tilespmem:v24+s5+$0x0], $0xffff  }
0x294: {  	v19 =	vor.u32 v19, v11  }
0x295: {  	v11 =	vld [tilespmem:s25+$0x4420];
	_ =	sdelay $0x1  }
0x296: {  	vm0 =	vlt.f32 v22, v9  }
0x297: {  	v22 =	vld.idx.msk [tilespmem:v23+s5+$0x0], $0xffff;
	vm1 =	vlt.f32 v24, v13;
	v23 =	vsel vm0, $0x80, v2  }
0x298: {  	v19 =	vld.idx.msk [tilespmem:v19+s5+$0x0], $0xffff;
	v24 =	vsel vm1, $0x10, v2;
	v15 =	vor.u32 v23, v15  }
0x299: {  	vm0 =	vlt.f32 v6, v11;
	v18 =	vor.u32 v24, v18;
	v23 =	vand.u32 $0x380, v15  }
0x29a: {  	v24 =	vsel vm0, v8, v7;
	v18 =	vor.u32 v20, v18;
	v20 =	vor.u32 v4, v23  }
0x29b: {  	v25 =	vsel vm0, v1, v0;
	vm0 =	vlt.f32 v24, v11;
	v24 =	vand.u32 $0x7F, v18  }
0x29c: {  	v26 =	vsel vm0, $0x100, v2;
	vm0 =	vlt.f32 v22, v12;
	v21 =	vor.u32 v21, v24  }
0x29d: {  	v16 =	vshrl.u32 v16, $0x4;
	v24 =	vsel vm0, $0x40, v2;
	vm0 =	vlt.f32 v19, v10  }
0x29e: {  	v22 =	vor.u32 v25, v26;
	v10 =	vld [tilespmem:s28+$0x4410];
	v19 =	vor.u32 v17, v24;
	v25 =	vsel vm0, $0x1, v2  }
0x29f: {  	v26 =	vand.u32 $0x300, v22;
	v19 =	vor.u32 v5, v19;
	v16 =	vadd.s32 v25, v16;
	v20 =	vld.idx.msk [tilespmem:v20+s5+$0x0], $0xffff  }
0x2a0: {  	v25 =	vor.u32 v3, v26;
	v16 =	vcvt.s32.f32 v16  }
0x2a1: {  	v21 =	vld.idx.msk [tilespmem:v21+s5+$0x0], $0xffff  }
0x2a2: {  	v16 =	vmul.f32 $1.562500000e-02, v16  }
0x2a3: {  	vm0 =	vlt.f32 v6, v10  }
0x2a4: {  	v26 =	vsel vm0, v8, v7;
	v19 =	vld.idx.msk [tilespmem:v19+s5+$0x0], $0xffff;
	[tilespmem:s25+$0xC410] =	vst v16;
	vm1 =	vlt.f32 v20, v9  }
0x2a5: {  	v18 =	vshrl.u32 v18, $0x4;
	vm2 =	vlt.f32 v26, v10;
	v20 =	vld.idx.msk [tilespmem:v25+s5+$0x0], $0xffff;
	v25 =	vsel vm1, $0x40, v2  }
0x2a6: {  	v16 =	vsel vm0, v1, v0;
	vm0 =	vlt.f32 v21, v13;
	v13 =	vor.u32 v23, v25  }
0x2a7: {  	v26 =	vsel vm2, $0x100, v2;
	v21 =	vsel vm0, $0x1, v2;
	v13 =	vor.u32 v5, v13  }
0x2a8: {  	s30 =	simm.s32 $0x100;
	v26 =	vor.u32 v16, v26;
	v18 =	vadd.s32 v21, v18  }
0x2a9: {  	v16 =	vld [tilespmem:s30+$0x4400];
	v21 =	vand.u32 $0x300, v26;
	vm0 =	vlt.f32 v19, v12;
	v18 =	vcvt.s32.f32 v18  }
0x2aa: {  	v19 =	vsel vm0, $0x20, v2;
	v21 =	vor.u32 v3, v21;
	vm0 =	vlt.f32 v20, v11  }
0x2ab: {  	v19 =	vor.u32 v24, v19;
	v20 =	vsel vm0, $0x80, v2  }
0x2ac: {  	v18 =	vmul.f32 $1.562500000e-02, v18;
	v24 =	vor.u32 v17, v19;
	v13 =	vld.idx.msk [tilespmem:v13+s5+$0x0], $0xffff;
	v27 =	vor.u32 v20, v22  }
0x2ad: {  	v20 =	vor.u32 v0, v24;
	v24 =	vand.u32 $0x380, v27  }
0x2ae: {  	vm0 =	vlt.f32 v6, v16;
	[tilespmem:s28+$0xC400] =	vst v18;
	v18 =	vor.u32 v4, v24  }
0x2af: {  	v22 =	vsel vm0, v8, v7;
	v21 =	vld.idx.msk [tilespmem:v21+s5+$0x0], $0xffff  }
0x2b0: {  	vm1 =	vlt.f32 v22, v16  }
0x2b1: {  	v22 =	vsel vm0, v1, v0;
	v28 =	vsel vm1, $0x100, v2;
	vm0 =	vlt.f32 v13, v9  }
0x2b2: {  	v22 =	vor.u32 v22, v28;
	v13 =	vld.idx.msk [tilespmem:v20+s5+$0x0], $0xffff;
	v20 =	vsel vm0, $0x20, v2  }
0x2b3: {  	v28 =	vand.u32 $0x300, v22;
	v25 =	vor.u32 v25, v20;
	v18 =	vld.idx.msk [tilespmem:v18+s5+$0x0], $0xffff  }
0x2b4: {  	v28 =	vor.u32 v3, v28;
	vm0 =	vlt.f32 v21, v10;
	v20 =	vor.u32 v23, v25  }
0x2b5: {  	v21 =	vor.u32 v0, v20;
	v20 =	vsel vm0, $0x80, v2  }
0x2b6: {  	v26 =	vor.u32 v20, v26  }
0x2b7: {  	v20 =	vand.u32 $0x380, v26  }
0x2b8: {  	vm0 =	vlt.f32 v13, v12;
	v13 =	vor.u32 v4, v20;
	vm1 =	vlt.f32 v18, v11  }
0x2b9: {  	v28 =	vld.idx.msk [tilespmem:v28+s5+$0x0], $0xffff;
	v18 =	vsel vm0, $0x10, v2;
	v29 =	vsel vm1, $0x40, v2  }
0x2ba: {  	v14 =	vor.u32 v18, v14;
	v18 =	vld.idx.msk [tilespmem:v21+s5+$0x0], $0xffff;
	v21 =	vor.u32 v24, v29  }
0x2bb: {  	v14 =	vor.u32 v19, v14;
	v19 =	vor.u32 v5, v21  }
0x2bc: {  	v21 =	vand.u32 $0x7F, v14  }
0x2bd: {  	v17 =	vor.u32 v17, v21;
	v21 =	vld.idx.msk [tilespmem:v13+s5+$0x0], $0xffff;
	_ =	sdelay $0x1  }
0x2be: {  	vm0 =	vlt.f32 v28, v16;
	v13 =	vld [tilespmem:s26+$0x4420];
	vm1 =	vlt.f32 v18, v9  }
0x2bf: {  	v18 =	vsel vm0, $0x80, v2;
	v28 =	vsel vm1, $0x10, v2;
	v19 =	vld.idx.msk [tilespmem:v19+s5+$0x0], $0xffff  }
0x2c0: {  	v18 =	vor.u32 v18, v22;
	v22 =	vor.u32 v28, v15  }
0x2c1: {  	v28 =	vld.idx.msk [tilespmem:v17+s5+$0x0], $0xffff;
	v15 =	vand.u32 $0x380, v18;
	v22 =	vor.u32 v25, v22;
	vm0 =	vlt.f32 v21, v10  }
0x2c2: {  	v21 =	vor.u32 v4, v15;
	v17 =	vand.u32 $0x7F, v22;
	v25 =	vsel vm0, $0x40, v2  }
0x2c3: {  	vm0 =	vlt.f32 v6, v13;
	v23 =	vor.u32 v23, v17;
	v30 =	vor.u32 v20, v25  }
0x2c4: {  	v31 =	vsel vm0, v8, v7;
	v30 =	vor.u32 v5, v30;
	vm1 =	vlt.f32 v19, v11  }
0x2c5: {  	v17 =	vld [tilespmem:s29+$0x4410];
	v19 =	vsel vm0, v1, v0;
	vm0 =	vlt.f32 v31, v13;
	v31 =	vsel vm1, $0x20, v2  }
0x2c6: {  	v32 =	vsel vm0, $0x100, v2;
	vm0 =	vlt.f32 v28, v12;
	v12 =	vor.u32 v29, v31  }
0x2c7: {  	v14 =	vshrl.u32 v14, $0x4;
	v28 =	vsel vm0, $0x1, v2;
	v21 =	vld.idx.msk [tilespmem:v21+s5+$0x0], $0xffff;
	v29 =	vor.u32 v24, v12  }
0x2c8: {  	v19 =	vor.u32 v19, v32;
	v14 =	vadd.s32 v28, v14;
	v23 =	vld.idx.msk [tilespmem:v23+s5+$0x0], $0xffff;
	v28 =	vor.u32 v0, v29  }
0x2c9: {  	v29 =	vand.u32 $0x300, v19;
	v14 =	vcvt.s32.f32 v14  }
0x2ca: {  	vm0 =	vlt.f32 v6, v17;
	v30 =	vld.idx.msk [tilespmem:v30+s5+$0x0], $0xffff;
	v29 =	vor.u32 v3, v29  }
0x2cb: {  	v31 =	vsel vm0, v8, v7;
	v14 =	vmul.f32 $1.562500000e-02, v14  }
0x2cc: {  	vm1 =	vlt.f32 v31, v17;
	v31 =	vsel vm0, v1, v0;
	vm0 =	vlt.f32 v21, v16  }
0x2cd: {  	v36 =	vsel vm1, $0x100, v2;
	vm1 =	vlt.f32 v23, v9;
	v23 =	vsel vm0, $0x40, v2;
	v9 =	vld.idx.msk [tilespmem:v28+s5+$0x0], $0xffff  }
0x2ce: {  	v21 =	vor.u32 v31, v36;
	[tilespmem:s26+$0xC410] =	vst v14;
	v14 =	vshrl.u32 v22, $0x4;
	v22 =	vor.u32 v15, v23  }
0x2cf: {  	vm0 =	vlt.f32 v30, v10;
	v28 =	vld.idx.msk [tilespmem:v29+s5+$0x0], $0xffff;
	v29 =	vsel vm1, $0x1, v2;
	v31 =	vor.u32 v5, v22  }
0x2d0: {  	s31 =	simm.s32 $0x140;
	v32 =	vand.u32 $0x300, v21;
	v30 =	vsel vm0, $0x20, v2;
	v14 =	vadd.s32 v29, v14  }
0x2d1: {  	v22 =	vld [tilespmem:s31+$0x4400];
	v29 =	vor.u32 v3, v32;
	v25 =	vor.u32 v25, v30;
	v14 =	vcvt.s32.f32 v14  }
0x2d2: {  	v30 =	vor.u32 v20, v25;
	vm0 =	vlt.f32 v9, v11  }
0x2d3: {  	v30 =	vor.u32 v0, v30;
	v9 =	vld [tilespmem:s25+$0x4430];
	v14 =	vmul.f32 $1.562500000e-02, v14;
	v37 =	vsel vm0, $0x10, v2  }
0x2d4: {  	vm0 =	vlt.f32 v28, v13;
	v28 =	vld.idx.msk [tilespmem:v31+s5+$0x0], $0xffff;
	v27 =	vor.u32 v37, v27  }
0x2d5: {  	v31 =	vsel vm0, $0x80, v2;
	[tilespmem:s29+$0xC400] =	vst v14;
	v12 =	vor.u32 v12, v27  }
0x2d6: {  	vm0 =	vlt.f32 v6, v22;
	v19 =	vor.u32 v31, v19;
	v14 =	vld.idx.msk [tilespmem:v29+s5+$0x0], $0xffff;
	v29 =	vand.u32 $0x7F, v12  }
0x2d7: {  	v31 =	vsel vm0, v8, v7;
	v27 =	vand.u32 $0x380, v19;
	v24 =	vor.u32 v24, v29  }
0x2d8: {  	vm2 =	vlt.f32 v31, v22;
	v31 =	vsel vm0, v1, v0;
	v30 =	vld.idx.msk [tilespmem:v30+s5+$0x0], $0xffff;
	v29 =	vor.u32 v4, v27  }
0x2d9: {  	vm1 =	vlt.f32 v6, v9;
	v38 =	vsel vm2, $0x100, v2;
	vm0 =	vlt.f32 v28, v16  }
0x2da: {  	v31 =	vor.u32 v31, v38;
	v33 =	vsel vm1, v8, v7;
	v39 =	vsel vm0, $0x20, v2  }
0x2db: {  	v28 =	vsel vm1, v1, v0;
	vm0 =	vlt.f32 v14, v17;
	v23 =	vor.u32 v23, v39  }
0x2dc: {  	v34 =	vand.u32 $0x300, v31;
	v14 =	vsel vm0, $0x80, v2;
	v32 =	vor.u32 v15, v23;
	v24 =	vld.idx.msk [tilespmem:v24+s5+$0x0], $0xffff  }
0x2dd: {  	vm1 =	vlt.f32 v30, v10;
	v30 =	vld.idx.msk [tilespmem:v29+s5+$0x0], $0xffff;
	v29 =	vor.u32 v14, v21;
	v32 =	vor.u32 v0, v32  }
0x2de: {  	v34 =	vor.u32 v3, v34;
	v35 =	vsel vm1, $0x10, v2;
	v21 =	vand.u32 $0x380, v29  }
0x2df: {  	vm0 =	vlt.f32 v33, v9;
	v14 =	vor.u32 v35, v26;
	v40 =	vor.u32 v4, v21  }
0x2e0: {  	v26 =	vsel vm0, $0x100, v2;
	v25 =	vor.u32 v25, v14;
	v14 =	vld [tilespmem:s28+$0x4420]  }
0x2e1: {  	v12 =	vshrl.u32 v12, $0x4;
	v28 =	vor.u32 v28, v26  }
0x2e2: {  	v41 =	vand.u32 $0x7F, v25;
	vm0 =	vlt.f32 v24, v11;
	vm1 =	vlt.f32 v30, v13;
	v11 =	vld.idx.msk [tilespmem:v32+s5+$0x0], $0xffff  }
0x2e3: {  	v26 =	vld.idx.msk [tilespmem:v34+s5+$0x0], $0xffff;
	v20 =	vor.u32 v20, v41;
	v24 =	vsel vm0, $0x1, v2;
	v30 =	vsel vm1, $0x40, v2  }
0x2e4: {  	v12 =	vadd.s32 v24, v12;
	v24 =	vand.u32 $0x300, v28;
	v42 =	vor.u32 v27, v30;
	v33 =	vld.idx.msk [tilespmem:v40+s5+$0x0], $0xffff  }
0x2e5: {  	v12 =	vcvt.s32.f32 v12;
	v24 =	vor.u32 v3, v24;
	vm0 =	vlt.f32 v6, v14  }
0x2e6: {  	v32 =	vor.u32 v5, v42;
	v43 =	vsel vm0, v8, v7;
	v44 =	vsel vm0, v1, v0  }
0x2e7: {  	v12 =	vmul.f32 $1.562500000e-02, v12;
	vm0 =	vlt.f32 v43, v14;
	vm1 =	vlt.f32 v11, v16  }
0x2e8: {  	v11 =	vld.idx.msk [tilespmem:v20+s5+$0x0], $0xffff;
	v20 =	vsel vm0, $0x100, v2;
	vm0 =	vlt.f32 v26, v22;
	v26 =	vsel vm1, $0x10, v2  }
0x2e9: {  	[tilespmem:s25+$0xC420] =	vst v12;
	v45 =	vor.u32 v44, v20;
	v12 =	vsel vm0, $0x80, v2;
	vm0 =	vlt.f32 v33, v17  }
0x2ea: {  	v18 =	vor.u32 v26, v18;
	v46 =	vld.idx.msk [tilespmem:v24+s5+$0x0], $0xffff;
	v20 =	vand.u32 $0x300, v45;
	v24 =	vor.u32 v12, v31  }
0x2eb: {  	v12 =	vld.idx.msk [tilespmem:v32+s5+$0x0], $0xffff;
	v47 =	vsel vm0, $0x40, v2;
	v18 =	vor.u32 v23, v18;
	v26 =	vand.u32 $0x380, v24  }
0x2ec: {  	v31 =	vor.u32 v3, v20;
	v20 =	vand.u32 $0x7F, v18;
	v36 =	vor.u32 v4, v26  }
0x2ed: {  	v48 =	vor.u32 v15, v20;
	v15 =	vor.u32 v21, v47  }
0x2ee: {  	v20 =	vld [tilespmem:s30+$0x4410];
	vm0 =	vlt.f32 v11, v10;
	v11 =	vshrl.u32 v25, $0x4;
	v25 =	vor.u32 v5, v15  }
0x2ef: {  	s2 =	simm.s32 $0x180;
	v10 =	vld [tilespmem:s26+$0x4430];
	v23 =	vsel vm0, $0x1, v2;
	vm1 =	vlt.f32 v46, v9  }
0x2f0: {  	vm0 =	vlt.f32 v12, v13;
	v11 =	vadd.s32 v23, v11;
	v23 =	vld [tilespmem:s2+$0x4400];
	v12 =	vsel vm1, $0x80, v2  }
0x2f1: {  	v49 =	vsel vm0, $0x20, v2;
	v12 =	vor.u32 v12, v28;
	v50 =	vld.idx.msk [tilespmem:v36+s5+$0x0], $0xffff  }
0x2f2: {  	v28 =	vcvt.s32.f32 v11;
	v30 =	vor.u32 v30, v49;
	v33 =	vld.idx.msk [tilespmem:v48+s5+$0x0], $0xffff;
	v11 =	vand.u32 $0x380, v12  }
0x2f3: {  	v51 =	vor.u32 v27, v30;
	v37 =	vor.u32 v4, v11;
	v25 =	vld.idx.msk [tilespmem:v25+s5+$0x0], $0xffff  }
0x2f4: {  	vm0 =	vlt.f32 v6, v20;
	v28 =	vmul.f32 $1.562500000e-02, v28;
	v36 =	vor.u32 v0, v51  }
0x2f5: {  	v18 =	vshrl.u32 v18, $0x4;
	v38 =	vsel vm0, v8, v7  }
0x2f6: {  	vm2 =	vlt.f32 v6, v10;
	vm1 =	vlt.f32 v38, v20;
	vm3 =	vlt.f32 v6, v23;
	[tilespmem:s28+$0xC410] =	vst v28  }
0x2f7: {  	v52 =	vsel vm0, v1, v0;
	v39 =	vsel vm1, $0x100, v2;
	v58 =	vsel vm3, v8, v7;
	v28 =	vld.idx.msk [tilespmem:v31+s5+$0x0], $0xffff  }
0x2f8: {  	vm4 =	vlt.f32 v50, v22;
	vm1 =	vlt.f32 v33, v16;
	v16 =	vld.idx.msk [tilespmem:v37+s5+$0x0], $0xffff;
	vm12 =	vlt.f32 v25, v17  }
0x2f9: {  	v38 =	vor.u32 v52, v39;
	v31 =	vsel vm4, $0x40, v2;
	v53 =	vld.idx.msk [tilespmem:v36+s5+$0x0], $0xffff;
	v55 =	vsel vm12, $0x20, v2  }
0x2fa: {  	vm14 =	vlt.f32 v58, v23;
	v54 =	vor.u32 v26, v31;
	v32 =	vor.u32 v47, v55  }
0x2fb: {  	v25 =	vsel vm1, $0x1, v2;
	v35 =	vor.u32 v5, v54;
	v36 =	vor.u32 v21, v32  }
0x2fc: {  	v18 =	vadd.s32 v25, v18;
	v25 =	vand.u32 $0x300, v38;
	v36 =	vor.u32 v0, v36  }
0x2fd: {  	v18 =	vcvt.s32.f32 v18;
	v56 =	vor.u32 v3, v25;
	vm1 =	vlt.f32 v28, v14  }
0x2fe: {  	v28 =	vsel vm1, $0x80, v2;
	vm1 =	vlt.f32 v16, v9;
	vm13 =	vlt.f32 v53, v13  }
0x2ff: {  	v15 =	vld [tilespmem:s29+$0x4420];
	v16 =	vmul.f32 $1.562500000e-02, v18;
	v41 =	vsel vm1, $0x40, v2;
	v33 =	vsel vm13, $0x10, v2  }
0x300: {  	v18 =	vor.u32 v28, v45;
	v35 =	vld.idx.msk [tilespmem:v35+s5+$0x0], $0xffff;
	v57 =	vor.u32 v11, v41;
	v28 =	vor.u32 v33, v19  }
0x301: {  	[tilespmem:s30+$0xC400] =	vst v16;
	v16 =	vor.u32 v5, v57;
	v28 =	vor.u32 v30, v28;
	v61 =	vld.idx.msk [tilespmem:v36+s5+$0x0], $0xffff  }
0x302: {  	v19 =	vand.u32 $0x380, v18;
	v33 =	vsel vm14, $0x100, v2;
	v30 =	vld.idx.msk [tilespmem:v56+s5+$0x0], $0xffff;
	v60 =	vand.u32 $0x7F, v28  }
0x303: {  	v59 =	vor.u32 v4, v19;
	v40 =	vor.u32 v27, v60;
	v27 =	vsel vm3, v1, v0  }
0x304: {  	vm0 =	vlt.f32 v6, v15;
	v42 =	vsel vm2, v1, v0;
	v37 =	vor.u32 v27, v33  }
0x305: {  	v25 =	vld [tilespmem:s31+$0x4410];
	vm3 =	vlt.f32 v35, v22;
	v27 =	vsel vm2, v8, v7;
	v62 =	vand.u32 $0x300, v37  }
0x306: {  	v63 =	vsel vm3, $0x20, v2;
	vm2 =	vlt.f32 v27, v10;
	v16 =	vld.idx.msk [tilespmem:v16+s5+$0x0], $0xffff;
	vm15 =	vlt.f32 v61, v17  }
0x307: {  	v36 =	vor.u32 v31, v63;
	vm3 =	vlt.f32 v30, v20;
	v30 =	vsel vm15, $0x10, v2  }
0x308: {  	v35 =	vor.u32 v3, v62;
	v27 =	vor.u32 v26, v36;
	v29 =	vor.u32 v30, v29;
	v30 =	vld.idx.msk [tilespmem:v59+s5+$0x0], $0xffff  }
0x309: {  	v39 =	vor.u32 v0, v27;
	v27 =	vsel vm3, $0x80, v2;
	v32 =	vor.u32 v32, v29;
	v29 =	vld.idx.msk [tilespmem:v40+s5+$0x0], $0xffff  }
0x30a: {  	vm1 =	vlt.f32 v6, v25;
	v33 =	vsel vm0, v8, v7;
	v27 =	vor.u32 v27, v38  }
0x30b: {  	v31 =	vsel vm2, $0x100, v2;
	v34 =	vand.u32 $0x380, v27;
	vm2 =	vlt.f32 v16, v9  }
0x30c: {  	v38 =	vor.u32 v4, v34;
	v16 =	vand.u32 $0x7F, v32;
	v43 =	vsel vm2, $0x20, v2  }
0x30d: {  	s0 =	simm.s32 $0x700;
	v40 =	vld.idx.msk [tilespmem:v35+s5+$0x0], $0xffff;
	v35 =	vor.u32 v21, v16;
	v21 =	vor.u32 v42, v31;
	v16 =	vor.u32 v41, v43  }
.LBB2_9:
0x30e: {  	p0 =	sne.s32 s0, $0xFF00;
	v39 =	vld.idx.msk [tilespmem:v39+s5+$0x0], $0xffff;
	vm2 =	vlt.f32 v30, v14;
	vm3 =	vlt.f32 v29, v13;
	v42 =	vor.u32 v11, v16  }
0x30f: {  	v28 =	vshrl.u32 v28, $0x4;
	v13 =	vmovc v14;
	v14 =	vmovc v15;
	v29 =	vsel vm3, $0x1, v2;
	v30 =	vor.u32 v0, v42  }
0x310: {  	v31 =	vmovc v34;
	v41 =	vsel vm2, $0x40, v2;
	v15 =	vadd.s32 v29, v28;
	v28 =	vand.u32 $0x300, v21  }
0x311: {  	v34 =	vor.u32 v19, v41;
	v29 =	vld.idx.msk [tilespmem:v38+s5+$0x0], $0xffff;
	v15 =	vcvt.s32.f32 v15;
	v28 =	vor.u32 v3, v28  }
0x312: {  	v38 =	vsel vm0, v1, v0;
	vm0 =	vlt.f32 v33, v14;
	v33 =	vor.u32 v5, v34  }
0x313: {  	v34 =	vsel vm1, v8, v7;
	v42 =	vsel vm0, $0x100, v2;
	v35 =	vld.idx.msk [tilespmem:v35+s5+$0x0], $0xffff;
	v15 =	vmul.f32 $1.562500000e-02, v15  }
0x314: {  	vm0 =	vlt.f32 v40, v23;
	vm2 =	vlt.f32 v39, v22;
	v38 =	vor.u32 v38, v42;
	v30 =	vld.idx.msk [tilespmem:v30+s5+$0x0], $0xffff  }
0x315: {  	v39 =	vsel vm0, $0x80, v2;
	v40 =	vsel vm2, $0x10, v2;
	v42 =	vand.u32 $0x300, v38;
	[tilespmem:s26+$0xC420] =	vst v15  }
0x316: {  	v15 =	vor.u32 v40, v24;
	v24 =	vor.u32 v39, v37;
	v37 =	vor.u32 v3, v42;
	v28 =	vld.idx.msk [tilespmem:v28+s5+$0x0], $0xffff  }
0x317: {  	v39 =	vand.u32 $0x380, v24;
	v36 =	vor.u32 v36, v15;
	vm0 =	vlt.f32 v29, v20;
	v29 =	vld.idx.msk [tilespmem:v33+s5+$0x0], $0xffff  }
0x318: {  	v33 =	vor.u32 v4, v39;
	v15 =	vand.u32 $0x7F, v36;
	v40 =	vsel vm0, $0x40, v2  }
0x319: {  	v42 =	vor.u32 v26, v15;
	v15 =	vor.u32 v31, v40;
	vm0 =	vlt.f32 v35, v17;
	v26 =	vmovc v39  }
0x31a: {  	v32 =	vshrl.u32 v32, $0x4;
	v17 =	vmovc v20;
	v20 =	vmovc v25;
	v35 =	vsel vm0, $0x1, v2;
	vm0 =	vlt.f32 v30, v9  }
0x31b: {  	v25 =	vor.u32 v5, v15;
	v30 =	vadd.s32 v35, v32;
	v35 =	vsel vm0, $0x10, v2;
	v32 =	vld [tilespmem:s28+$0x4430]  }
0x31c: {  	s3 =	sshra.s32 s0, $0x2;
	v30 =	vcvt.s32.f32 v30;
	vm0 =	vlt.f32 v28, v10;
	v12 =	vor.u32 v35, v12;
	v15 =	vld [tilespmem:s30+$0x4420]  }
0x31d: {  	vm2 =	vlt.f32 v29, v13;
	v29 =	vsel vm0, $0x80, v2;
	v16 =	vor.u32 v16, v12;
	v28 =	vld [tilespmem:s3+$0x4400]  }
0x31e: {  	v39 =	vsel vm2, $0x20, v2;
	v12 =	vor.u32 v29, v21;
	v21 =	vand.u32 $0x7F, v16;
	v35 =	vld.idx.msk [tilespmem:v42+s5+$0x0], $0xffff  }
0x31f: {  	v21 =	vor.u32 v11, v21;
	v11 =	vand.u32 $0x380, v12;
	v29 =	vld.idx.msk [tilespmem:v33+s5+$0x0], $0xffff;
	v33 =	vor.u32 v41, v39  }
0x320: {  	v30 =	vmul.f32 $1.562500000e-02, v30;
	v41 =	vor.u32 v4, v11;
	v25 =	vld.idx.msk [tilespmem:v25+s5+$0x0], $0xffff;
	v39 =	vor.u32 v19, v33  }
0x321: {  	vm0 =	vlt.f32 v34, v20;
	v34 =	vor.u32 v0, v39  }
0x322: {  	v42 =	vsel vm0, $0x100, v2;
	v39 =	vsel vm1, v1, v0;
	[tilespmem:s29+$0xC410] =	vst v30  }
0x323: {  	vm2 =	vlt.f32 v6, v32;
	vm0 =	vlt.f32 v6, v15;
	v42 =	vor.u32 v39, v42;
	v30 =	vld.idx.msk [tilespmem:v37+s5+$0x0], $0xffff  }
0x324: {  	vm3 =	vlt.f32 v6, v28;
	vm1 =	vlt.f32 v35, v22;
	v35 =	vand.u32 $0x300, v42;
	v22 =	vmovc v23;
	v21 =	vld.idx.msk [tilespmem:v21+s5+$0x0], $0xffff  }
0x325: {  	v23 =	vmovc v28;
	vm4 =	vlt.f32 v29, v22;
	v29 =	vshrl.u32 v36, $0x4;
	v36 =	vsel vm1, $0x1, v2;
	v37 =	vld.idx.msk [tilespmem:v41+s5+$0x0], $0xffff  }
0x326: {  	v39 =	vsel vm4, $0x40, v2;
	v28 =	vadd.s32 v36, v29;
	vm1 =	vlt.f32 v25, v17;
	v29 =	vld.idx.msk [tilespmem:v34+s5+$0x0], $0xffff  }
0x327: {  	v25 =	vor.u32 v26, v39;
	v28 =	vcvt.s32.f32 v28;
	v34 =	vsel vm1, $0x20, v2  }
0x328: {  	v35 =	vor.u32 v3, v35;
	v36 =	vor.u32 v5, v25;
	v40 =	vor.u32 v40, v34  }
0x329: {  	v28 =	vmul.f32 $1.562500000e-02, v28;
	v25 =	vor.u32 v31, v40;
	vm1 =	vlt.f32 v30, v14  }
0x32a: {  	v30 =	vor.u32 v0, v25;
	v34 =	vsel vm1, $0x80, v2;
	vm1 =	vlt.f32 v21, v9;
	v9 =	vmovc v10;
	v10 =	vmovc v32  }
0x32b: {  	v16 =	vshrl.u32 v16, $0x4;
	vm4 =	vlt.f32 v37, v9;
	v21 =	vsel vm1, $0x1, v2  }
0x32c: {  	vm1 =	vlt.f32 v29, v13;
	v41 =	vsel vm4, $0x40, v2;
	v16 =	vadd.s32 v21, v16;
	v25 =	vld [tilespmem:s2+$0x4410]  }
0x32d: {  	v29 =	vsel vm1, $0x10, v2;
	v32 =	vor.u32 v11, v41;
	v16 =	vcvt.s32.f32 v16;
	v21 =	vld.idx.msk [tilespmem:v36+s5+$0x0], $0xffff  }
0x32e: {  	[tilespmem:s31+$0xC400] =	vst v28;
	v28 =	vor.u32 v29, v18;
	v18 =	vor.u32 v34, v38;
	v29 =	vor.u32 v5, v32  }
0x32f: {  	v16 =	vmul.f32 $1.562500000e-02, v16;
	v32 =	vld.idx.msk [tilespmem:v35+s5+$0x0], $0xffff;
	v34 =	vand.u32 $0x380, v18;
	v28 =	vor.u32 v33, v28  }
0x330: {  	v33 =	vsel vm3, v8, v7;
	v35 =	vld.idx.msk [tilespmem:v30+s5+$0x0], $0xffff;
	v30 =	vor.u32 v4, v34;
	v36 =	vand.u32 $0x7F, v28  }
0x331: {  	vm4 =	vlt.f32 v33, v23;
	vm1 =	vlt.f32 v6, v25;
	v38 =	vor.u32 v19, v36;
	[tilespmem:s25+$0xC430] =	vst v16;
	s25 =	smov.u32 s26;
	s26 =	smov.u32 s28;
	s28 =	smov.u32 s29  }
0x332: {  	v43 =	vsel vm2, v1, v0;
	v16 =	vsel vm3, v1, v0;
	v33 =	vsel vm4, $0x100, v2;
	v19 =	vmovc v34;
	s29 =	smov.u32 s30;
	s30 =	smov.u32 s31;
	s31 =	smov.u32 s2  }
0x333: {  	s2 =	smov.u32 s3;
	v37 =	vor.u32 v16, v33;
	vm3 =	vlt.f32 v21, v22;
	v16 =	vsel vm2, v8, v7;
	v21 =	vld.idx.msk [tilespmem:v29+s5+$0x0], $0xffff  }
0x334: {  	v33 =	vsel vm0, v8, v7;
	v29 =	vand.u32 $0x300, v37;
	v34 =	vsel vm3, $0x20, v2  }
0x335: {  	vm2 =	vlt.f32 v16, v10;
	v44 =	vor.u32 v3, v29;
	v36 =	vor.u32 v39, v34;
	v30 =	vld.idx.msk [tilespmem:v30+s5+$0x0], $0xffff  }
0x336: {  	vm3 =	vlt.f32 v32, v20;
	v16 =	vor.u32 v26, v36;
	vm4 =	vlt.f32 v35, v17;
	v29 =	vld.idx.msk [tilespmem:v38+s5+$0x0], $0xffff  }
.Ltmp6:
0x337: {  	v39 =	vor.u32 v0, v16;
	v16 =	vsel vm3, $0x80, v2;
	v32 =	vsel vm4, $0x10, v2;
	(pc) =	sbr.rel @p0 .LBB2_9-.Ltmp6, $4  }
0x338: {  	v32 =	vor.u32 v32, v27;
	v27 =	vor.u32 v16, v42;
	v16 =	vsel vm2, $0x100, v2  }
0x339: {  	v34 =	vand.u32 $0x380, v27;
	v32 =	vor.u32 v40, v32;
	vm2 =	vlt.f32 v21, v9  }
0x33a: {  	v38 =	vor.u32 v4, v34;
	v21 =	vand.u32 $0x7F, v32;
	v42 =	vsel vm2, $0x20, v2  }
0x33b: {  	s0 =	sadd.s32 $0x100, s0;
	v35 =	vor.u32 v31, v21;
	v21 =	vor.u32 v43, v16;
	v16 =	vor.u32 v41, v42;
	v40 =	vld.idx.msk [tilespmem:v44+s5+$0x0], $0xffff  }
0x33c: {  	_ =	sdelay $0x3  }
0x33d: {  	vm2 =	vlt.f32 v40, v23  }
0x33e: {  	v31 =	vsel vm2, $0x80, v2  }
0x33f: {  	v31 =	vor.u32 v31, v37  }
0x340: {  	v37 =	vand.u32 $0x380, v31  }
0x341: {  	v61 =	vor.u32 v4, v37;
	_ =	sdelay $0x4  }
0x342: {  	v40 =	vld.idx.msk [tilespmem:v61+s5+$0x0], $0xffff;
	_ =	sdelay $0x4  }
0x343: {  	vm4 =	vlt.f32 v40, v23  }
0x344: {  	v40 =	vsel vm4, $0x40, v2  }
0x345: {  	v41 =	vor.u32 v37, v40  }
0x346: {  	v41 =	vor.u32 v5, v41;
	_ =	sdelay $0x4  }
0x347: {  	v41 =	vld.idx.msk [tilespmem:v41+s5+$0x0], $0xffff;
	_ =	sdelay $0x4  }
0x348: {  	vm5 =	vlt.f32 v41, v23  }
0x349: {  	v41 =	vsel vm5, $0x20, v2  }
0x34a: {  	v40 =	vor.u32 v40, v41  }
0x34b: {  	v41 =	vor.u32 v37, v40  }
0x34c: {  	v39 =	vld.idx.msk [tilespmem:v39+s5+$0x0], $0xffff;
	v41 =	vor.u32 v0, v41;
	_ =	sdelay $0x4  }
0x34d: {  	vm6 =	vlt.f32 v39, v22;
	v41 =	vld.idx.msk [tilespmem:v41+s5+$0x0], $0xffff  }
0x34e: {  	v39 =	vsel vm6, $0x10, v2  }
0x34f: {  	v24 =	vor.u32 v39, v24  }
0x350: {  	v36 =	vor.u32 v36, v24  }
0x351: {  	v24 =	vand.u32 $0x7F, v36  }
0x352: {  	v24 =	vor.u32 v26, v24;
	vm7 =	vlt.f32 v41, v23  }
0x353: {  	v62 =	vsel vm7, $0x10, v2  }
0x354: {  	v26 =	vor.u32 v62, v31  }
0x355: {  	v26 =	vor.u32 v40, v26  }
0x356: {  	v44 =	vand.u32 $0x7F, v26  }
0x357: {  	v63 =	vld.idx.msk [tilespmem:v24+s5+$0x0], $0xffff;
	v37 =	vor.u32 v37, v44;
	_ =	sdelay $0x1  }
0x358: {  	v24 =	vld [tilespmem:s2+$0x4410]  }
0x359: {  	v45 =	vsel vm1, v8, v7  }
0x35a: {  	vm8 =	vlt.f32 v45, v25  }
0x35b: {  	v46 =	vsel vm1, v1, v0;
	v47 =	vsel vm8, $0x100, v2;
	vm9 =	vlt.f32 v63, v22;
	v37 =	vld.idx.msk [tilespmem:v37+s5+$0x0], $0xffff  }
0x35c: {  	v48 =	vor.u32 v46, v47;
	v49 =	vshrl.u32 v36, $0x4;
	v50 =	vsel vm9, $0x1, v2  }
0x35d: {  	v39 =	vand.u32 $0x300, v48;
	vm10 =	vlt.f32 v6, v24;
	v31 =	vadd.s32 v50, v49  }
0x35e: {  	v51 =	vor.u32 v3, v39;
	v52 =	vsel vm10, v8, v7;
	v31 =	vcvt.s32.f32 v31  }
0x35f: {  	v53 =	vsel vm10, v1, v0;
	vm11 =	vlt.f32 v52, v24  }
0x360: {  	v54 =	vsel vm11, $0x100, v2;
	v31 =	vmul.f32 $1.562500000e-02, v31;
	vm12 =	vlt.f32 v37, v23  }
0x361: {  	v55 =	vor.u32 v53, v54;
	v26 =	vshrl.u32 v26, $0x4;
	v56 =	vsel vm12, $0x1, v2  }
0x362: {  	v57 =	vand.u32 $0x300, v55;
	[tilespmem:s31+$0xC400] =	vst v31;
	v26 =	vadd.s32 v56, v26  }
0x363: {  	v58 =	vor.u32 v3, v57;
	v36 =	vld.idx.msk [tilespmem:v51+s5+$0x0], $0xffff;
	v26 =	vcvt.s32.f32 v26;
	_ =	sdelay $0x1  }
0x364: {  	v26 =	vmul.f32 $1.562500000e-02, v26;
	_ =	sdelay $0x1  }
0x365: {  	v60 =	vld.idx.msk [tilespmem:v38+s5+$0x0], $0xffff;
	[tilespmem:s2+$0xC400] =	vst v26  }
0x366: {  	vm13 =	vlt.f32 v36, v25;
	v31 =	vld.idx.msk [tilespmem:v58+s5+$0x0], $0xffff  }
0x367: {  	v59 =	vsel vm13, $0x80, v2  }
0x368: {  	v22 =	vor.u32 v59, v48  }
0x369: {  	v26 =	vand.u32 $0x380, v22  }
0x36a: {  	vm15 =	vlt.f32 v60, v20;
	v61 =	vor.u32 v4, v26  }
0x36b: {  	v63 =	vsel vm15, $0x40, v2;
	vm14 =	vlt.f32 v31, v24  }
0x36c: {  	v43 =	vor.u32 v34, v63;
	v31 =	vsel vm14, $0x80, v2  }
0x36d: {  	v39 =	vor.u32 v5, v43;
	v31 =	vor.u32 v31, v55  }
0x36e: {  	v36 =	vand.u32 $0x380, v31  }
0x36f: {  	v62 =	vld.idx.msk [tilespmem:v61+s5+$0x0], $0xffff;
	v42 =	vor.u32 v4, v36;
	_ =	sdelay $0x2  }
0x370: {  	v39 =	vld.idx.msk [tilespmem:v39+s5+$0x0], $0xffff;
	_ =	sdelay $0x1  }
0x371: {  	vm4 =	vlt.f32 v62, v25;
	v38 =	vld.idx.msk [tilespmem:v42+s5+$0x0], $0xffff  }
0x372: {  	v23 =	vsel vm4, $0x40, v2  }
0x373: {  	v44 =	vor.u32 v26, v23  }
0x374: {  	vm6 =	vlt.f32 v39, v20;
	v40 =	vor.u32 v5, v44  }
0x375: {  	v47 =	vsel vm6, $0x20, v2  }
0x376: {  	v37 =	vor.u32 v63, v47;
	vm5 =	vlt.f32 v38, v24  }
0x377: {  	v41 =	vor.u32 v34, v37;
	v38 =	vsel vm5, $0x40, v2  }
0x378: {  	v41 =	vor.u32 v0, v41;
	v46 =	vor.u32 v36, v38  }
0x379: {  	v45 =	vld.idx.msk [tilespmem:v40+s5+$0x0], $0xffff;
	v40 =	vor.u32 v5, v46;
	_ =	sdelay $0x3  }
0x37a: {  	v41 =	vld.idx.msk [tilespmem:v41+s5+$0x0], $0xffff  }
0x37b: {  	vm7 =	vlt.f32 v45, v25;
	v40 =	vld.idx.msk [tilespmem:v40+s5+$0x0], $0xffff  }
0x37c: {  	v39 =	vsel vm7, $0x20, v2  }
0x37d: {  	v39 =	vor.u32 v23, v39  }
0x37e: {  	v49 =	vor.u32 v26, v39  }
0x37f: {  	v48 =	vld.idx.msk [tilespmem:v35+s5+$0x0], $0xffff;
	v35 =	vor.u32 v0, v49  }
0x380: {  	vm11 =	vlt.f32 v41, v20;
	vm9 =	vlt.f32 v40, v24  }
0x381: {  	v57 =	vsel vm11, $0x10, v2;
	v42 =	vsel vm9, $0x20, v2  }
0x382: {  	v27 =	vor.u32 v57, v27;
	v52 =	vor.u32 v38, v42  }
0x383: {  	v27 =	vor.u32 v37, v27;
	v55 =	vor.u32 v36, v52  }
0x384: {  	v37 =	vand.u32 $0x7F, v27;
	v54 =	vld.idx.msk [tilespmem:v35+s5+$0x0], $0xffff;
	v35 =	vor.u32 v0, v55  }
0x385: {  	v61 =	vor.u32 v34, v37  }
0x386: {  	vm10 =	vlt.f32 v48, v17  }
0x387: {  	vm8 =	vlt.f32 v33, v15;
	v53 =	vshrl.u32 v32, $0x4;
	v56 =	vsel vm10, $0x1, v2  }
0x388: {  	v50 =	vsel vm0, v1, v0;
	v51 =	vsel vm8, $0x100, v2;
	v23 =	vadd.s32 v56, v53  }
0x389: {  	v33 =	vor.u32 v50, v51;
	v23 =	vcvt.s32.f32 v23;
	v35 =	vld.idx.msk [tilespmem:v35+s5+$0x0], $0xffff  }
0x38a: {  	v58 =	vand.u32 $0x300, v33;
	v34 =	vld.idx.msk [tilespmem:v61+s5+$0x0], $0xffff;
	vm12 =	vlt.f32 v54, v25  }
0x38b: {  	v59 =	vor.u32 v3, v58;
	v60 =	vmul.f32 $1.562500000e-02, v23;
	v23 =	vld [tilespmem:s30+$0x4420];
	v32 =	vsel vm12, $0x10, v2  }
0x38c: {  	v22 =	vor.u32 v32, v22  }
0x38d: {  	v63 =	vor.u32 v39, v22  }
0x38e: {  	v22 =	vand.u32 $0x7F, v63;
	vm13 =	vlt.f32 v35, v24  }
0x38f: {  	vm5 =	vlt.f32 v34, v20;
	v20 =	vld [tilespmem:s2+$0x4420];
	[tilespmem:s29+$0xC410] =	vst v60;
	v26 =	vor.u32 v26, v22;
	v39 =	vsel vm13, $0x10, v2  }
0x390: {  	v27 =	vshrl.u32 v27, $0x4;
	v62 =	vld.idx.msk [tilespmem:v59+s5+$0x0], $0xffff;
	vm14 =	vlt.f32 v6, v23;
	v31 =	vor.u32 v39, v31  }
0x391: {  	v44 =	vsel vm5, $0x1, v2;
	v40 =	vsel vm14, v8, v7;
	v22 =	vld [tilespmem:s31+$0x4420];
	v31 =	vor.u32 v52, v31  }
0x392: {  	v47 =	vadd.s32 v44, v27;
	vm4 =	vlt.f32 v40, v23;
	v43 =	vand.u32 $0x7F, v31  }
0x393: {  	v41 =	vsel vm14, v1, v0;
	v42 =	vsel vm4, $0x100, v2;
	v45 =	vor.u32 v36, v43  }
0x394: {  	v49 =	vcvt.s32.f32 v47;
	vm9 =	vlt.f32 v6, v20;
	v35 =	vor.u32 v41, v42;
	v26 =	vld.idx.msk [tilespmem:v26+s5+$0x0], $0xffff  }
0x395: {  	v56 =	vsel vm9, v8, v7;
	v57 =	vsel vm9, v1, v0;
	v48 =	vand.u32 $0x300, v35  }
0x396: {  	vm15 =	vlt.f32 v62, v15;
	vm6 =	vlt.f32 v6, v22;
	v32 =	vor.u32 v3, v48  }
0x397: {  	vm10 =	vlt.f32 v56, v20;
	v46 =	vsel vm15, $0x80, v2;
	v50 =	vsel vm6, v8, v7  }
0x398: {  	v27 =	vor.u32 v46, v33;
	v33 =	vmul.f32 $1.562500000e-02, v49;
	vm8 =	vlt.f32 v50, v22;
	v34 =	vld.idx.msk [tilespmem:v45+s5+$0x0], $0xffff  }
0x399: {  	v52 =	vsel vm6, v1, v0;
	v53 =	vsel vm8, $0x100, v2;
	vm7 =	vlt.f32 v26, v25  }
0x39a: {  	[tilespmem:s30+$0xC410] =	vst v33;
	v51 =	vshrl.u32 v63, $0x4;
	v54 =	vor.u32 v52, v53;
	v26 =	vsel vm7, $0x1, v2  }
0x39b: {  	v58 =	vsel vm10, $0x100, v2;
	v36 =	vand.u32 $0x300, v54;
	v32 =	vld.idx.msk [tilespmem:v32+s5+$0x0], $0xffff;
	v25 =	vadd.s32 v26, v51  }
0x39c: {  	v17 =	vand.u32 $0x380, v27;
	v36 =	vor.u32 v3, v36;
	v25 =	vcvt.s32.f32 v25  }
0x39d: {  	v59 =	vor.u32 v57, v58;
	v55 =	vor.u32 v4, v17;
	vm11 =	vlt.f32 v34, v24  }
0x39e: {  	v31 =	vshrl.u32 v31, $0x4;
	v25 =	vmul.f32 $1.562500000e-02, v25;
	v34 =	vsel vm11, $0x1, v2  }
0x39f: {  	vm12 =	vlt.f32 v30, v14;
	v60 =	vand.u32 $0x300, v59;
	v31 =	vadd.s32 v34, v31  }
0x3a0: {  	v61 =	vor.u32 v3, v60;
	vm13 =	vlt.f32 v32, v23;
	[tilespmem:s31+$0xC410] =	vst v25;
	v62 =	vcvt.s32.f32 v31  }
0x3a1: {  	v63 =	vsel vm12, $0x40, v2;
	v32 =	vsel vm13, $0x80, v2;
	v42 =	vld.idx.msk [tilespmem:v36+s5+$0x0], $0xffff  }
0x3a2: {  	v43 =	vor.u32 v19, v63;
	v32 =	vor.u32 v32, v35;
	v30 =	vmul.f32 $1.562500000e-02, v62  }
0x3a3: {  	v33 =	vld.idx.msk [tilespmem:v55+s5+$0x0], $0xffff;
	v44 =	vor.u32 v5, v43;
	v36 =	vand.u32 $0x380, v32  }
0x3a4: {  	v45 =	vor.u32 v4, v36;
	[tilespmem:s2+$0xC410] =	vst v30  }
0x3a5: {  	v25 =	vld.idx.msk [tilespmem:v61+s5+$0x0], $0xffff  }
0x3a6: {  	vm14 =	vlt.f32 v42, v22  }
0x3a7: {  	v46 =	vsel vm14, $0x80, v2  }
0x3a8: {  	vm15 =	vlt.f32 v33, v15;
	v47 =	vld.idx.msk [tilespmem:v44+s5+$0x0], $0xffff;
	v26 =	vor.u32 v46, v54  }
0x3a9: {  	v48 =	vsel vm15, $0x40, v2;
	v49 =	vld.idx.msk [tilespmem:v45+s5+$0x0], $0xffff;
	v35 =	vand.u32 $0x380, v26  }
0x3aa: {  	v50 =	vor.u32 v17, v48;
	v51 =	vor.u32 v4, v35;
	vm4 =	vlt.f32 v25, v20  }
0x3ab: {  	v52 =	vor.u32 v5, v50;
	v53 =	vsel vm4, $0x80, v2  }
0x3ac: {  	v24 =	vor.u32 v53, v59  }
0x3ad: {  	v37 =	vand.u32 $0x380, v24  }
0x3ae: {  	vm5 =	vlt.f32 v47, v14;
	vm6 =	vlt.f32 v49, v23;
	v54 =	vor.u32 v4, v37  }
0x3af: {  	v34 =	vsel vm5, $0x20, v2;
	v55 =	vsel vm6, $0x40, v2;
	v38 =	vld.idx.msk [tilespmem:v51+s5+$0x0], $0xffff  }
0x3b0: {  	v31 =	vor.u32 v63, v34;
	v25 =	vld.idx.msk [tilespmem:v52+s5+$0x0], $0xffff;
	v56 =	vor.u32 v36, v55  }
0x3b1: {  	v57 =	vor.u32 v19, v31;
	v34 =	vor.u32 v5, v56  }
0x3b2: {  	v40 =	vor.u32 v0, v57  }
0x3b3: {  	v33 =	vld.idx.msk [tilespmem:v54+s5+$0x0], $0xffff;
	_ =	sdelay $0x1  }
0x3b4: {  	vm7 =	vlt.f32 v38, v22;
	vm8 =	vlt.f32 v25, v15  }
0x3b5: {  	v28 =	vshrl.u32 v28, $0x4;
	v58 =	vsel vm7, $0x40, v2;
	v59 =	vsel vm8, $0x20, v2;
	v34 =	vld.idx.msk [tilespmem:v34+s5+$0x0], $0xffff  }
0x3b6: {  	vm9 =	vlt.f32 v29, v13;
	v61 =	vld.idx.msk [tilespmem:v40+s5+$0x0], $0xffff;
	v60 =	vor.u32 v35, v58;
	v62 =	vor.u32 v48, v59  }
0x3b7: {  	v63 =	vor.u32 v5, v60;
	v38 =	vor.u32 v17, v62;
	vm10 =	vlt.f32 v33, v20  }
0x3b8: {  	v44 =	vsel vm9, $0x1, v2;
	v38 =	vor.u32 v0, v38;
	v45 =	vsel vm10, $0x40, v2  }
0x3b9: {  	v28 =	vadd.s32 v44, v28;
	v46 =	vor.u32 v37, v45  }
0x3ba: {  	v28 =	vcvt.s32.f32 v28;
	vm11 =	vlt.f32 v34, v23;
	v33 =	vor.u32 v5, v46  }
0x3bb: {  	v47 =	vand.u32 $0x300, v21;
	vm12 =	vlt.f32 v61, v14;
	v48 =	vsel vm11, $0x20, v2  }
0x3bc: {  	v49 =	vor.u32 v3, v47;
	v50 =	vsel vm12, $0x10, v2;
	v30 =	vld.idx.msk [tilespmem:v63+s5+$0x0], $0xffff;
	v39 =	vor.u32 v55, v48  }
0x3bd: {  	v51 =	vor.u32 v50, v18;
	v52 =	vld.idx.msk [tilespmem:v38+s5+$0x0], $0xffff;
	v53 =	vor.u32 v36, v39  }
0x3be: {  	v28 =	vmul.f32 $1.562500000e-02, v28;
	v31 =	vor.u32 v31, v51;
	v38 =	vor.u32 v0, v53  }
0x3bf: {  	v13 =	vand.u32 $0x7F, v31;
	v33 =	vld.idx.msk [tilespmem:v33+s5+$0x0], $0xffff  }
0x3c0: {  	[tilespmem:s26+$0xC420] =	vst v28;
	v54 =	vor.u32 v19, v13  }
0x3c1: {  	v28 =	vld.idx.msk [tilespmem:v49+s5+$0x0], $0xffff;
	vm13 =	vlt.f32 v30, v22  }
0x3c2: {  	v13 =	vld [tilespmem:s28+$0x4430];
	v30 =	vsel vm13, $0x20, v2;
	vm14 =	vlt.f32 v52, v15  }
0x3c3: {  	v18 =	vor.u32 v58, v30;
	v55 =	vsel vm14, $0x10, v2;
	v56 =	vld.idx.msk [tilespmem:v38+s5+$0x0], $0xffff  }
0x3c4: {  	v57 =	vor.u32 v35, v18;
	v25 =	vor.u32 v55, v27;
	vm15 =	vlt.f32 v33, v20  }
0x3c5: {  	v19 =	vld.idx.msk [tilespmem:v54+s5+$0x0], $0xffff;
	v58 =	vor.u32 v0, v57;
	v25 =	vor.u32 v62, v25;
	v59 =	vsel vm15, $0x20, v2  }
0x3c6: {  	v44 =	vshrl.u32 v31, $0x4;
	v60 =	vand.u32 $0x7F, v25;
	v29 =	vor.u32 v45, v59  }
0x3c7: {  	vm0 =	vlt.f32 v28, v10;
	v28 =	vor.u32 v17, v60;
	v61 =	vor.u32 v37, v29  }
0x3c8: {  	vm4 =	vlt.f32 v6, v13;
	vm5 =	vlt.f32 v56, v23;
	v63 =	vor.u32 v0, v61  }
0x3c9: {  	v40 =	vsel vm4, v1, v0;
	v62 =	vsel vm4, v8, v7;
	v17 =	vld [tilespmem:s29+$0x4430];
	v41 =	vsel vm5, $0x10, v2  }
0x3ca: {  	vm7 =	vlt.f32 v19, v14;
	vm6 =	vlt.f32 v62, v13;
	v27 =	vld.idx.msk [tilespmem:v58+s5+$0x0], $0xffff;
	v43 =	vor.u32 v41, v32  }
0x3cb: {  	v42 =	vsel vm6, $0x100, v2;
	v56 =	vshrl.u32 v25, $0x4;
	v32 =	vor.u32 v39, v43  }
0x3cc: {  	v33 =	vor.u32 v40, v42;
	v45 =	vsel vm7, $0x1, v2;
	v47 =	vld.idx.msk [tilespmem:v28+s5+$0x0], $0xffff;
	v48 =	vand.u32 $0x7F, v32  }
0x3cd: {  	v49 =	vand.u32 $0x300, v33;
	v46 =	vadd.s32 v45, v44;
	v28 =	vor.u32 v36, v48;
	v30 =	vld.idx.msk [tilespmem:v63+s5+$0x0], $0xffff  }
0x3ce: {  	v31 =	vor.u32 v3, v49;
	vm8 =	vlt.f32 v6, v17;
	v14 =	vcvt.s32.f32 v46  }
0x3cf: {  	v51 =	vsel vm8, v8, v7;
	v53 =	vsel vm8, v1, v0;
	vm9 =	vlt.f32 v27, v22  }
0x3d0: {  	vm10 =	vlt.f32 v51, v17;
	v50 =	vmul.f32 $1.562500000e-02, v14;
	v52 =	vsel vm9, $0x10, v2;
	v14 =	vld [tilespmem:s30+$0x4430]  }
0x3d1: {  	v54 =	vsel vm10, $0x100, v2;
	v26 =	vor.u32 v52, v26;
	vm11 =	vlt.f32 v47, v15  }
0x3d2: {  	v55 =	vor.u32 v18, v26;
	v57 =	vld.idx.msk [tilespmem:v28+s5+$0x0], $0xffff;
	v59 =	vsel vm11, $0x1, v2;
	vm12 =	vlt.f32 v30, v20  }
0x3d3: {  	v18 =	vld [tilespmem:s2+$0x4430];
	v58 =	vand.u32 $0x7F, v55;
	v15 =	vadd.s32 v59, v56;
	v60 =	vsel vm12, $0x10, v2  }
0x3d4: {  	v19 =	vshrl.u32 v55, $0x4;
	v25 =	vor.u32 v35, v58;
	v24 =	vor.u32 v60, v24  }
0x3d5: {  	v62 =	vcvt.s32.f32 v15;
	v15 =	vld [tilespmem:s31+$0x4430];
	vm13 =	vlt.f32 v6, v14;
	v24 =	vor.u32 v29, v24  }
0x3d6: {  	v63 =	vsel vm13, v8, v7;
	v39 =	vsel vm13, v1, v0;
	v29 =	vand.u32 $0x7F, v24  }
0x3d7: {  	v28 =	vmul.f32 $1.562500000e-02, v62;
	vm14 =	vlt.f32 v57, v23;
	v36 =	vor.u32 v37, v29  }
0x3d8: {  	vm3 =	vlt.f32 v63, v14;
	vm6 =	vlt.f32 v6, v18;
	v30 =	vor.u32 v53, v54  }
0x3d9: {  	v38 =	vsel vm14, $0x1, v2;
	v34 =	vsel vm3, $0x100, v2;
	v44 =	vsel vm6, v8, v7  }
0x3da: {  	v47 =	vsel vm6, v1, v0;
	v61 =	vand.u32 $0x300, v30;
	vm15 =	vlt.f32 v6, v15  }
0x3db: {  	v25 =	vld.idx.msk [tilespmem:v25+s5+$0x0], $0xffff;
	vm7 =	vlt.f32 v44, v18;
	v26 =	vor.u32 v3, v61;
	v40 =	vsel vm15, v8, v7  }
0x3dc: {  	v41 =	vsel vm15, v1, v0;
	v48 =	vsel vm7, $0x100, v2;
	vm4 =	vlt.f32 v40, v15;
	v23 =	vld.idx.msk [tilespmem:v36+s5+$0x0], $0xffff  }
0x3dd: {  	[tilespmem:s28+$0xC420] =	vst v50;
	v49 =	vor.u32 v47, v48;
	v42 =	vsel vm4, $0x100, v2;
	v50 =	vshrl.u32 v24, $0x4  }
0x3de: {  	v52 =	vand.u32 $0x300, v49;
	v37 =	vshrl.u32 v32, $0x4;
	v32 =	vor.u32 v39, v34  }
0x3df: {  	v43 =	vor.u32 v41, v42;
	v29 =	vadd.s32 v38, v37;
	v34 =	vand.u32 $0x300, v32  }
0x3e0: {  	vm5 =	vlt.f32 v25, v22;
	v29 =	vcvt.s32.f32 v29;
	v34 =	vor.u32 v3, v34  }
0x3e1: {  	v45 =	vand.u32 $0x300, v43;
	v22 =	vsel vm5, $0x1, v2;
	vm8 =	vlt.f32 v23, v20  }
0x3e2: {  	v46 =	vld.idx.msk [tilespmem:v31+s5+$0x0], $0xffff;
	[tilespmem:s29+$0xC420] =	vst v28;
	v19 =	vadd.s32 v22, v19;
	v29 =	vmul.f32 $1.562500000e-02, v29;
	v51 =	vsel vm8, $0x1, v2  }
0x3e3: {  	v26 =	vld.idx.msk [tilespmem:v26+s5+$0x0], $0xffff;
	v27 =	vor.u32 v3, v45;
	v19 =	vcvt.s32.f32 v19;
	v23 =	vadd.s32 v51, v50  }
0x3e4: {  	v24 =	vor.u32 v3, v52;
	[tilespmem:s30+$0xC420] =	vst v29;
	v23 =	vcvt.s32.f32 v23  }
0x3e5: {  	v19 =	vmul.f32 $1.562500000e-02, v19;
	v54 =	vld.idx.msk [tilespmem:v34+s5+$0x0], $0xffff  }
0x3e6: {  	v53 =	vsel vm0, $0x80, v2;
	v55 =	vmul.f32 $1.562500000e-02, v23  }
0x3e7: {  	vm9 =	vlt.f32 v46, v13;
	v21 =	vor.u32 v53, v21;
	[tilespmem:s31+$0xC420] =	vst v19  }
0x3e8: {  	v57 =	vsel vm9, $0x80, v2;
	v29 =	vand.u32 $0x380, v21;
	vm10 =	vlt.f32 v26, v17;
	v58 =	vld.idx.msk [tilespmem:v27+s5+$0x0], $0xffff;
	[tilespmem:s2+$0xC420] =	vst v55  }
0x3e9: {  	v56 =	vor.u32 v4, v29;
	v19 =	vor.u32 v57, v33;
	v59 =	vsel vm10, $0x80, v2;
	v24 =	vld.idx.msk [tilespmem:v24+s5+$0x0], $0xffff  }
0x3ea: {  	v22 =	vand.u32 $0x380, v19;
	v27 =	vor.u32 v59, v30;
	vm11 =	vlt.f32 v54, v14  }
0x3eb: {  	v60 =	vor.u32 v4, v22;
	v28 =	vand.u32 $0x380, v27;
	v61 =	vsel vm11, $0x80, v2  }
0x3ec: {  	v62 =	vor.u32 v4, v28;
	v30 =	vor.u32 v61, v32  }
0x3ed: {  	vm12 =	vlt.f32 v58, v15;
	v32 =	vand.u32 $0x380, v30  }
0x3ee: {  	v23 =	vld.idx.msk [tilespmem:v56+s5+$0x0], $0xffff;
	v40 =	vsel vm12, $0x80, v2;
	v63 =	vor.u32 v4, v32;
	vm13 =	vlt.f32 v24, v18  }
0x3ef: {  	v25 =	vor.u32 v40, v43;
	v42 =	vsel vm13, $0x80, v2  }
0x3f0: {  	v41 =	vld.idx.msk [tilespmem:v60+s5+$0x0], $0xffff;
	v34 =	vand.u32 $0x380, v25;
	v20 =	vor.u32 v42, v49  }
0x3f1: {  	v43 =	vld.idx.msk [tilespmem:v62+s5+$0x0], $0xffff;
	v44 =	vor.u32 v4, v34;
	v35 =	vand.u32 $0x380, v20  }
0x3f2: {  	v45 =	vor.u32 v4, v35  }
0x3f3: {  	vm14 =	vlt.f32 v23, v10;
	v26 =	vld.idx.msk [tilespmem:v63+s5+$0x0], $0xffff  }
0x3f4: {  	v46 =	vsel vm14, $0x40, v2  }
0x3f5: {  	vm15 =	vlt.f32 v41, v13;
	v47 =	vor.u32 v29, v46  }
0x3f6: {  	vm4 =	vlt.f32 v43, v17;
	v48 =	vor.u32 v5, v47;
	v51 =	vld.idx.msk [tilespmem:v44+s5+$0x0], $0xffff;
	v49 =	vsel vm15, $0x40, v2  }
0x3f7: {  	v53 =	vsel vm4, $0x40, v2;
	v50 =	vor.u32 v22, v49;
	v23 =	vld.idx.msk [tilespmem:v45+s5+$0x0], $0xffff  }
0x3f8: {  	v54 =	vor.u32 v28, v53;
	vm5 =	vlt.f32 v26, v14;
	v52 =	vor.u32 v5, v50  }
0x3f9: {  	v55 =	vor.u32 v5, v54;
	v56 =	vsel vm5, $0x40, v2  }
0x3fa: {  	v57 =	vor.u32 v32, v56  }
0x3fb: {  	v24 =	vld.idx.msk [tilespmem:v48+s5+$0x0], $0xffff;
	vm6 =	vlt.f32 v51, v15;
	v40 =	vor.u32 v5, v57  }
0x3fc: {  	v59 =	vsel vm6, $0x40, v2;
	vm7 =	vlt.f32 v23, v18  }
0x3fd: {  	v60 =	vor.u32 v34, v59;
	v58 =	vld.idx.msk [tilespmem:v52+s5+$0x0], $0xffff;
	v61 =	vsel vm7, $0x40, v2  }
0x3fe: {  	v26 =	vld.idx.msk [tilespmem:v55+s5+$0x0], $0xffff;
	v23 =	vor.u32 v5, v60;
	v62 =	vor.u32 v35, v61  }
0x3ff: {  	v63 =	vor.u32 v5, v62  }
0x400: {  	v45 =	vor.u32 v11, v16;
	vm8 =	vlt.f32 v24, v10;
	v40 =	vld.idx.msk [tilespmem:v40+s5+$0x0], $0xffff  }
0x401: {  	v42 =	vor.u32 v0, v45;
	v43 =	vsel vm8, $0x20, v2  }
0x402: {  	v36 =	vor.u32 v46, v43;
	vm9 =	vlt.f32 v58, v13  }
0x403: {  	vm10 =	vlt.f32 v26, v17;
	v46 =	vor.u32 v29, v36;
	v47 =	vsel vm9, $0x20, v2;
	v23 =	vld.idx.msk [tilespmem:v23+s5+$0x0], $0xffff  }
0x404: {  	v31 =	vor.u32 v0, v46;
	v37 =	vor.u32 v49, v47;
	v49 =	vsel vm10, $0x20, v2;
	v24 =	vld.idx.msk [tilespmem:v63+s5+$0x0], $0xffff  }
0x405: {  	vm11 =	vlt.f32 v40, v14;
	v48 =	vor.u32 v22, v37;
	v38 =	vor.u32 v53, v49  }
0x406: {  	v50 =	vld.idx.msk [tilespmem:v42+s5+$0x0], $0xffff;
	v52 =	vsel vm11, $0x20, v2;
	v26 =	vor.u32 v0, v48;
	v51 =	vor.u32 v28, v38  }
0x407: {  	v39 =	vor.u32 v56, v52;
	v42 =	vor.u32 v0, v51  }
0x408: {  	v43 =	vor.u32 v32, v39;
	vm12 =	vlt.f32 v23, v15  }
0x409: {  	v31 =	vld.idx.msk [tilespmem:v31+s5+$0x0], $0xffff;
	v53 =	vor.u32 v0, v43;
	v54 =	vsel vm12, $0x20, v2;
	vm13 =	vlt.f32 v24, v18  }
0x40a: {  	v56 =	vor.u32 v59, v54;
	v57 =	vsel vm13, $0x20, v2  }
0x40b: {  	vm14 =	vlt.f32 v50, v9;
	v55 =	vld.idx.msk [tilespmem:v26+s5+$0x0], $0xffff;
	v58 =	vor.u32 v34, v56;
	v33 =	vor.u32 v61, v57  }
0x40c: {  	v42 =	vld.idx.msk [tilespmem:v42+s5+$0x0], $0xffff;
	v59 =	vsel vm14, $0x10, v2;
	v40 =	vor.u32 v0, v58;
	v60 =	vor.u32 v35, v33  }
0x40d: {  	v12 =	vor.u32 v59, v12;
	v61 =	vor.u32 v0, v60  }
0x40e: {  	vm15 =	vlt.f32 v31, v10;
	v23 =	vld.idx.msk [tilespmem:v53+s5+$0x0], $0xffff;
	v12 =	vor.u32 v16, v12  }
0x40f: {  	v62 =	vsel vm15, $0x10, v2;
	v63 =	vand.u32 $0x7F, v12  }
0x410: {  	v16 =	vor.u32 v62, v21;
	vm4 =	vlt.f32 v55, v13;
	v11 =	vor.u32 v11, v63  }
0x411: {  	v16 =	vor.u32 v36, v16;
	v36 =	vsel vm4, $0x10, v2;
	vm5 =	vlt.f32 v42, v17;
	v43 =	vld.idx.msk [tilespmem:v40+s5+$0x0], $0xffff  }
0x412: {  	v41 =	vand.u32 $0x7F, v16;
	v19 =	vor.u32 v36, v19;
	v44 =	vsel vm5, $0x10, v2;
	v31 =	vld.idx.msk [tilespmem:v61+s5+$0x0], $0xffff  }
0x413: {  	vm6 =	vlt.f32 v23, v14;
	v24 =	vor.u32 v29, v41;
	v19 =	vor.u32 v37, v19  }
0x414: {  	v27 =	vor.u32 v44, v27;
	v47 =	vsel vm6, $0x10, v2;
	v45 =	vand.u32 $0x7F, v19  }
0x415: {  	v46 =	vor.u32 v38, v27;
	v27 =	vor.u32 v47, v30;
	v22 =	vor.u32 v22, v45;
	v11 =	vld.idx.msk [tilespmem:v11+s5+$0x0], $0xffff  }
0x416: {  	v48 =	vand.u32 $0x7F, v46;
	v27 =	vor.u32 v39, v27;
	vm7 =	vlt.f32 v43, v15  }
0x417: {  	v28 =	vor.u32 v28, v48;
	v51 =	vsel vm7, $0x10, v2;
	vm8 =	vlt.f32 v31, v18  }
0x418: {  	v50 =	vand.u32 $0x7F, v27;
	v49 =	vld.idx.msk [tilespmem:v24+s5+$0x0], $0xffff;
	v25 =	vor.u32 v51, v25;
	v52 =	vsel vm8, $0x10, v2  }
0x419: {  	v24 =	vor.u32 v32, v50;
	v25 =	vor.u32 v56, v25;
	v20 =	vor.u32 v52, v20  }
0x41a: {  	v22 =	vld.idx.msk [tilespmem:v22+s5+$0x0], $0xffff;
	vm9 =	vlt.f32 v11, v9;
	v9 =	vand.u32 $0x7F, v25;
	v11 =	vor.u32 v33, v20  }
0x41b: {  	v9 =	vor.u32 v34, v9;
	v20 =	vand.u32 $0x7F, v11  }
0x41c: {  	v12 =	vshrl.u32 v12, $0x4;
	v20 =	vor.u32 v35, v20  }
0x41d: {  	v16 =	vshrl.u32 v16, $0x4;
	v53 =	vsel vm9, $0x1, v2;
	vm10 =	vlt.f32 v49, v10;
	v10 =	vld.idx.msk [tilespmem:v28+s5+$0x0], $0xffff  }
0x41e: {  	v55 =	vshrl.u32 v19, $0x4;
	v24 =	vld.idx.msk [tilespmem:v24+s5+$0x0], $0xffff;
	v12 =	vadd.s32 v53, v12;
	v21 =	vsel vm10, $0x1, v2  }
0x41f: {  	v12 =	vcvt.s32.f32 v12;
	v16 =	vadd.s32 v21, v16;
	vm11 =	vlt.f32 v22, v13  }
0x420: {  	v59 =	vshrl.u32 v27, $0x4;
	v54 =	vcvt.s32.f32 v16;
	v56 =	vsel vm11, $0x1, v2;
	v9 =	vld.idx.msk [tilespmem:v9+s5+$0x0], $0xffff  }
0x421: {  	v12 =	vmul.f32 $1.562500000e-02, v12;
	v16 =	vadd.s32 v56, v55;
	v11 =	vshrl.u32 v11, $0x4;
	v57 =	vld.idx.msk [tilespmem:v20+s5+$0x0], $0xffff  }
0x422: {  	v13 =	vmul.f32 $1.562500000e-02, v54;
	v16 =	vcvt.s32.f32 v16;
	vm12 =	vlt.f32 v10, v17  }
0x423: {  	v10 =	vshrl.u32 v46, $0x4;
	vm13 =	vlt.f32 v24, v14;
	v58 =	vsel vm12, $0x1, v2  }
0x424: {  	v60 =	vsel vm13, $0x1, v2;
	v16 =	vmul.f32 $1.562500000e-02, v16;
	v10 =	vadd.s32 v58, v10  }
0x425: {  	v61 =	vadd.s32 v60, v59;
	v10 =	vcvt.s32.f32 v10;
	vm14 =	vlt.f32 v9, v15  }
0x426: {  	v9 =	vshrl.u32 v25, $0x4;
	v15 =	vsel vm14, $0x1, v2;
	vm15 =	vlt.f32 v57, v18  }
0x427: {  	[tilespmem:s25+$0xC430] =	vst v12;
	v14 =	vcvt.s32.f32 v61;
	v9 =	vadd.s32 v15, v9;
	v62 =	vsel vm15, $0x1, v2  }
0x428: {  	[tilespmem:s26+$0xC430] =	vst v13;
	v10 =	vmul.f32 $1.562500000e-02, v10;
	v9 =	vcvt.s32.f32 v9;
	v11 =	vadd.s32 v62, v11  }
0x429: {  	p0 =	seq.s32 s22, $0xF;
	[tilespmem:s28+$0xC430] =	vst v16;
	v63 =	vmul.f32 $1.562500000e-02, v14;
	v11 =	vcvt.s32.f32 v11  }
.Ltmp7:
0x42a: {  	[tilespmem:s29+$0xC430] =	vst v10;
	v9 =	vmul.f32 $1.562500000e-02, v9;
	(pc) =	sbr.rel @p0 .LBB2_12-.Ltmp7, $4  }
0x42b: {  	[tilespmem:s30+$0xC430] =	vst v63;
	v10 =	vmul.f32 $1.562500000e-02, v11  }
0x42c: {  	s0 =	sadd.s32 s24, s4;
	[tilespmem:s31+$0xC430] =	vst v9  }
0x42d: {  	s0 =	sadd.s32 $0x800, s0;
	[tilespmem:s2+$0xC430] =	vst v10  }
0x42e: {  	[hbm4b:s0+s5] =	stream.linear.scatter [tilespmem:s19], [sflag:$0x4], $0x4000, $0x38;
	[tilespmem:$0x10400] =	vst v63  }
.Ltmp8:
0x42f: {  	(pc) =	sbr.rel .LBB2_2-.Ltmp8, $4  }
0x430: {  	s0 =	sadd.s32 s23, s10  }
0x431: {  	s0 =	sshrl.u32 s0, $0x3  }
0x432: {  	s22 =	sadd.s32 $0x1, s22;
	s0 =	sadd.s32 s1, s0  }
0x433: {  	[tilespmem:s14], [sflag:$0x2] =	stream.linear.gather [hbm4b:s0+s5], $0x4000, $0x38;
	[tilespmem:$0x10400] =	vst v63  }
.LBB2_13:
0x434: {  	_ =	sfence.sel $0x180000  }
0x435: {  	[bflag:$0x0] =	sbarrier.arrive $0xFFFF  }
0x436: {  	_ =	strace $0x90000047  }
0x437: {  	s0 =	stileid.u32;
	[bflag:$0x2] =	sbarrier.arrive $0xFFFF  }
0x438: {  	p0 =	sne.s32 s0, $0x0;
	s0 =	rddreg [dreg:$0x3]  }
0x439: {  	s0 =	sadd.s32 @!p0 $0x100000, s0  }
0x43a: {  	[sflag:s0] =	ssyncadd.tile.s32 @!p0 $0x1;
	_ =	shalt  }
.Lfunc_end2:
_tile_overlayer_lowered:
.L_overlay_start_2:
0x43b: {  	(tag) =	ssettag $0x2  }
0x43c: {  	s0 =	rddreg [dreg:$0x0];
	s2 =	stileid.u32  }
0x43d: {  	s1 =	rddreg [dreg:$0x1];
	p0 =	sne.s32 s2, $0x0  }
0x43e: {  	s3 =	rddreg [dreg:$0x2];
	[bflag:$0x3] =	sbarrier.arrive $0xFFFF;
	s2 =	simm.s32 @!p0 $0x1C05  }
0x43f: {  	[timem:s3], [sflag:s2] =	dma.local @!p0 [hbm:s0], s1  }
0x440: {  	s0 =	simm.s32 @!p0 $0x5  }
0x441: {  	_ =	swait.ge @!p0 [sflag:s0], s1  }
0x442: {  	s1 =	ssub.s32 @!p0 $0x0, s1;
	[sflag:s0] =	ssyncset.done @!p0 $0x0  }
0x443: {  	[sflag:s0] =	ssyncadd.s32 @!p0 s1  }
0x444: {  	[bflag:$0x3] =	sbarrier.arrive $0xFFFF  }
0x445: {  	_ =	shalt  }

</sc_bundles>
